<compile_context>
chip_gen: v7x
topology: tpu7x:2x2x1
jax: 0.10.2.dev20260603
libtpu: 0.0.44.dev20260713+nightly
codegen_flags: <defaults>
</compile_context>

<pallas_src>
import functools

import jax
import jax.numpy as jnp
from jax import lax
from jax.experimental import pallas as pl
from jax.experimental.pallas import tpu as pltpu
from jax.experimental.pallas import tpu_sc as plsc

N = 10000
E = 320000
NC = 2
NS = 16
NW = NC * NS
EPW = E // NW
ROWS_PW = 624
NBUF = 5
K128 = 40
K16 = 125

_sc_mesh = plsc.VectorSubcoreMesh(core_axis_name="c", subcore_axis_name="s",
                                  num_cores=NC, num_subcores=NS)


def _make_prop(D, K, tc_tiling, NBUF=NBUF):
    NCHUNK = EPW // K
    NGROUP = NCHUNK // NBUF
    assert NCHUNK * K == EPW and NGROUP * NBUF == NCHUNK and K <= 128

    @functools.partial(
        pl.kernel,
        out_type=jax.ShapeDtypeStruct((NC, N, D), jnp.float32),
        mesh=_sc_mesh,
        scratch_types=[
            pltpu.VMEM_SHARED((N, D), jnp.float32),
            pltpu.VMEM((NCHUNK, K), jnp.int32),
            pltpu.VMEM((NCHUNK, K), jnp.int32),
            pltpu.VMEM((NBUF, K, D), jnp.float32),
            pltpu.SemaphoreType.DMA((NBUF,)),
            pltpu.SemaphoreType.DMA((NBUF,)),
        ],
        compiler_params=pltpu.CompilerParams(use_tc_tiling_on_sc=tc_tiling),
    )
    def _prop(h_hbm, src_hbm, dst_hbm, out_hbm, acc, sidx, didx, rows,
              gsem, ssem):
        c = lax.axis_index("c")
        s = lax.axis_index("s")
        wid = c * NS + s

        pltpu.sync_copy(src_hbm.at[wid], sidx)
        pltpu.sync_copy(dst_hbm.at[wid], didx)

        r0 = pl.multiple_of(s * ROWS_PW, 8)
        pltpu.sync_copy(h_hbm.at[pl.ds(r0, ROWS_PW)], acc.at[pl.ds(r0, ROWS_PW)])

        @pl.when(s == 0)
        def _init_tail():
            t0 = NS * ROWS_PW
            pltpu.sync_copy(h_hbm.at[pl.ds(t0, N - t0)],
                            acc.at[pl.ds(t0, N - t0)])

        plsc.subcore_barrier()

        for b in range(NBUF):
            pltpu.async_copy(h_hbm.at[sidx.at[b]], rows.at[b], gsem.at[b])

        def _group(g, carry):
            j0 = g * NBUF
            descs = []
            for b in range(NBUF):
                pltpu.make_async_copy(h_hbm.at[sidx.at[b]], rows.at[b],
                                      gsem.at[b]).wait()
                descs.append(pltpu.async_copy(
                    rows.at[b], acc.at[didx.at[j0 + b]], ssem.at[b],
                    add=True))
            for b in range(NBUF):
                descs[b].wait()

                @pl.when(g < NGROUP - 1)
                def _next_gather(b=b):
                    pltpu.async_copy(h_hbm.at[sidx.at[j0 + NBUF + b]],
                                     rows.at[b], gsem.at[b])

            return carry

        lax.fori_loop(0, NGROUP, _group, 0)
        plsc.subcore_barrier()

        pltpu.sync_copy(acc.at[pl.ds(r0, ROWS_PW)],
                        out_hbm.at[c, pl.ds(r0, ROWS_PW)])

        @pl.when(s == 0)
        def _out_tail():
            t0 = NS * ROWS_PW
            pltpu.sync_copy(acc.at[pl.ds(t0, N - t0)],
                            out_hbm.at[c, pl.ds(t0, N - t0)])

    return _prop


_prop128 = _make_prop(128, K128, False)
_prop16 = _make_prop(16, K16, False)


KD = 125
NBUF_D = 8
NCHUNK_D = EPW // KD
NGROUP_D = NCHUNK_D // NBUF_D


@functools.partial(
    pl.kernel,
    out_type=jax.ShapeDtypeStruct((NC, N, 8), jnp.float32),
    mesh=_sc_mesh,
    scratch_types=[
        pltpu.VMEM_SHARED((N, 8), jnp.float32),
        pltpu.VMEM((NCHUNK_D, KD), jnp.int32),
        pltpu.VMEM((ROWS_PW, 8), jnp.float32),
        pltpu.SemaphoreType.DMA((NBUF_D,)),
    ],
    compiler_params=pltpu.CompilerParams(use_tc_tiling_on_sc=False),
)
def _deg_kernel(dst_hbm, ones_hbm, out_hbm, acc, didx, ones_v, ssem):
    c = lax.axis_index("c")
    s = lax.axis_index("s")
    wid = c * NS + s

    pltpu.sync_copy(dst_hbm.at[wid], didx)
    pltpu.sync_copy(ones_hbm, ones_v)

    r0 = pl.multiple_of(s * ROWS_PW, 8)
    pltpu.sync_copy(ones_v, acc.at[pl.ds(r0, ROWS_PW)])

    @pl.when(s == 0)
    def _init_tail():
        t0 = NS * ROWS_PW
        pltpu.sync_copy(ones_v.at[pl.ds(0, N - t0)], acc.at[pl.ds(t0, N - t0)])

    plsc.subcore_barrier()

    src_rows = ones_v.at[pl.ds(0, KD)]

    def _group(g, carry):
        j0 = g * NBUF_D
        descs = []
        for b in range(NBUF_D):
            descs.append(pltpu.async_copy(
                src_rows, acc.at[didx.at[j0 + b]], ssem.at[b], add=True))
        for b in range(NBUF_D):
            descs[b].wait()
        return carry

    lax.fori_loop(0, NGROUP_D, _group, 0)
    plsc.subcore_barrier()

    pltpu.sync_copy(acc.at[pl.ds(r0, ROWS_PW)], out_hbm.at[c, pl.ds(r0, ROWS_PW)])

    @pl.when(s == 0)
    def _out_tail():
        t0 = NS * ROWS_PW
        pltpu.sync_copy(acc.at[pl.ds(t0, N - t0)], out_hbm.at[c, pl.ds(t0, N - t0)])


def _tc1_body(degq_ref, x_ref, w1_ref, h1s_ref, dinv_ref):
    deg = degq_ref[0, :, 0] + degq_ref[1, :, 0] - 1.0
    dinv = lax.rsqrt(deg)
    dinv_ref[...] = dinv
    h1 = jnp.dot(x_ref[...], w1_ref[...], preferred_element_type=jnp.float32)
    h1s_ref[...] = h1 * dinv[:, None]


def _tc2_body(p_ref, h1s_ref, dinv_ref, b1_ref, w2_ref, h2s_ref):
    dinv = dinv_ref[...]
    raw = p_ref[0] + p_ref[1] - h1s_ref[...]
    out1 = raw * dinv[:, None] + b1_ref[...][None, :]
    a = jnp.maximum(out1, 0.0)
    h2 = jnp.dot(a, w2_ref[...], preferred_element_type=jnp.float32)
    h2s_ref[...] = h2 * dinv[:, None]


def _tc3_body(q_ref, h2s_ref, dinv_ref, b2_ref, out_ref):
    raw = q_ref[0] + q_ref[1] - h2s_ref[...]
    out_ref[...] = raw * dinv_ref[...][:, None] + b2_ref[...][None, :]


_tc1 = pl.pallas_call(
    _tc1_body,
    out_shape=(jax.ShapeDtypeStruct((N, 128), jnp.float32),
               jax.ShapeDtypeStruct((N,), jnp.float32)),
)

_tc2 = pl.pallas_call(
    _tc2_body,
    out_shape=jax.ShapeDtypeStruct((N, 16), jnp.float32),
)

_tc3 = pl.pallas_call(
    _tc3_body,
    out_shape=jax.ShapeDtypeStruct((N, 16), jnp.float32),
)


def kernel(x, train_pos_edge_index, W1, b1, W2, b2):
    src = train_pos_edge_index[0].astype(jnp.int32)
    dst = train_pos_edge_index[1].astype(jnp.int32)
    src16 = src.reshape(NW, EPW // K16, K16)
    dst16 = dst.reshape(NW, EPW // K16, K16)
    src128 = src.reshape(NW, EPW // K128, K128)
    dst128 = dst.reshape(NW, EPW // K128, K128)
    ones = jnp.ones((ROWS_PW, 8), jnp.float32)
    degq = _deg_kernel(dst16, ones)
    h1s, dinv = _tc1(degq, x, W1)
    p = _prop128(h1s, src128, dst128)
    h2s = _tc2(p, h1s, dinv, b1, W2)
    q = _prop16(h2s, src16, dst16)
    return _tc3(q, h2s, dinv, b2)

# --- scband reference (transcript-rebuilt; emitter-appended) ---
"""Pipeline reference for scband-gcnencoder-4801773437667 (READ-ONLY COPY).

The authoritative reference and input builder live on the scoring server;
editing this copy changes nothing except your own understanding.
"""

import jax, jax.numpy as jnp
import numpy as np

N_NODES = 10000
N_EDGES = 320000
IN_DIM = 128
HID_DIM = 128
OUT_DIM = 16


def setup_inputs(seed: int = 0) -> dict:
    key = jax.random.key(seed)
    k1, k2, k3, k4, k5, k6 = jax.random.split(key, 6)
    x = jax.random.normal(k1, (N_NODES, IN_DIM), dtype=jnp.float32)
    train_pos_edge_index = jax.random.randint(k2, (2, N_EDGES), 0, N_NODES, dtype=jnp.int64)
    # GCNConv(input_dim, 128) weights (glorot) + zero bias, and GCNConv(128, 16)
    s1 = (6.0 / (IN_DIM + HID_DIM)) ** 0.5
    W1 = jax.random.uniform(k3, (IN_DIM, HID_DIM), minval=-s1, maxval=s1, dtype=jnp.float32)
    b1 = jnp.zeros((HID_DIM,), dtype=jnp.float32)
    s2 = (6.0 / (HID_DIM + OUT_DIM)) ** 0.5
    W2 = jax.random.uniform(k4, (HID_DIM, OUT_DIM), minval=-s2, maxval=s2, dtype=jnp.float32)
    b2 = jnp.zeros((OUT_DIM,), dtype=jnp.float32)
    return {"x": x, "train_pos_edge_index": train_pos_edge_index, "W1": W1, "b1": b1, "W2": W2, "b2": b2}


def _gcn_conv(x, src, dst, W, b, num_nodes):
    # linear transform first (PyG GCNConv: x = self.lin(x))
    h = x @ W
    # symmetric normalization deg^{-1/2} A_hat deg^{-1/2} with self-loops
    deg = jnp.zeros((num_nodes,), dtype=h.dtype).at[dst].add(1.0)
    deg_inv_sqrt = jnp.where(deg > 0, deg ** -0.5, 0.0)
    norm = deg_inv_sqrt[src] * deg_inv_sqrt[dst]
    msg = h[src] * norm[:, None]
    out = jnp.zeros((num_nodes, h.shape[1]), dtype=h.dtype).at[dst].add(msg)
    return out + b


def reference(x, train_pos_edge_index, W1, b1, W2, b2):
    num_nodes = x.shape[0]
    loop = jnp.arange(num_nodes, dtype=train_pos_edge_index.dtype)
    src = jnp.concatenate([train_pos_edge_index[0], loop])
    dst = jnp.concatenate([train_pos_edge_index[1], loop])
    h = _gcn_conv(x, src, dst, W1, b1, num_nodes)
    h = jax.nn.relu(h)
    out = _gcn_conv(h, src, dst, W2, b2, num_nodes)
    return out

if __name__ == "__main__":
    import jax
    _d = setup_inputs()
    print(jax.jit(kernel)(*tuple(_d.values())))

</pallas_src>

<mosaic_0001>
#map = affine_map<(d0, d1) -> (0, 0, 0)>
#map1 = affine_map<(d0, d1) -> (0, 0)>
module attributes {stable_mosaic.version = 14 : i64} {
  func.func @_deg_kernel(%arg0: i32, %arg1: i32, %arg2: memref<32x80x125xi32, #tpu.memory_space<hbm>>, %arg3: memref<624x8xf32, #tpu.memory_space<hbm>>, %arg4: memref<2x10000x8xf32, #tpu.memory_space<hbm>>, %arg5: memref<10000x8xf32, #tpu.memory_space<vmem_shared>>, %arg6: memref<80x125xi32, #tpu.memory_space<vmem>>, %arg7: memref<624x8xf32, #tpu.memory_space<vmem>>, %arg8: memref<8x!tpu.dma_semaphore, #tpu.memory_space<semaphore_mem>>) attributes {dimension_semantics = [#tpu.dimension_semantics<core_parallel>, #tpu.dimension_semantics<subcore_parallel>], iteration_bounds = array<i64: 2, 16>, scalar_prefetch = 0 : i64, scratch_operands = 4 : i64, tpu.core_type = #tpu.core_type<sc_vector_subcore>, window_params = [{transform_indices = #map}, {transform_indices = #map1}, {transform_indices = #map}]} {
    %mul3A = arith.constant 16 : i32
    %mul3A_0 = arith.muli %arg0, %mul3A : i32
    %add3A = arith.addi %mul3A_0, %arg1 : i32
    "tpu.region"() ({
      %run_scoped3A = tpu.sem_alloc : memref<!tpu.dma_semaphore, #tpu.memory_space<semaphore_mem>>
      %dma_start3A = arith.constant 0 : i32
      %dma_start3A_16 = arith.constant 0 : i32
      %dma_start3A_17 = tpu.memref_slice %arg2[%add3A, %dma_start3A, %dma_start3A_16] : memref<32x80x125xi32, #tpu.memory_space<hbm>> -> memref<1x80x125xi32, #tpu.memory_space<hbm>>
      %dma_start3A_18 = tpu.memref_squeeze %dma_start3A_17 : memref<1x80x125xi32, #tpu.memory_space<hbm>> -> memref<80x125xi32, #tpu.memory_space<hbm>>
      %dma_start3A_19 = arith.constant 0 : i32
      %dma_start3A_20 = arith.constant 0 : i32
      %dma_start3A_21 = tpu.memref_slice %arg2[%add3A, %dma_start3A_19, %dma_start3A_20] : memref<32x80x125xi32, #tpu.memory_space<hbm>> -> memref<1x80x125xi32, #tpu.memory_space<hbm>>
      %dma_start3A_22 = tpu.memref_squeeze %dma_start3A_21 : memref<1x80x125xi32, #tpu.memory_space<hbm>> -> memref<80x125xi32, #tpu.memory_space<hbm>>
      tpu.enqueue_dma source(%dma_start3A_22 : memref<80x125xi32, #tpu.memory_space<hbm>>) target(%arg6 : memref<80x125xi32, #tpu.memory_space<vmem>>) target_semaphore(%run_scoped3A : memref<!tpu.dma_semaphore, #tpu.memory_space<semaphore_mem>>)
      %dma_wait3A = arith.constant 0 : i32
      %dma_wait3A_23 = arith.constant 0 : i32
      %dma_wait3A_24 = tpu.memref_slice %arg2[%add3A, %dma_wait3A, %dma_wait3A_23] : memref<32x80x125xi32, #tpu.memory_space<hbm>> -> memref<1x80x125xi32, #tpu.memory_space<hbm>>
      %dma_wait3A_25 = tpu.memref_squeeze %dma_wait3A_24 : memref<1x80x125xi32, #tpu.memory_space<hbm>> -> memref<80x125xi32, #tpu.memory_space<hbm>>
      %dma_wait3A_26 = arith.constant 0 : i32
      %dma_wait3A_27 = arith.constant 0 : i32
      %dma_wait3A_28 = tpu.memref_slice %arg2[%add3A, %dma_wait3A_26, %dma_wait3A_27] : memref<32x80x125xi32, #tpu.memory_space<hbm>> -> memref<1x80x125xi32, #tpu.memory_space<hbm>>
      %dma_wait3A_29 = tpu.memref_squeeze %dma_wait3A_28 : memref<1x80x125xi32, #tpu.memory_space<hbm>> -> memref<80x125xi32, #tpu.memory_space<hbm>>
      tpu.wait_dma2 semaphore(%run_scoped3A : memref<!tpu.dma_semaphore, #tpu.memory_space<semaphore_mem>>) src(%dma_wait3A_29 : memref<80x125xi32, #tpu.memory_space<hbm>>) dst(%arg6 : memref<80x125xi32, #tpu.memory_space<vmem>>)
      tpu.yield
    }) : () -> ()
    "tpu.region"() ({
      %run_scoped3A = tpu.sem_alloc : memref<!tpu.dma_semaphore, #tpu.memory_space<semaphore_mem>>
      tpu.enqueue_dma source(%arg3 : memref<624x8xf32, #tpu.memory_space<hbm>>) target(%arg7 : memref<624x8xf32, #tpu.memory_space<vmem>>) target_semaphore(%run_scoped3A : memref<!tpu.dma_semaphore, #tpu.memory_space<semaphore_mem>>)
      tpu.wait_dma2 semaphore(%run_scoped3A : memref<!tpu.dma_semaphore, #tpu.memory_space<semaphore_mem>>) src(%arg3 : memref<624x8xf32, #tpu.memory_space<hbm>>) dst(%arg7 : memref<624x8xf32, #tpu.memory_space<vmem>>)
      tpu.yield
    }) : () -> ()
    %mul3A_1 = arith.constant 624 : i32
    %mul3A_2 = arith.muli %arg1, %mul3A_1 : i32
    %multiple_of3A = tpu.assume_multiple %mul3A_2, 8 : i32
    "tpu.region"() ({
      %run_scoped3A = tpu.sem_alloc : memref<!tpu.dma_semaphore, #tpu.memory_space<semaphore_mem>>
      %dma_start3A = arith.constant 0 : i32
      %dma_start3A_16 = tpu.memref_slice %arg5[%multiple_of3A, %dma_start3A] : memref<10000x8xf32, #tpu.memory_space<vmem_shared>> -> memref<624x8xf32, #tpu.memory_space<vmem_shared>>
      %dma_start3A_17 = arith.constant 0 : i32
      %dma_start3A_18 = tpu.memref_slice %arg5[%multiple_of3A, %dma_start3A_17] : memref<10000x8xf32, #tpu.memory_space<vmem_shared>> -> memref<624x8xf32, #tpu.memory_space<vmem_shared>>
      tpu.enqueue_dma source(%arg7 : memref<624x8xf32, #tpu.memory_space<vmem>>) target(%dma_start3A_18 : memref<624x8xf32, #tpu.memory_space<vmem_shared>>) target_semaphore(%run_scoped3A : memref<!tpu.dma_semaphore, #tpu.memory_space<semaphore_mem>>)
      %dma_wait3A = arith.constant 0 : i32
      %dma_wait3A_19 = tpu.memref_slice %arg5[%multiple_of3A, %dma_wait3A] : memref<10000x8xf32, #tpu.memory_space<vmem_shared>> -> memref<624x8xf32, #tpu.memory_space<vmem_shared>>
      %dma_wait3A_20 = arith.constant 0 : i32
      %dma_wait3A_21 = tpu.memref_slice %arg5[%multiple_of3A, %dma_wait3A_20] : memref<10000x8xf32, #tpu.memory_space<vmem_shared>> -> memref<624x8xf32, #tpu.memory_space<vmem_shared>>
      tpu.wait_dma2 semaphore(%run_scoped3A : memref<!tpu.dma_semaphore, #tpu.memory_space<semaphore_mem>>) src(%arg7 : memref<624x8xf32, #tpu.memory_space<vmem>>) dst(%dma_wait3A_21 : memref<624x8xf32, #tpu.memory_space<vmem_shared>>)
      tpu.yield
    }) : () -> ()
    %eq3A = arith.constant 0 : i32
    %eq3A_3 = arith.cmpi eq, %arg1, %eq3A : i32
    %convert_element_type3A = arith.extui %eq3A_3 : i1 to i32
    %cond3A = arith.constant 0 : i32
    %cond3A_4 = arith.cmpi ne, %convert_element_type3A, %cond3A : i32
    scf.if %cond3A_4 {
      "tpu.region"() ({
        %run_scoped3A = tpu.sem_alloc : memref<!tpu.dma_semaphore, #tpu.memory_space<semaphore_mem>>
        %dma_start3A = arith.constant 0 : i32
        %dma_start3A_16 = arith.constant 0 : i32
        %dma_start3A_17 = tpu.memref_slice %arg7[%dma_start3A, %dma_start3A_16] : memref<624x8xf32, #tpu.memory_space<vmem>> -> memref<16x8xf32, #tpu.memory_space<vmem>>
        %dma_start3A_18 = arith.constant 9984 : i32
        %dma_start3A_19 = arith.constant 0 : i32
        %dma_start3A_20 = tpu.memref_slice %arg5[%dma_start3A_18, %dma_start3A_19] : memref<10000x8xf32, #tpu.memory_space<vmem_shared>> -> memref<16x8xf32, #tpu.memory_space<vmem_shared>>
        %dma_start3A_21 = arith.constant 9984 : i32
        %dma_start3A_22 = arith.constant 0 : i32
        %dma_start3A_23 = tpu.memref_slice %arg5[%dma_start3A_21, %dma_start3A_22] : memref<10000x8xf32, #tpu.memory_space<vmem_shared>> -> memref<16x8xf32, #tpu.memory_space<vmem_shared>>
        %dma_start3A_24 = arith.constant 0 : i32
        %dma_start3A_25 = arith.constant 0 : i32
        %dma_start3A_26 = tpu.memref_slice %arg7[%dma_start3A_24, %dma_start3A_25] : memref<624x8xf32, #tpu.memory_space<vmem>> -> memref<16x8xf32, #tpu.memory_space<vmem>>
        tpu.enqueue_dma source(%dma_start3A_26 : memref<16x8xf32, #tpu.memory_space<vmem>>) target(%dma_start3A_23 : memref<16x8xf32, #tpu.memory_space<vmem_shared>>) target_semaphore(%run_scoped3A : memref<!tpu.dma_semaphore, #tpu.memory_space<semaphore_mem>>)
        %dma_wait3A = arith.constant 0 : i32
        %dma_wait3A_27 = arith.constant 0 : i32
        %dma_wait3A_28 = tpu.memref_slice %arg7[%dma_wait3A, %dma_wait3A_27] : memref<624x8xf32, #tpu.memory_space<vmem>> -> memref<16x8xf32, #tpu.memory_space<vmem>>
        %dma_wait3A_29 = arith.constant 9984 : i32
        %dma_wait3A_30 = arith.constant 0 : i32
        %dma_wait3A_31 = tpu.memref_slice %arg5[%dma_wait3A_29, %dma_wait3A_30] : memref<10000x8xf32, #tpu.memory_space<vmem_shared>> -> memref<16x8xf32, #tpu.memory_space<vmem_shared>>
        %dma_wait3A_32 = arith.constant 9984 : i32
        %dma_wait3A_33 = arith.constant 0 : i32
        %dma_wait3A_34 = tpu.memref_slice %arg5[%dma_wait3A_32, %dma_wait3A_33] : memref<10000x8xf32, #tpu.memory_space<vmem_shared>> -> memref<16x8xf32, #tpu.memory_space<vmem_shared>>
        %dma_wait3A_35 = arith.constant 0 : i32
        %dma_wait3A_36 = arith.constant 0 : i32
        %dma_wait3A_37 = tpu.memref_slice %arg7[%dma_wait3A_35, %dma_wait3A_36] : memref<624x8xf32, #tpu.memory_space<vmem>> -> memref<16x8xf32, #tpu.memory_space<vmem>>
        tpu.wait_dma2 semaphore(%run_scoped3A : memref<!tpu.dma_semaphore, #tpu.memory_space<semaphore_mem>>) src(%dma_wait3A_37 : memref<16x8xf32, #tpu.memory_space<vmem>>) dst(%dma_wait3A_34 : memref<16x8xf32, #tpu.memory_space<vmem_shared>>)
        tpu.yield
      }) : () -> ()
    } else {
    }
    %barrier3A = arith.constant 0 : index
    tpu.barrier barrier_id(%barrier3A)
    %scan3A = arith.constant 0 : i32
    %scan3A_5 = arith.constant 0 : i32
    %scan3A_6 = arith.constant 10 : i32
    %scan3A_7 = arith.addi %scan3A_5, %scan3A_6 : i32
    %scan3A_8 = arith.constant 1 : i32
    scf.for %scan3A_16 = %scan3A_5 to %scan3A_7 step %scan3A_8  : i32 {
      %mul3A_17 = arith.constant 8 : i32
      %mul3A_18 = arith.muli %scan3A_16, %mul3A_17 : i32
      %add3A_19 = arith.constant 0 : i32
      %add3A_20 = arith.addi %mul3A_18, %add3A_19 : i32
      %dma_start3A = arith.constant 0 : i32
      %dma_start3A_21 = arith.constant 0 : i32
      %dma_start3A_22 = arith.constant 0 : i32
      %dma_start3A_23 = tpu.memref_slice %arg7[%dma_start3A_21, %dma_start3A_22] : memref<624x8xf32, #tpu.memory_space<vmem>> -> memref<125x8xf32, #tpu.memory_space<vmem>>
      %dma_start3A_24 = arith.constant 0 : i32
      %dma_start3A_25 = tpu.memref_slice %arg6[%add3A_20, %dma_start3A_24] : memref<80x125xi32, #tpu.memory_space<vmem>> -> memref<1x125xi32, #tpu.memory_space<vmem>>
      %dma_start3A_26 = tpu.memref_squeeze %dma_start3A_25 : memref<1x125xi32, #tpu.memory_space<vmem>> -> memref<125xi32, #tpu.memory_space<vmem>>
      %dma_start3A_27 = arith.constant 0 : i32
      %dma_start3A_28 = arith.constant 0 : i32
      %dma_start3A_29 = tpu.memref_slice %arg5[%dma_start3A_27, %dma_start3A_28] : memref<10000x8xf32, #tpu.memory_space<vmem_shared>> -> memref<10000x8xf32, #tpu.memory_space<vmem_shared>>
      %dma_start3A_30 = tpu.memref_slice %arg8[%dma_start3A] : memref<8x!tpu.dma_semaphore, #tpu.memory_space<semaphore_mem>> -> memref<1x!tpu.dma_semaphore, #tpu.memory_space<semaphore_mem>>
      %dma_start3A_31 = tpu.memref_squeeze %dma_start3A_30 : memref<1x!tpu.dma_semaphore, #tpu.memory_space<semaphore_mem>> -> memref<!tpu.dma_semaphore, #tpu.memory_space<semaphore_mem>>
      tpu.enqueue_indirect_dma source(%dma_start3A_23 : memref<125x8xf32, #tpu.memory_space<vmem>>) target(%dma_start3A_29 : memref<10000x8xf32, #tpu.memory_space<vmem_shared>>) offsets(%dma_start3A_26 : memref<125xi32, #tpu.memory_space<vmem>>) semaphore(%dma_start3A_31 : memref<!tpu.dma_semaphore, #tpu.memory_space<semaphore_mem>>) {add = true}
      %add3A_32 = arith.constant 1 : i32
      %add3A_33 = arith.addi %mul3A_18, %add3A_32 : i32
      %dma_start3A_34 = arith.constant 1 : i32
      %dma_start3A_35 = arith.constant 0 : i32
      %dma_start3A_36 = arith.constant 0 : i32
      %dma_start3A_37 = tpu.memref_slice %arg7[%dma_start3A_35, %dma_start3A_36] : memref<624x8xf32, #tpu.memory_space<vmem>> -> memref<125x8xf32, #tpu.memory_space<vmem>>
      %dma_start3A_38 = arith.constant 0 : i32
      %dma_start3A_39 = tpu.memref_slice %arg6[%add3A_33, %dma_start3A_38] : memref<80x125xi32, #tpu.memory_space<vmem>> -> memref<1x125xi32, #tpu.memory_space<vmem>>
      %dma_start3A_40 = tpu.memref_squeeze %dma_start3A_39 : memref<1x125xi32, #tpu.memory_space<vmem>> -> memref<125xi32, #tpu.memory_space<vmem>>
      %dma_start3A_41 = arith.constant 0 : i32
      %dma_start3A_42 = arith.constant 0 : i32
      %dma_start3A_43 = tpu.memref_slice %arg5[%dma_start3A_41, %dma_start3A_42] : memref<10000x8xf32, #tpu.memory_space<vmem_shared>> -> memref<10000x8xf32, #tpu.memory_space<vmem_shared>>
      %dma_start3A_44 = tpu.memref_slice %arg8[%dma_start3A_34] : memref<8x!tpu.dma_semaphore, #tpu.memory_space<semaphore_mem>> -> memref<1x!tpu.dma_semaphore, #tpu.memory_space<semaphore_mem>>
      %dma_start3A_45 = tpu.memref_squeeze %dma_start3A_44 : memref<1x!tpu.dma_semaphore, #tpu.memory_space<semaphore_mem>> -> memref<!tpu.dma_semaphore, #tpu.memory_space<semaphore_mem>>
      tpu.enqueue_indirect_dma source(%dma_start3A_37 : memref<125x8xf32, #tpu.memory_space<vmem>>) target(%dma_start3A_43 : memref<10000x8xf32, #tpu.memory_space<vmem_shared>>) offsets(%dma_start3A_40 : memref<125xi32, #tpu.memory_space<vmem>>) semaphore(%dma_start3A_45 : memref<!tpu.dma_semaphore, #tpu.memory_space<semaphore_mem>>) {add = true}
      %add3A_46 = arith.constant 2 : i32
      %add3A_47 = arith.addi %mul3A_18, %add3A_46 : i32
      %dma_start3A_48 = arith.constant 2 : i32
      %dma_start3A_49 = arith.constant 0 : i32
      %dma_start3A_50 = arith.constant 0 : i32
      %dma_start3A_51 = tpu.memref_slice %arg7[%dma_start3A_49, %dma_start3A_50] : memref<624x8xf32, #tpu.memory_space<vmem>> -> memref<125x8xf32, #tpu.memory_space<vmem>>
      %dma_start3A_52 = arith.constant 0 : i32
      %dma_start3A_53 = tpu.memref_slice %arg6[%add3A_47, %dma_start3A_52] : memref<80x125xi32, #tpu.memory_space<vmem>> -> memref<1x125xi32, #tpu.memory_space<vmem>>
      %dma_start3A_54 = tpu.memref_squeeze %dma_start3A_53 : memref<1x125xi32, #tpu.memory_space<vmem>> -> memref<125xi32, #tpu.memory_space<vmem>>
      %dma_start3A_55 = arith.constant 0 : i32
      %dma_start3A_56 = arith.constant 0 : i32
      %dma_start3A_57 = tpu.memref_slice %arg5[%dma_start3A_55, %dma_start3A_56] : memref<10000x8xf32, #tpu.memory_space<vmem_shared>> -> memref<10000x8xf32, #tpu.memory_space<vmem_shared>>
      %dma_start3A_58 = tpu.memref_slice %arg8[%dma_start3A_48] : memref<8x!tpu.dma_semaphore, #tpu.memory_space<semaphore_mem>> -> memref<1x!tpu.dma_semaphore, #tpu.memory_space<semaphore_mem>>
      %dma_start3A_59 = tpu.memref_squeeze %dma_start3A_58 : memref<1x!tpu.dma_semaphore, #tpu.memory_space<semaphore_mem>> -> memref<!tpu.dma_semaphore, #tpu.memory_space<semaphore_mem>>
      tpu.enqueue_indirect_dma source(%dma_start3A_51 : memref<125x8xf32, #tpu.memory_space<vmem>>) target(%dma_start3A_57 : memref<10000x8xf32, #tpu.memory_space<vmem_shared>>) offsets(%dma_start3A_54 : memref<125xi32, #tpu.memory_space<vmem>>) semaphore(%dma_start3A_59 : memref<!tpu.dma_semaphore, #tpu.memory_space<semaphore_mem>>) {add = true}
      %add3A_60 = arith.constant 3 : i32
      %add3A_61 = arith.addi %mul3A_18, %add3A_60 : i32
      %dma_start3A_62 = arith.constant 3 : i32
      %dma_start3A_63 = arith.constant 0 : i32
      %dma_start3A_64 = arith.constant 0 : i32
      %dma_start3A_65 = tpu.memref_slice %arg7[%dma_start3A_63, %dma_start3A_64] : memref<624x8xf32, #tpu.memory_space<vmem>> -> memref<125x8xf32, #tpu.memory_space<vmem>>
      %dma_start3A_66 = arith.constant 0 : i32
      %dma_start3A_67 = tpu.memref_slice %arg6[%add3A_61, %dma_start3A_66] : memref<80x125xi32, #tpu.memory_space<vmem>> -> memref<1x125xi32, #tpu.memory_space<vmem>>
      %dma_start3A_68 = tpu.memref_squeeze %dma_start3A_67 : memref<1x125xi32, #tpu.memory_space<vmem>> -> memref<125xi32, #tpu.memory_space<vmem>>
      %dma_start3A_69 = arith.constant 0 : i32
      %dma_start3A_70 = arith.constant 0 : i32
      %dma_start3A_71 = tpu.memref_slice %arg5[%dma_start3A_69, %dma_start3A_70] : memref<10000x8xf32, #tpu.memory_space<vmem_shared>> -> memref<10000x8xf32, #tpu.memory_space<vmem_shared>>
      %dma_start3A_72 = tpu.memref_slice %arg8[%dma_start3A_62] : memref<8x!tpu.dma_semaphore, #tpu.memory_space<semaphore_mem>> -> memref<1x!tpu.dma_semaphore, #tpu.memory_space<semaphore_mem>>
      %dma_start3A_73 = tpu.memref_squeeze %dma_start3A_72 : memref<1x!tpu.dma_semaphore, #tpu.memory_space<semaphore_mem>> -> memref<!tpu.dma_semaphore, #tpu.memory_space<semaphore_mem>>
      tpu.enqueue_indirect_dma source(%dma_start3A_65 : memref<125x8xf32, #tpu.memory_space<vmem>>) target(%dma_start3A_71 : memref<10000x8xf32, #tpu.memory_space<vmem_shared>>) offsets(%dma_start3A_68 : memref<125xi32, #tpu.memory_space<vmem>>) semaphore(%dma_start3A_73 : memref<!tpu.dma_semaphore, #tpu.memory_space<semaphore_mem>>) {add = true}
      %add3A_74 = arith.constant 4 : i32
      %add3A_75 = arith.addi %mul3A_18, %add3A_74 : i32
      %dma_start3A_76 = arith.constant 4 : i32
      %dma_start3A_77 = arith.constant 0 : i32
      %dma_start3A_78 = arith.constant 0 : i32
      %dma_start3A_79 = tpu.memref_slice %arg7[%dma_start3A_77, %dma_start3A_78] : memref<624x8xf32, #tpu.memory_space<vmem>> -> memref<125x8xf32, #tpu.memory_space<vmem>>
      %dma_start3A_80 = arith.constant 0 : i32
      %dma_start3A_81 = tpu.memref_slice %arg6[%add3A_75, %dma_start3A_80] : memref<80x125xi32, #tpu.memory_space<vmem>> -> memref<1x125xi32, #tpu.memory_space<vmem>>
      %dma_start3A_82 = tpu.memref_squeeze %dma_start3A_81 : memref<1x125xi32, #tpu.memory_space<vmem>> -> memref<125xi32, #tpu.memory_space<vmem>>
      %dma_start3A_83 = arith.constant 0 : i32
      %dma_start3A_84 = arith.constant 0 : i32
      %dma_start3A_85 = tpu.memref_slice %arg5[%dma_start3A_83, %dma_start3A_84] : memref<10000x8xf32, #tpu.memory_space<vmem_shared>> -> memref<10000x8xf32, #tpu.memory_space<vmem_shared>>
      %dma_start3A_86 = tpu.memref_slice %arg8[%dma_start3A_76] : memref<8x!tpu.dma_semaphore, #tpu.memory_space<semaphore_mem>> -> memref<1x!tpu.dma_semaphore, #tpu.memory_space<semaphore_mem>>
      %dma_start3A_87 = tpu.memref_squeeze %dma_start3A_86 : memref<1x!tpu.dma_semaphore, #tpu.memory_space<semaphore_mem>> -> memref<!tpu.dma_semaphore, #tpu.memory_space<semaphore_mem>>
      tpu.enqueue_indirect_dma source(%dma_start3A_79 : memref<125x8xf32, #tpu.memory_space<vmem>>) target(%dma_start3A_85 : memref<10000x8xf32, #tpu.memory_space<vmem_shared>>) offsets(%dma_start3A_82 : memref<125xi32, #tpu.memory_space<vmem>>) semaphore(%dma_start3A_87 : memref<!tpu.dma_semaphore, #tpu.memory_space<semaphore_mem>>) {add = true}
      %add3A_88 = arith.constant 5 : i32
      %add3A_89 = arith.addi %mul3A_18, %add3A_88 : i32
      %dma_start3A_90 = arith.constant 5 : i32
      %dma_start3A_91 = arith.constant 0 : i32
      %dma_start3A_92 = arith.constant 0 : i32
      %dma_start3A_93 = tpu.memref_slice %arg7[%dma_start3A_91, %dma_start3A_92] : memref<624x8xf32, #tpu.memory_space<vmem>> -> memref<125x8xf32, #tpu.memory_space<vmem>>
      %dma_start3A_94 = arith.constant 0 : i32
      %dma_start3A_95 = tpu.memref_slice %arg6[%add3A_89, %dma_start3A_94] : memref<80x125xi32, #tpu.memory_space<vmem>> -> memref<1x125xi32, #tpu.memory_space<vmem>>
      %dma_start3A_96 = tpu.memref_squeeze %dma_start3A_95 : memref<1x125xi32, #tpu.memory_space<vmem>> -> memref<125xi32, #tpu.memory_space<vmem>>
      %dma_start3A_97 = arith.constant 0 : i32
      %dma_start3A_98 = arith.constant 0 : i32
      %dma_start3A_99 = tpu.memref_slice %arg5[%dma_start3A_97, %dma_start3A_98] : memref<10000x8xf32, #tpu.memory_space<vmem_shared>> -> memref<10000x8xf32, #tpu.memory_space<vmem_shared>>
      %dma_start3A_100 = tpu.memref_slice %arg8[%dma_start3A_90] : memref<8x!tpu.dma_semaphore, #tpu.memory_space<semaphore_mem>> -> memref<1x!tpu.dma_semaphore, #tpu.memory_space<semaphore_mem>>
      %dma_start3A_101 = tpu.memref_squeeze %dma_start3A_100 : memref<1x!tpu.dma_semaphore, #tpu.memory_space<semaphore_mem>> -> memref<!tpu.dma_semaphore, #tpu.memory_space<semaphore_mem>>
      tpu.enqueue_indirect_dma source(%dma_start3A_93 : memref<125x8xf32, #tpu.memory_space<vmem>>) target(%dma_start3A_99 : memref<10000x8xf32, #tpu.memory_space<vmem_shared>>) offsets(%dma_start3A_96 : memref<125xi32, #tpu.memory_space<vmem>>) semaphore(%dma_start3A_101 : memref<!tpu.dma_semaphore, #tpu.memory_space<semaphore_mem>>) {add = true}
      %add3A_102 = arith.constant 6 : i32
      %add3A_103 = arith.addi %mul3A_18, %add3A_102 : i32
      %dma_start3A_104 = arith.constant 6 : i32
      %dma_start3A_105 = arith.constant 0 : i32
      %dma_start3A_106 = arith.constant 0 : i32
      %dma_start3A_107 = tpu.memref_slice %arg7[%dma_start3A_105, %dma_start3A_106] : memref<624x8xf32, #tpu.memory_space<vmem>> -> memref<125x8xf32, #tpu.memory_space<vmem>>
      %dma_start3A_108 = arith.constant 0 : i32
      %dma_start3A_109 = tpu.memref_slice %arg6[%add3A_103, %dma_start3A_108] : memref<80x125xi32, #tpu.memory_space<vmem>> -> memref<1x125xi32, #tpu.memory_space<vmem>>
      %dma_start3A_110 = tpu.memref_squeeze %dma_start3A_109 : memref<1x125xi32, #tpu.memory_space<vmem>> -> memref<125xi32, #tpu.memory_space<vmem>>
      %dma_start3A_111 = arith.constant 0 : i32
      %dma_start3A_112 = arith.constant 0 : i32
      %dma_start3A_113 = tpu.memref_slice %arg5[%dma_start3A_111, %dma_start3A_112] : memref<10000x8xf32, #tpu.memory_space<vmem_shared>> -> memref<10000x8xf32, #tpu.memory_space<vmem_shared>>
      %dma_start3A_114 = tpu.memref_slice %arg8[%dma_start3A_104] : memref<8x!tpu.dma_semaphore, #tpu.memory_space<semaphore_mem>> -> memref<1x!tpu.dma_semaphore, #tpu.memory_space<semaphore_mem>>
      %dma_start3A_115 = tpu.memref_squeeze %dma_start3A_114 : memref<1x!tpu.dma_semaphore, #tpu.memory_space<semaphore_mem>> -> memref<!tpu.dma_semaphore, #tpu.memory_space<semaphore_mem>>
      tpu.enqueue_indirect_dma source(%dma_start3A_107 : memref<125x8xf32, #tpu.memory_space<vmem>>) target(%dma_start3A_113 : memref<10000x8xf32, #tpu.memory_space<vmem_shared>>) offsets(%dma_start3A_110 : memref<125xi32, #tpu.memory_space<vmem>>) semaphore(%dma_start3A_115 : memref<!tpu.dma_semaphore, #tpu.memory_space<semaphore_mem>>) {add = true}
      %add3A_116 = arith.constant 7 : i32
      %add3A_117 = arith.addi %mul3A_18, %add3A_116 : i32
      %dma_start3A_118 = arith.constant 7 : i32
      %dma_start3A_119 = arith.constant 0 : i32
      %dma_start3A_120 = arith.constant 0 : i32
      %dma_start3A_121 = tpu.memref_slice %arg7[%dma_start3A_119, %dma_start3A_120] : memref<624x8xf32, #tpu.memory_space<vmem>> -> memref<125x8xf32, #tpu.memory_space<vmem>>
      %dma_start3A_122 = arith.constant 0 : i32
      %dma_start3A_123 = tpu.memref_slice %arg6[%add3A_117, %dma_start3A_122] : memref<80x125xi32, #tpu.memory_space<vmem>> -> memref<1x125xi32, #tpu.memory_space<vmem>>
      %dma_start3A_124 = tpu.memref_squeeze %dma_start3A_123 : memref<1x125xi32, #tpu.memory_space<vmem>> -> memref<125xi32, #tpu.memory_space<vmem>>
      %dma_start3A_125 = arith.constant 0 : i32
      %dma_start3A_126 = arith.constant 0 : i32
      %dma_start3A_127 = tpu.memref_slice %arg5[%dma_start3A_125, %dma_start3A_126] : memref<10000x8xf32, #tpu.memory_space<vmem_shared>> -> memref<10000x8xf32, #tpu.memory_space<vmem_shared>>
      %dma_start3A_128 = tpu.memref_slice %arg8[%dma_start3A_118] : memref<8x!tpu.dma_semaphore, #tpu.memory_space<semaphore_mem>> -> memref<1x!tpu.dma_semaphore, #tpu.memory_space<semaphore_mem>>
      %dma_start3A_129 = tpu.memref_squeeze %dma_start3A_128 : memref<1x!tpu.dma_semaphore, #tpu.memory_space<semaphore_mem>> -> memref<!tpu.dma_semaphore, #tpu.memory_space<semaphore_mem>>
      tpu.enqueue_indirect_dma source(%dma_start3A_121 : memref<125x8xf32, #tpu.memory_space<vmem>>) target(%dma_start3A_127 : memref<10000x8xf32, #tpu.memory_space<vmem_shared>>) offsets(%dma_start3A_124 : memref<125xi32, #tpu.memory_space<vmem>>) semaphore(%dma_start3A_129 : memref<!tpu.dma_semaphore, #tpu.memory_space<semaphore_mem>>) {add = true}
      %dma_wait3A = arith.constant 0 : i32
      %dma_wait3A_130 = arith.constant 0 : i32
      %dma_wait3A_131 = arith.constant 0 : i32
      %dma_wait3A_132 = tpu.memref_slice %arg7[%dma_wait3A_130, %dma_wait3A_131] : memref<624x8xf32, #tpu.memory_space<vmem>> -> memref<125x8xf32, #tpu.memory_space<vmem>>
      %dma_wait3A_133 = arith.constant 0 : i32
      %dma_wait3A_134 = tpu.memref_slice %arg6[%add3A_20, %dma_wait3A_133] : memref<80x125xi32, #tpu.memory_space<vmem>> -> memref<1x125xi32, #tpu.memory_space<vmem>>
      %dma_wait3A_135 = tpu.memref_squeeze %dma_wait3A_134 : memref<1x125xi32, #tpu.memory_space<vmem>> -> memref<125xi32, #tpu.memory_space<vmem>>
      %dma_wait3A_136 = arith.constant 0 : i32
      %dma_wait3A_137 = arith.constant 0 : i32
      %dma_wait3A_138 = tpu.memref_slice %arg5[%dma_wait3A_136, %dma_wait3A_137] : memref<10000x8xf32, #tpu.memory_space<vmem_shared>> -> memref<10000x8xf32, #tpu.memory_space<vmem_shared>>
      %dma_wait3A_139 = tpu.memref_slice %arg8[%dma_wait3A] : memref<8x!tpu.dma_semaphore, #tpu.memory_space<semaphore_mem>> -> memref<1x!tpu.dma_semaphore, #tpu.memory_space<semaphore_mem>>
      %dma_wait3A_140 = tpu.memref_squeeze %dma_wait3A_139 : memref<1x!tpu.dma_semaphore, #tpu.memory_space<semaphore_mem>> -> memref<!tpu.dma_semaphore, #tpu.memory_space<semaphore_mem>>
      tpu.wait_indirect_dma semaphore(%dma_wait3A_140 : memref<!tpu.dma_semaphore, #tpu.memory_space<semaphore_mem>>) src(%dma_wait3A_132 : memref<125x8xf32, #tpu.memory_space<vmem>>) dst(%dma_wait3A_138 : memref<10000x8xf32, #tpu.memory_space<vmem_shared>>)
      %dma_wait3A_141 = arith.constant 1 : i32
      %dma_wait3A_142 = arith.constant 0 : i32
      %dma_wait3A_143 = arith.constant 0 : i32
      %dma_wait3A_144 = tpu.memref_slice %arg7[%dma_wait3A_142, %dma_wait3A_143] : memref<624x8xf32, #tpu.memory_space<vmem>> -> memref<125x8xf32, #tpu.memory_space<vmem>>
      %dma_wait3A_145 = arith.constant 0 : i32
      %dma_wait3A_146 = tpu.memref_slice %arg6[%add3A_33, %dma_wait3A_145] : memref<80x125xi32, #tpu.memory_space<vmem>> -> memref<1x125xi32, #tpu.memory_space<vmem>>
      %dma_wait3A_147 = tpu.memref_squeeze %dma_wait3A_146 : memref<1x125xi32, #tpu.memory_space<vmem>> -> memref<125xi32, #tpu.memory_space<vmem>>
      %dma_wait3A_148 = arith.constant 0 : i32
      %dma_wait3A_149 = arith.constant 0 : i32
      %dma_wait3A_150 = tpu.memref_slice %arg5[%dma_wait3A_148, %dma_wait3A_149] : memref<10000x8xf32, #tpu.memory_space<vmem_shared>> -> memref<10000x8xf32, #tpu.memory_space<vmem_shared>>
      %dma_wait3A_151 = tpu.memref_slice %arg8[%dma_wait3A_141] : memref<8x!tpu.dma_semaphore, #tpu.memory_space<semaphore_mem>> -> memref<1x!tpu.dma_semaphore, #tpu.memory_space<semaphore_mem>>
      %dma_wait3A_152 = tpu.memref_squeeze %dma_wait3A_151 : memref<1x!tpu.dma_semaphore, #tpu.memory_space<semaphore_mem>> -> memref<!tpu.dma_semaphore, #tpu.memory_space<semaphore_mem>>
      tpu.wait_indirect_dma semaphore(%dma_wait3A_152 : memref<!tpu.dma_semaphore, #tpu.memory_space<semaphore_mem>>) src(%dma_wait3A_144 : memref<125x8xf32, #tpu.memory_space<vmem>>) dst(%dma_wait3A_150 : memref<10000x8xf32, #tpu.memory_space<vmem_shared>>)
      %dma_wait3A_153 = arith.constant 2 : i32
      %dma_wait3A_154 = arith.constant 0 : i32
      %dma_wait3A_155 = arith.constant 0 : i32
      %dma_wait3A_156 = tpu.memref_slice %arg7[%dma_wait3A_154, %dma_wait3A_155] : memref<624x8xf32, #tpu.memory_space<vmem>> -> memref<125x8xf32, #tpu.memory_space<vmem>>
      %dma_wait3A_157 = arith.constant 0 : i32
      %dma_wait3A_158 = tpu.memref_slice %arg6[%add3A_47, %dma_wait3A_157] : memref<80x125xi32, #tpu.memory_space<vmem>> -> memref<1x125xi32, #tpu.memory_space<vmem>>
      %dma_wait3A_159 = tpu.memref_squeeze %dma_wait3A_158 : memref<1x125xi32, #tpu.memory_space<vmem>> -> memref<125xi32, #tpu.memory_space<vmem>>
      %dma_wait3A_160 = arith.constant 0 : i32
      %dma_wait3A_161 = arith.constant 0 : i32
      %dma_wait3A_162 = tpu.memref_slice %arg5[%dma_wait3A_160, %dma_wait3A_161] : memref<10000x8xf32, #tpu.memory_space<vmem_shared>> -> memref<10000x8xf32, #tpu.memory_space<vmem_shared>>
      %dma_wait3A_163 = tpu.memref_slice %arg8[%dma_wait3A_153] : memref<8x!tpu.dma_semaphore, #tpu.memory_space<semaphore_mem>> -> memref<1x!tpu.dma_semaphore, #tpu.memory_space<semaphore_mem>>
      %dma_wait3A_164 = tpu.memref_squeeze %dma_wait3A_163 : memref<1x!tpu.dma_semaphore, #tpu.memory_space<semaphore_mem>> -> memref<!tpu.dma_semaphore, #tpu.memory_space<semaphore_mem>>
      tpu.wait_indirect_dma semaphore(%dma_wait3A_164 : memref<!tpu.dma_semaphore, #tpu.memory_space<semaphore_mem>>) src(%dma_wait3A_156 : memref<125x8xf32, #tpu.memory_space<vmem>>) dst(%dma_wait3A_162 : memref<10000x8xf32, #tpu.memory_space<vmem_shared>>)
      %dma_wait3A_165 = arith.constant 3 : i32
      %dma_wait3A_166 = arith.constant 0 : i32
      %dma_wait3A_167 = arith.constant 0 : i32
      %dma_wait3A_168 = tpu.memref_slice %arg7[%dma_wait3A_166, %dma_wait3A_167] : memref<624x8xf32, #tpu.memory_space<vmem>> -> memref<125x8xf32, #tpu.memory_space<vmem>>
      %dma_wait3A_169 = arith.constant 0 : i32
      %dma_wait3A_170 = tpu.memref_slice %arg6[%add3A_61, %dma_wait3A_169] : memref<80x125xi32, #tpu.memory_space<vmem>> -> memref<1x125xi32, #tpu.memory_space<vmem>>
      %dma_wait3A_171 = tpu.memref_squeeze %dma_wait3A_170 : memref<1x125xi32, #tpu.memory_space<vmem>> -> memref<125xi32, #tpu.memory_space<vmem>>
      %dma_wait3A_172 = arith.constant 0 : i32
      %dma_wait3A_173 = arith.constant 0 : i32
      %dma_wait3A_174 = tpu.memref_slice %arg5[%dma_wait3A_172, %dma_wait3A_173] : memref<10000x8xf32, #tpu.memory_space<vmem_shared>> -> memref<10000x8xf32, #tpu.memory_space<vmem_shared>>
      %dma_wait3A_175 = tpu.memref_slice %arg8[%dma_wait3A_165] : memref<8x!tpu.dma_semaphore, #tpu.memory_space<semaphore_mem>> -> memref<1x!tpu.dma_semaphore, #tpu.memory_space<semaphore_mem>>
      %dma_wait3A_176 = tpu.memref_squeeze %dma_wait3A_175 : memref<1x!tpu.dma_semaphore, #tpu.memory_space<semaphore_mem>> -> memref<!tpu.dma_semaphore, #tpu.memory_space<semaphore_mem>>
      tpu.wait_indirect_dma semaphore(%dma_wait3A_176 : memref<!tpu.dma_semaphore, #tpu.memory_space<semaphore_mem>>) src(%dma_wait3A_168 : memref<125x8xf32, #tpu.memory_space<vmem>>) dst(%dma_wait3A_174 : memref<10000x8xf32, #tpu.memory_space<vmem_shared>>)
      %dma_wait3A_177 = arith.constant 4 : i32
      %dma_wait3A_178 = arith.constant 0 : i32
      %dma_wait3A_179 = arith.constant 0 : i32
      %dma_wait3A_180 = tpu.memref_slice %arg7[%dma_wait3A_178, %dma_wait3A_179] : memref<624x8xf32, #tpu.memory_space<vmem>> -> memref<125x8xf32, #tpu.memory_space<vmem>>
      %dma_wait3A_181 = arith.constant 0 : i32
      %dma_wait3A_182 = tpu.memref_slice %arg6[%add3A_75, %dma_wait3A_181] : memref<80x125xi32, #tpu.memory_space<vmem>> -> memref<1x125xi32, #tpu.memory_space<vmem>>
      %dma_wait3A_183 = tpu.memref_squeeze %dma_wait3A_182 : memref<1x125xi32, #tpu.memory_space<vmem>> -> memref<125xi32, #tpu.memory_space<vmem>>
      %dma_wait3A_184 = arith.constant 0 : i32
      %dma_wait3A_185 = arith.constant 0 : i32
      %dma_wait3A_186 = tpu.memref_slice %arg5[%dma_wait3A_184, %dma_wait3A_185] : memref<10000x8xf32, #tpu.memory_space<vmem_shared>> -> memref<10000x8xf32, #tpu.memory_space<vmem_shared>>
      %dma_wait3A_187 = tpu.memref_slice %arg8[%dma_wait3A_177] : memref<8x!tpu.dma_semaphore, #tpu.memory_space<semaphore_mem>> -> memref<1x!tpu.dma_semaphore, #tpu.memory_space<semaphore_mem>>
      %dma_wait3A_188 = tpu.memref_squeeze %dma_wait3A_187 : memref<1x!tpu.dma_semaphore, #tpu.memory_space<semaphore_mem>> -> memref<!tpu.dma_semaphore, #tpu.memory_space<semaphore_mem>>
      tpu.wait_indirect_dma semaphore(%dma_wait3A_188 : memref<!tpu.dma_semaphore, #tpu.memory_space<semaphore_mem>>) src(%dma_wait3A_180 : memref<125x8xf32, #tpu.memory_space<vmem>>) dst(%dma_wait3A_186 : memref<10000x8xf32, #tpu.memory_space<vmem_shared>>)
      %dma_wait3A_189 = arith.constant 5 : i32
      %dma_wait3A_190 = arith.constant 0 : i32
      %dma_wait3A_191 = arith.constant 0 : i32
      %dma_wait3A_192 = tpu.memref_slice %arg7[%dma_wait3A_190, %dma_wait3A_191] : memref<624x8xf32, #tpu.memory_space<vmem>> -> memref<125x8xf32, #tpu.memory_space<vmem>>
      %dma_wait3A_193 = arith.constant 0 : i32
      %dma_wait3A_194 = tpu.memref_slice %arg6[%add3A_89, %dma_wait3A_193] : memref<80x125xi32, #tpu.memory_space<vmem>> -> memref<1x125xi32, #tpu.memory_space<vmem>>
      %dma_wait3A_195 = tpu.memref_squeeze %dma_wait3A_194 : memref<1x125xi32, #tpu.memory_space<vmem>> -> memref<125xi32, #tpu.memory_space<vmem>>
      %dma_wait3A_196 = arith.constant 0 : i32
      %dma_wait3A_197 = arith.constant 0 : i32
      %dma_wait3A_198 = tpu.memref_slice %arg5[%dma_wait3A_196, %dma_wait3A_197] : memref<10000x8xf32, #tpu.memory_space<vmem_shared>> -> memref<10000x8xf32, #tpu.memory_space<vmem_shared>>
      %dma_wait3A_199 = tpu.memref_slice %arg8[%dma_wait3A_189] : memref<8x!tpu.dma_semaphore, #tpu.memory_space<semaphore_mem>> -> memref<1x!tpu.dma_semaphore, #tpu.memory_space<semaphore_mem>>
      %dma_wait3A_200 = tpu.memref_squeeze %dma_wait3A_199 : memref<1x!tpu.dma_semaphore, #tpu.memory_space<semaphore_mem>> -> memref<!tpu.dma_semaphore, #tpu.memory_space<semaphore_mem>>
      tpu.wait_indirect_dma semaphore(%dma_wait3A_200 : memref<!tpu.dma_semaphore, #tpu.memory_space<semaphore_mem>>) src(%dma_wait3A_192 : memref<125x8xf32, #tpu.memory_space<vmem>>) dst(%dma_wait3A_198 : memref<10000x8xf32, #tpu.memory_space<vmem_shared>>)
      %dma_wait3A_201 = arith.constant 6 : i32
      %dma_wait3A_202 = arith.constant 0 : i32
      %dma_wait3A_203 = arith.constant 0 : i32
      %dma_wait3A_204 = tpu.memref_slice %arg7[%dma_wait3A_202, %dma_wait3A_203] : memref<624x8xf32, #tpu.memory_space<vmem>> -> memref<125x8xf32, #tpu.memory_space<vmem>>
      %dma_wait3A_205 = arith.constant 0 : i32
      %dma_wait3A_206 = tpu.memref_slice %arg6[%add3A_103, %dma_wait3A_205] : memref<80x125xi32, #tpu.memory_space<vmem>> -> memref<1x125xi32, #tpu.memory_space<vmem>>
      %dma_wait3A_207 = tpu.memref_squeeze %dma_wait3A_206 : memref<1x125xi32, #tpu.memory_space<vmem>> -> memref<125xi32, #tpu.memory_space<vmem>>
      %dma_wait3A_208 = arith.constant 0 : i32
      %dma_wait3A_209 = arith.constant 0 : i32
      %dma_wait3A_210 = tpu.memref_slice %arg5[%dma_wait3A_208, %dma_wait3A_209] : memref<10000x8xf32, #tpu.memory_space<vmem_shared>> -> memref<10000x8xf32, #tpu.memory_space<vmem_shared>>
      %dma_wait3A_211 = tpu.memref_slice %arg8[%dma_wait3A_201] : memref<8x!tpu.dma_semaphore, #tpu.memory_space<semaphore_mem>> -> memref<1x!tpu.dma_semaphore, #tpu.memory_space<semaphore_mem>>
      %dma_wait3A_212 = tpu.memref_squeeze %dma_wait3A_211 : memref<1x!tpu.dma_semaphore, #tpu.memory_space<semaphore_mem>> -> memref<!tpu.dma_semaphore, #tpu.memory_space<semaphore_mem>>
      tpu.wait_indirect_dma semaphore(%dma_wait3A_212 : memref<!tpu.dma_semaphore, #tpu.memory_space<semaphore_mem>>) src(%dma_wait3A_204 : memref<125x8xf32, #tpu.memory_space<vmem>>) dst(%dma_wait3A_210 : memref<10000x8xf32, #tpu.memory_space<vmem_shared>>)
      %dma_wait3A_213 = arith.constant 7 : i32
      %dma_wait3A_214 = arith.constant 0 : i32
      %dma_wait3A_215 = arith.constant 0 : i32
      %dma_wait3A_216 = tpu.memref_slice %arg7[%dma_wait3A_214, %dma_wait3A_215] : memref<624x8xf32, #tpu.memory_space<vmem>> -> memref<125x8xf32, #tpu.memory_space<vmem>>
      %dma_wait3A_217 = arith.constant 0 : i32
      %dma_wait3A_218 = tpu.memref_slice %arg6[%add3A_117, %dma_wait3A_217] : memref<80x125xi32, #tpu.memory_space<vmem>> -> memref<1x125xi32, #tpu.memory_space<vmem>>
      %dma_wait3A_219 = tpu.memref_squeeze %dma_wait3A_218 : memref<1x125xi32, #tpu.memory_space<vmem>> -> memref<125xi32, #tpu.memory_space<vmem>>
      %dma_wait3A_220 = arith.constant 0 : i32
      %dma_wait3A_221 = arith.constant 0 : i32
      %dma_wait3A_222 = tpu.memref_slice %arg5[%dma_wait3A_220, %dma_wait3A_221] : memref<10000x8xf32, #tpu.memory_space<vmem_shared>> -> memref<10000x8xf32, #tpu.memory_space<vmem_shared>>
      %dma_wait3A_223 = tpu.memref_slice %arg8[%dma_wait3A_213] : memref<8x!tpu.dma_semaphore, #tpu.memory_space<semaphore_mem>> -> memref<1x!tpu.dma_semaphore, #tpu.memory_space<semaphore_mem>>
      %dma_wait3A_224 = tpu.memref_squeeze %dma_wait3A_223 : memref<1x!tpu.dma_semaphore, #tpu.memory_space<semaphore_mem>> -> memref<!tpu.dma_semaphore, #tpu.memory_space<semaphore_mem>>
      tpu.wait_indirect_dma semaphore(%dma_wait3A_224 : memref<!tpu.dma_semaphore, #tpu.memory_space<semaphore_mem>>) src(%dma_wait3A_216 : memref<125x8xf32, #tpu.memory_space<vmem>>) dst(%dma_wait3A_222 : memref<10000x8xf32, #tpu.memory_space<vmem_shared>>)
    }
    %scan3A_9 = arith.constant 10 : i32
    %barrier3A_10 = arith.constant 0 : index
    tpu.barrier barrier_id(%barrier3A_10)
    "tpu.region"() ({
      %run_scoped3A = tpu.sem_alloc : memref<!tpu.dma_semaphore, #tpu.memory_space<semaphore_mem>>
      %dma_start3A = arith.constant 0 : i32
      %dma_start3A_16 = tpu.memref_slice %arg4[%arg0, %multiple_of3A, %dma_start3A] : memref<2x10000x8xf32, #tpu.memory_space<hbm>> -> memref<1x624x8xf32, #tpu.memory_space<hbm>>
      %dma_start3A_17 = tpu.memref_squeeze %dma_start3A_16 : memref<1x624x8xf32, #tpu.memory_space<hbm>> -> memref<624x8xf32, #tpu.memory_space<hbm>>
      %dma_start3A_18 = arith.constant 0 : i32
      %dma_start3A_19 = tpu.memref_slice %arg5[%multiple_of3A, %dma_start3A_18] : memref<10000x8xf32, #tpu.memory_space<vmem_shared>> -> memref<624x8xf32, #tpu.memory_space<vmem_shared>>
      tpu.enqueue_dma source(%dma_start3A_19 : memref<624x8xf32, #tpu.memory_space<vmem_shared>>) target(%dma_start3A_17 : memref<624x8xf32, #tpu.memory_space<hbm>>) target_semaphore(%run_scoped3A : memref<!tpu.dma_semaphore, #tpu.memory_space<semaphore_mem>>)
      %dma_wait3A = arith.constant 0 : i32
      %dma_wait3A_20 = tpu.memref_slice %arg4[%arg0, %multiple_of3A, %dma_wait3A] : memref<2x10000x8xf32, #tpu.memory_space<hbm>> -> memref<1x624x8xf32, #tpu.memory_space<hbm>>
      %dma_wait3A_21 = tpu.memref_squeeze %dma_wait3A_20 : memref<1x624x8xf32, #tpu.memory_space<hbm>> -> memref<624x8xf32, #tpu.memory_space<hbm>>
      %dma_wait3A_22 = arith.constant 0 : i32
      %dma_wait3A_23 = tpu.memref_slice %arg5[%multiple_of3A, %dma_wait3A_22] : memref<10000x8xf32, #tpu.memory_space<vmem_shared>> -> memref<624x8xf32, #tpu.memory_space<vmem_shared>>
      tpu.wait_dma2 semaphore(%run_scoped3A : memref<!tpu.dma_semaphore, #tpu.memory_space<semaphore_mem>>) src(%dma_wait3A_23 : memref<624x8xf32, #tpu.memory_space<vmem_shared>>) dst(%dma_wait3A_21 : memref<624x8xf32, #tpu.memory_space<hbm>>)
      tpu.yield
    }) : () -> ()
    %eq3A_11 = arith.constant 0 : i32
    %eq3A_12 = arith.cmpi eq, %arg1, %eq3A_11 : i32
    %convert_element_type3A_13 = arith.extui %eq3A_12 : i1 to i32
    %cond3A_14 = arith.constant 0 : i32
    %cond3A_15 = arith.cmpi ne, %convert_element_type3A_13, %cond3A_14 : i32
    scf.if %cond3A_15 {
      "tpu.region"() ({
        %run_scoped3A = tpu.sem_alloc : memref<!tpu.dma_semaphore, #tpu.memory_space<semaphore_mem>>
        %dma_start3A = arith.constant 9984 : i32
        %dma_start3A_16 = arith.constant 0 : i32
        %dma_start3A_17 = tpu.memref_slice %arg4[%arg0, %dma_start3A, %dma_start3A_16] : memref<2x10000x8xf32, #tpu.memory_space<hbm>> -> memref<1x16x8xf32, #tpu.memory_space<hbm>>
        %dma_start3A_18 = tpu.memref_squeeze %dma_start3A_17 : memref<1x16x8xf32, #tpu.memory_space<hbm>> -> memref<16x8xf32, #tpu.memory_space<hbm>>
        %dma_start3A_19 = arith.constant 9984 : i32
        %dma_start3A_20 = arith.constant 0 : i32
        %dma_start3A_21 = tpu.memref_slice %arg5[%dma_start3A_19, %dma_start3A_20] : memref<10000x8xf32, #tpu.memory_space<vmem_shared>> -> memref<16x8xf32, #tpu.memory_space<vmem_shared>>
        tpu.enqueue_dma source(%dma_start3A_21 : memref<16x8xf32, #tpu.memory_space<vmem_shared>>) target(%dma_start3A_18 : memref<16x8xf32, #tpu.memory_space<hbm>>) target_semaphore(%run_scoped3A : memref<!tpu.dma_semaphore, #tpu.memory_space<semaphore_mem>>)
        %dma_wait3A = arith.constant 9984 : i32
        %dma_wait3A_22 = arith.constant 0 : i32
        %dma_wait3A_23 = tpu.memref_slice %arg4[%arg0, %dma_wait3A, %dma_wait3A_22] : memref<2x10000x8xf32, #tpu.memory_space<hbm>> -> memref<1x16x8xf32, #tpu.memory_space<hbm>>
        %dma_wait3A_24 = tpu.memref_squeeze %dma_wait3A_23 : memref<1x16x8xf32, #tpu.memory_space<hbm>> -> memref<16x8xf32, #tpu.memory_space<hbm>>
        %dma_wait3A_25 = arith.constant 9984 : i32
        %dma_wait3A_26 = arith.constant 0 : i32
        %dma_wait3A_27 = tpu.memref_slice %arg5[%dma_wait3A_25, %dma_wait3A_26] : memref<10000x8xf32, #tpu.memory_space<vmem_shared>> -> memref<16x8xf32, #tpu.memory_space<vmem_shared>>
        tpu.wait_dma2 semaphore(%run_scoped3A : memref<!tpu.dma_semaphore, #tpu.memory_space<semaphore_mem>>) src(%dma_wait3A_27 : memref<16x8xf32, #tpu.memory_space<vmem_shared>>) dst(%dma_wait3A_24 : memref<16x8xf32, #tpu.memory_space<hbm>>)
        tpu.yield
      }) : () -> ()
    } else {
    }
    return
  }
}

#map = affine_map<(d0, d1) -> (0, 0)>
#map1 = affine_map<(d0, d1) -> (0, 0, 0)>
module attributes {stable_mosaic.version = 14 : i64} {
  func.func @_prop(%arg0: i32, %arg1: i32, %arg2: memref<10000x16xf32, #tpu.memory_space<hbm>>, %arg3: memref<32x80x125xi32, #tpu.memory_space<hbm>>, %arg4: memref<32x80x125xi32, #tpu.memory_space<hbm>>, %arg5: memref<2x10000x16xf32, #tpu.memory_space<hbm>>, %arg6: memref<10000x16xf32, #tpu.memory_space<vmem_shared>>, %arg7: memref<80x125xi32, #tpu.memory_space<vmem>>, %arg8: memref<80x125xi32, #tpu.memory_space<vmem>>, %arg9: memref<5x125x16xf32, #tpu.memory_space<vmem>>, %arg10: memref<5x!tpu.dma_semaphore, #tpu.memory_space<semaphore_mem>>, %arg11: memref<5x!tpu.dma_semaphore, #tpu.memory_space<semaphore_mem>>) attributes {dimension_semantics = [#tpu.dimension_semantics<core_parallel>, #tpu.dimension_semantics<subcore_parallel>], iteration_bounds = array<i64: 2, 16>, scalar_prefetch = 0 : i64, scratch_operands = 6 : i64, tpu.core_type = #tpu.core_type<sc_vector_subcore>, window_params = [{transform_indices = #map}, {transform_indices = #map1}, {transform_indices = #map1}, {transform_indices = #map1}]} {
    %mul3A = arith.constant 16 : i32
    %mul3A_0 = arith.muli %arg0, %mul3A : i32
    %add3A = arith.addi %mul3A_0, %arg1 : i32
    "tpu.region"() ({
      %run_scoped3A = tpu.sem_alloc : memref<!tpu.dma_semaphore, #tpu.memory_space<semaphore_mem>>
      %dma_start3A_90 = arith.constant 0 : i32
      %dma_start3A_91 = arith.constant 0 : i32
      %dma_start3A_92 = tpu.memref_slice %arg3[%add3A, %dma_start3A_90, %dma_start3A_91] : memref<32x80x125xi32, #tpu.memory_space<hbm>> -> memref<1x80x125xi32, #tpu.memory_space<hbm>>
      %dma_start3A_93 = tpu.memref_squeeze %dma_start3A_92 : memref<1x80x125xi32, #tpu.memory_space<hbm>> -> memref<80x125xi32, #tpu.memory_space<hbm>>
      %dma_start3A_94 = arith.constant 0 : i32
      %dma_start3A_95 = arith.constant 0 : i32
      %dma_start3A_96 = tpu.memref_slice %arg3[%add3A, %dma_start3A_94, %dma_start3A_95] : memref<32x80x125xi32, #tpu.memory_space<hbm>> -> memref<1x80x125xi32, #tpu.memory_space<hbm>>
      %dma_start3A_97 = tpu.memref_squeeze %dma_start3A_96 : memref<1x80x125xi32, #tpu.memory_space<hbm>> -> memref<80x125xi32, #tpu.memory_space<hbm>>
      tpu.enqueue_dma source(%dma_start3A_97 : memref<80x125xi32, #tpu.memory_space<hbm>>) target(%arg7 : memref<80x125xi32, #tpu.memory_space<vmem>>) target_semaphore(%run_scoped3A : memref<!tpu.dma_semaphore, #tpu.memory_space<semaphore_mem>>)
      %dma_wait3A = arith.constant 0 : i32
      %dma_wait3A_98 = arith.constant 0 : i32
      %dma_wait3A_99 = tpu.memref_slice %arg3[%add3A, %dma_wait3A, %dma_wait3A_98] : memref<32x80x125xi32, #tpu.memory_space<hbm>> -> memref<1x80x125xi32, #tpu.memory_space<hbm>>
      %dma_wait3A_100 = tpu.memref_squeeze %dma_wait3A_99 : memref<1x80x125xi32, #tpu.memory_space<hbm>> -> memref<80x125xi32, #tpu.memory_space<hbm>>
      %dma_wait3A_101 = arith.constant 0 : i32
      %dma_wait3A_102 = arith.constant 0 : i32
      %dma_wait3A_103 = tpu.memref_slice %arg3[%add3A, %dma_wait3A_101, %dma_wait3A_102] : memref<32x80x125xi32, #tpu.memory_space<hbm>> -> memref<1x80x125xi32, #tpu.memory_space<hbm>>
      %dma_wait3A_104 = tpu.memref_squeeze %dma_wait3A_103 : memref<1x80x125xi32, #tpu.memory_space<hbm>> -> memref<80x125xi32, #tpu.memory_space<hbm>>
      tpu.wait_dma2 semaphore(%run_scoped3A : memref<!tpu.dma_semaphore, #tpu.memory_space<semaphore_mem>>) src(%dma_wait3A_104 : memref<80x125xi32, #tpu.memory_space<hbm>>) dst(%arg7 : memref<80x125xi32, #tpu.memory_space<vmem>>)
      tpu.yield
    }) : () -> ()
    "tpu.region"() ({
      %run_scoped3A = tpu.sem_alloc : memref<!tpu.dma_semaphore, #tpu.memory_space<semaphore_mem>>
      %dma_start3A_90 = arith.constant 0 : i32
      %dma_start3A_91 = arith.constant 0 : i32
      %dma_start3A_92 = tpu.memref_slice %arg4[%add3A, %dma_start3A_90, %dma_start3A_91] : memref<32x80x125xi32, #tpu.memory_space<hbm>> -> memref<1x80x125xi32, #tpu.memory_space<hbm>>
      %dma_start3A_93 = tpu.memref_squeeze %dma_start3A_92 : memref<1x80x125xi32, #tpu.memory_space<hbm>> -> memref<80x125xi32, #tpu.memory_space<hbm>>
      %dma_start3A_94 = arith.constant 0 : i32
      %dma_start3A_95 = arith.constant 0 : i32
      %dma_start3A_96 = tpu.memref_slice %arg4[%add3A, %dma_start3A_94, %dma_start3A_95] : memref<32x80x125xi32, #tpu.memory_space<hbm>> -> memref<1x80x125xi32, #tpu.memory_space<hbm>>
      %dma_start3A_97 = tpu.memref_squeeze %dma_start3A_96 : memref<1x80x125xi32, #tpu.memory_space<hbm>> -> memref<80x125xi32, #tpu.memory_space<hbm>>
      tpu.enqueue_dma source(%dma_start3A_97 : memref<80x125xi32, #tpu.memory_space<hbm>>) target(%arg8 : memref<80x125xi32, #tpu.memory_space<vmem>>) target_semaphore(%run_scoped3A : memref<!tpu.dma_semaphore, #tpu.memory_space<semaphore_mem>>)
      %dma_wait3A = arith.constant 0 : i32
      %dma_wait3A_98 = arith.constant 0 : i32
      %dma_wait3A_99 = tpu.memref_slice %arg4[%add3A, %dma_wait3A, %dma_wait3A_98] : memref<32x80x125xi32, #tpu.memory_space<hbm>> -> memref<1x80x125xi32, #tpu.memory_space<hbm>>
      %dma_wait3A_100 = tpu.memref_squeeze %dma_wait3A_99 : memref<1x80x125xi32, #tpu.memory_space<hbm>> -> memref<80x125xi32, #tpu.memory_space<hbm>>
      %dma_wait3A_101 = arith.constant 0 : i32
      %dma_wait3A_102 = arith.constant 0 : i32
      %dma_wait3A_103 = tpu.memref_slice %arg4[%add3A, %dma_wait3A_101, %dma_wait3A_102] : memref<32x80x125xi32, #tpu.memory_space<hbm>> -> memref<1x80x125xi32, #tpu.memory_space<hbm>>
      %dma_wait3A_104 = tpu.memref_squeeze %dma_wait3A_103 : memref<1x80x125xi32, #tpu.memory_space<hbm>> -> memref<80x125xi32, #tpu.memory_space<hbm>>
      tpu.wait_dma2 semaphore(%run_scoped3A : memref<!tpu.dma_semaphore, #tpu.memory_space<semaphore_mem>>) src(%dma_wait3A_104 : memref<80x125xi32, #tpu.memory_space<hbm>>) dst(%arg8 : memref<80x125xi32, #tpu.memory_space<vmem>>)
      tpu.yield
    }) : () -> ()
    %mul3A_1 = arith.constant 624 : i32
    %mul3A_2 = arith.muli %arg1, %mul3A_1 : i32
    %multiple_of3A = tpu.assume_multiple %mul3A_2, 8 : i32
    "tpu.region"() ({
      %run_scoped3A = tpu.sem_alloc : memref<!tpu.dma_semaphore, #tpu.memory_space<semaphore_mem>>
      %dma_start3A_90 = arith.constant 0 : i32
      %dma_start3A_91 = tpu.memref_slice %arg6[%multiple_of3A, %dma_start3A_90] : memref<10000x16xf32, #tpu.memory_space<vmem_shared>> -> memref<624x16xf32, #tpu.memory_space<vmem_shared>>
      %dma_start3A_92 = arith.constant 0 : i32
      %dma_start3A_93 = tpu.memref_slice %arg2[%multiple_of3A, %dma_start3A_92] : memref<10000x16xf32, #tpu.memory_space<hbm>> -> memref<624x16xf32, #tpu.memory_space<hbm>>
      tpu.enqueue_dma source(%dma_start3A_93 : memref<624x16xf32, #tpu.memory_space<hbm>>) target(%dma_start3A_91 : memref<624x16xf32, #tpu.memory_space<vmem_shared>>) target_semaphore(%run_scoped3A : memref<!tpu.dma_semaphore, #tpu.memory_space<semaphore_mem>>)
      %dma_wait3A = arith.constant 0 : i32
      %dma_wait3A_94 = tpu.memref_slice %arg6[%multiple_of3A, %dma_wait3A] : memref<10000x16xf32, #tpu.memory_space<vmem_shared>> -> memref<624x16xf32, #tpu.memory_space<vmem_shared>>
      %dma_wait3A_95 = arith.constant 0 : i32
      %dma_wait3A_96 = tpu.memref_slice %arg2[%multiple_of3A, %dma_wait3A_95] : memref<10000x16xf32, #tpu.memory_space<hbm>> -> memref<624x16xf32, #tpu.memory_space<hbm>>
      tpu.wait_dma2 semaphore(%run_scoped3A : memref<!tpu.dma_semaphore, #tpu.memory_space<semaphore_mem>>) src(%dma_wait3A_96 : memref<624x16xf32, #tpu.memory_space<hbm>>) dst(%dma_wait3A_94 : memref<624x16xf32, #tpu.memory_space<vmem_shared>>)
      tpu.yield
    }) : () -> ()
    %eq3A = arith.constant 0 : i32
    %eq3A_3 = arith.cmpi eq, %arg1, %eq3A : i32
    %convert_element_type3A = arith.extui %eq3A_3 : i1 to i32
    %cond3A = arith.constant 0 : i32
    %cond3A_4 = arith.cmpi ne, %convert_element_type3A, %cond3A : i32
    scf.if %cond3A_4 {
      "tpu.region"() ({
        %run_scoped3A = tpu.sem_alloc : memref<!tpu.dma_semaphore, #tpu.memory_space<semaphore_mem>>
        %dma_start3A_90 = arith.constant 9984 : i32
        %dma_start3A_91 = arith.constant 0 : i32
        %dma_start3A_92 = tpu.memref_slice %arg6[%dma_start3A_90, %dma_start3A_91] : memref<10000x16xf32, #tpu.memory_space<vmem_shared>> -> memref<16x16xf32, #tpu.memory_space<vmem_shared>>
        %dma_start3A_93 = arith.constant 9984 : i32
        %dma_start3A_94 = arith.constant 0 : i32
        %dma_start3A_95 = tpu.memref_slice %arg2[%dma_start3A_93, %dma_start3A_94] : memref<10000x16xf32, #tpu.memory_space<hbm>> -> memref<16x16xf32, #tpu.memory_space<hbm>>
        tpu.enqueue_dma source(%dma_start3A_95 : memref<16x16xf32, #tpu.memory_space<hbm>>) target(%dma_start3A_92 : memref<16x16xf32, #tpu.memory_space<vmem_shared>>) target_semaphore(%run_scoped3A : memref<!tpu.dma_semaphore, #tpu.memory_space<semaphore_mem>>)
        %dma_wait3A = arith.constant 9984 : i32
        %dma_wait3A_96 = arith.constant 0 : i32
        %dma_wait3A_97 = tpu.memref_slice %arg6[%dma_wait3A, %dma_wait3A_96] : memref<10000x16xf32, #tpu.memory_space<vmem_shared>> -> memref<16x16xf32, #tpu.memory_space<vmem_shared>>
        %dma_wait3A_98 = arith.constant 9984 : i32
        %dma_wait3A_99 = arith.constant 0 : i32
        %dma_wait3A_100 = tpu.memref_slice %arg2[%dma_wait3A_98, %dma_wait3A_99] : memref<10000x16xf32, #tpu.memory_space<hbm>> -> memref<16x16xf32, #tpu.memory_space<hbm>>
        tpu.wait_dma2 semaphore(%run_scoped3A : memref<!tpu.dma_semaphore, #tpu.memory_space<semaphore_mem>>) src(%dma_wait3A_100 : memref<16x16xf32, #tpu.memory_space<hbm>>) dst(%dma_wait3A_97 : memref<16x16xf32, #tpu.memory_space<vmem_shared>>)
        tpu.yield
      }) : () -> ()
    } else {
    }
    %barrier3A = arith.constant 0 : index
    tpu.barrier barrier_id(%barrier3A)
    %dma_start3A = arith.constant 0 : i32
    %dma_start3A_5 = arith.constant 0 : i32
    %dma_start3A_6 = arith.constant 0 : i32
    %dma_start3A_7 = arith.constant 0 : i32
    %dma_start3A_8 = arith.constant 0 : i32
    %dma_start3A_9 = tpu.memref_slice %arg9[%dma_start3A_5, %dma_start3A_7, %dma_start3A_8] : memref<5x125x16xf32, #tpu.memory_space<vmem>> -> memref<1x125x16xf32, #tpu.memory_space<vmem>>
    %dma_start3A_10 = tpu.memref_squeeze %dma_start3A_9 : memref<1x125x16xf32, #tpu.memory_space<vmem>> -> memref<125x16xf32, #tpu.memory_space<vmem>>
    %dma_start3A_11 = arith.constant 0 : i32
    %dma_start3A_12 = tpu.memref_slice %arg7[%dma_start3A, %dma_start3A_11] : memref<80x125xi32, #tpu.memory_space<vmem>> -> memref<1x125xi32, #tpu.memory_space<vmem>>
    %dma_start3A_13 = tpu.memref_squeeze %dma_start3A_12 : memref<1x125xi32, #tpu.memory_space<vmem>> -> memref<125xi32, #tpu.memory_space<vmem>>
    %dma_start3A_14 = arith.constant 0 : i32
    %dma_start3A_15 = arith.constant 0 : i32
    %dma_start3A_16 = tpu.memref_slice %arg2[%dma_start3A_14, %dma_start3A_15] : memref<10000x16xf32, #tpu.memory_space<hbm>> -> memref<10000x16xf32, #tpu.memory_space<hbm>>
    %dma_start3A_17 = tpu.memref_slice %arg10[%dma_start3A_6] : memref<5x!tpu.dma_semaphore, #tpu.memory_space<semaphore_mem>> -> memref<1x!tpu.dma_semaphore, #tpu.memory_space<semaphore_mem>>
    %dma_start3A_18 = tpu.memref_squeeze %dma_start3A_17 : memref<1x!tpu.dma_semaphore, #tpu.memory_space<semaphore_mem>> -> memref<!tpu.dma_semaphore, #tpu.memory_space<semaphore_mem>>
    tpu.enqueue_indirect_dma source(%dma_start3A_16 : memref<10000x16xf32, #tpu.memory_space<hbm>>) target(%dma_start3A_10 : memref<125x16xf32, #tpu.memory_space<vmem>>) offsets(%dma_start3A_13 : memref<125xi32, #tpu.memory_space<vmem>>) semaphore(%dma_start3A_18 : memref<!tpu.dma_semaphore, #tpu.memory_space<semaphore_mem>>)
    %dma_start3A_19 = arith.constant 1 : i32
    %dma_start3A_20 = arith.constant 1 : i32
    %dma_start3A_21 = arith.constant 1 : i32
    %dma_start3A_22 = arith.constant 0 : i32
    %dma_start3A_23 = arith.constant 0 : i32
    %dma_start3A_24 = tpu.memref_slice %arg9[%dma_start3A_20, %dma_start3A_22, %dma_start3A_23] : memref<5x125x16xf32, #tpu.memory_space<vmem>> -> memref<1x125x16xf32, #tpu.memory_space<vmem>>
    %dma_start3A_25 = tpu.memref_squeeze %dma_start3A_24 : memref<1x125x16xf32, #tpu.memory_space<vmem>> -> memref<125x16xf32, #tpu.memory_space<vmem>>
    %dma_start3A_26 = arith.constant 0 : i32
    %dma_start3A_27 = tpu.memref_slice %arg7[%dma_start3A_19, %dma_start3A_26] : memref<80x125xi32, #tpu.memory_space<vmem>> -> memref<1x125xi32, #tpu.memory_space<vmem>>
    %dma_start3A_28 = tpu.memref_squeeze %dma_start3A_27 : memref<1x125xi32, #tpu.memory_space<vmem>> -> memref<125xi32, #tpu.memory_space<vmem>>
    %dma_start3A_29 = arith.constant 0 : i32
    %dma_start3A_30 = arith.constant 0 : i32
    %dma_start3A_31 = tpu.memref_slice %arg2[%dma_start3A_29, %dma_start3A_30] : memref<10000x16xf32, #tpu.memory_space<hbm>> -> memref<10000x16xf32, #tpu.memory_space<hbm>>
    %dma_start3A_32 = tpu.memref_slice %arg10[%dma_start3A_21] : memref<5x!tpu.dma_semaphore, #tpu.memory_space<semaphore_mem>> -> memref<1x!tpu.dma_semaphore, #tpu.memory_space<semaphore_mem>>
    %dma_start3A_33 = tpu.memref_squeeze %dma_start3A_32 : memref<1x!tpu.dma_semaphore, #tpu.memory_space<semaphore_mem>> -> memref<!tpu.dma_semaphore, #tpu.memory_space<semaphore_mem>>
    tpu.enqueue_indirect_dma source(%dma_start3A_31 : memref<10000x16xf32, #tpu.memory_space<hbm>>) target(%dma_start3A_25 : memref<125x16xf32, #tpu.memory_space<vmem>>) offsets(%dma_start3A_28 : memref<125xi32, #tpu.memory_space<vmem>>) semaphore(%dma_start3A_33 : memref<!tpu.dma_semaphore, #tpu.memory_space<semaphore_mem>>)
    %dma_start3A_34 = arith.constant 2 : i32
    %dma_start3A_35 = arith.constant 2 : i32
    %dma_start3A_36 = arith.constant 2 : i32
    %dma_start3A_37 = arith.constant 0 : i32
    %dma_start3A_38 = arith.constant 0 : i32
    %dma_start3A_39 = tpu.memref_slice %arg9[%dma_start3A_35, %dma_start3A_37, %dma_start3A_38] : memref<5x125x16xf32, #tpu.memory_space<vmem>> -> memref<1x125x16xf32, #tpu.memory_space<vmem>>
    %dma_start3A_40 = tpu.memref_squeeze %dma_start3A_39 : memref<1x125x16xf32, #tpu.memory_space<vmem>> -> memref<125x16xf32, #tpu.memory_space<vmem>>
    %dma_start3A_41 = arith.constant 0 : i32
    %dma_start3A_42 = tpu.memref_slice %arg7[%dma_start3A_34, %dma_start3A_41] : memref<80x125xi32, #tpu.memory_space<vmem>> -> memref<1x125xi32, #tpu.memory_space<vmem>>
    %dma_start3A_43 = tpu.memref_squeeze %dma_start3A_42 : memref<1x125xi32, #tpu.memory_space<vmem>> -> memref<125xi32, #tpu.memory_space<vmem>>
    %dma_start3A_44 = arith.constant 0 : i32
    %dma_start3A_45 = arith.constant 0 : i32
    %dma_start3A_46 = tpu.memref_slice %arg2[%dma_start3A_44, %dma_start3A_45] : memref<10000x16xf32, #tpu.memory_space<hbm>> -> memref<10000x16xf32, #tpu.memory_space<hbm>>
    %dma_start3A_47 = tpu.memref_slice %arg10[%dma_start3A_36] : memref<5x!tpu.dma_semaphore, #tpu.memory_space<semaphore_mem>> -> memref<1x!tpu.dma_semaphore, #tpu.memory_space<semaphore_mem>>
    %dma_start3A_48 = tpu.memref_squeeze %dma_start3A_47 : memref<1x!tpu.dma_semaphore, #tpu.memory_space<semaphore_mem>> -> memref<!tpu.dma_semaphore, #tpu.memory_space<semaphore_mem>>
    tpu.enqueue_indirect_dma source(%dma_start3A_46 : memref<10000x16xf32, #tpu.memory_space<hbm>>) target(%dma_start3A_40 : memref<125x16xf32, #tpu.memory_space<vmem>>) offsets(%dma_start3A_43 : memref<125xi32, #tpu.memory_space<vmem>>) semaphore(%dma_start3A_48 : memref<!tpu.dma_semaphore, #tpu.memory_space<semaphore_mem>>)
    %dma_start3A_49 = arith.constant 3 : i32
    %dma_start3A_50 = arith.constant 3 : i32
    %dma_start3A_51 = arith.constant 3 : i32
    %dma_start3A_52 = arith.constant 0 : i32
    %dma_start3A_53 = arith.constant 0 : i32
    %dma_start3A_54 = tpu.memref_slice %arg9[%dma_start3A_50, %dma_start3A_52, %dma_start3A_53] : memref<5x125x16xf32, #tpu.memory_space<vmem>> -> memref<1x125x16xf32, #tpu.memory_space<vmem>>
    %dma_start3A_55 = tpu.memref_squeeze %dma_start3A_54 : memref<1x125x16xf32, #tpu.memory_space<vmem>> -> memref<125x16xf32, #tpu.memory_space<vmem>>
    %dma_start3A_56 = arith.constant 0 : i32
    %dma_start3A_57 = tpu.memref_slice %arg7[%dma_start3A_49, %dma_start3A_56] : memref<80x125xi32, #tpu.memory_space<vmem>> -> memref<1x125xi32, #tpu.memory_space<vmem>>
    %dma_start3A_58 = tpu.memref_squeeze %dma_start3A_57 : memref<1x125xi32, #tpu.memory_space<vmem>> -> memref<125xi32, #tpu.memory_space<vmem>>
    %dma_start3A_59 = arith.constant 0 : i32
    %dma_start3A_60 = arith.constant 0 : i32
    %dma_start3A_61 = tpu.memref_slice %arg2[%dma_start3A_59, %dma_start3A_60] : memref<10000x16xf32, #tpu.memory_space<hbm>> -> memref<10000x16xf32, #tpu.memory_space<hbm>>
    %dma_start3A_62 = tpu.memref_slice %arg10[%dma_start3A_51] : memref<5x!tpu.dma_semaphore, #tpu.memory_space<semaphore_mem>> -> memref<1x!tpu.dma_semaphore, #tpu.memory_space<semaphore_mem>>
    %dma_start3A_63 = tpu.memref_squeeze %dma_start3A_62 : memref<1x!tpu.dma_semaphore, #tpu.memory_space<semaphore_mem>> -> memref<!tpu.dma_semaphore, #tpu.memory_space<semaphore_mem>>
    tpu.enqueue_indirect_dma source(%dma_start3A_61 : memref<10000x16xf32, #tpu.memory_space<hbm>>) target(%dma_start3A_55 : memref<125x16xf32, #tpu.memory_space<vmem>>) offsets(%dma_start3A_58 : memref<125xi32, #tpu.memory_space<vmem>>) semaphore(%dma_start3A_63 : memref<!tpu.dma_semaphore, #tpu.memory_space<semaphore_mem>>)
    %dma_start3A_64 = arith.constant 4 : i32
    %dma_start3A_65 = arith.constant 4 : i32
    %dma_start3A_66 = arith.constant 4 : i32
    %dma_start3A_67 = arith.constant 0 : i32
    %dma_start3A_68 = arith.constant 0 : i32
    %dma_start3A_69 = tpu.memref_slice %arg9[%dma_start3A_65, %dma_start3A_67, %dma_start3A_68] : memref<5x125x16xf32, #tpu.memory_space<vmem>> -> memref<1x125x16xf32, #tpu.memory_space<vmem>>
    %dma_start3A_70 = tpu.memref_squeeze %dma_start3A_69 : memref<1x125x16xf32, #tpu.memory_space<vmem>> -> memref<125x16xf32, #tpu.memory_space<vmem>>
    %dma_start3A_71 = arith.constant 0 : i32
    %dma_start3A_72 = tpu.memref_slice %arg7[%dma_start3A_64, %dma_start3A_71] : memref<80x125xi32, #tpu.memory_space<vmem>> -> memref<1x125xi32, #tpu.memory_space<vmem>>
    %dma_start3A_73 = tpu.memref_squeeze %dma_start3A_72 : memref<1x125xi32, #tpu.memory_space<vmem>> -> memref<125xi32, #tpu.memory_space<vmem>>
    %dma_start3A_74 = arith.constant 0 : i32
    %dma_start3A_75 = arith.constant 0 : i32
    %dma_start3A_76 = tpu.memref_slice %arg2[%dma_start3A_74, %dma_start3A_75] : memref<10000x16xf32, #tpu.memory_space<hbm>> -> memref<10000x16xf32, #tpu.memory_space<hbm>>
    %dma_start3A_77 = tpu.memref_slice %arg10[%dma_start3A_66] : memref<5x!tpu.dma_semaphore, #tpu.memory_space<semaphore_mem>> -> memref<1x!tpu.dma_semaphore, #tpu.memory_space<semaphore_mem>>
    %dma_start3A_78 = tpu.memref_squeeze %dma_start3A_77 : memref<1x!tpu.dma_semaphore, #tpu.memory_space<semaphore_mem>> -> memref<!tpu.dma_semaphore, #tpu.memory_space<semaphore_mem>>
    tpu.enqueue_indirect_dma source(%dma_start3A_76 : memref<10000x16xf32, #tpu.memory_space<hbm>>) target(%dma_start3A_70 : memref<125x16xf32, #tpu.memory_space<vmem>>) offsets(%dma_start3A_73 : memref<125xi32, #tpu.memory_space<vmem>>) semaphore(%dma_start3A_78 : memref<!tpu.dma_semaphore, #tpu.memory_space<semaphore_mem>>)
    %scan3A = arith.constant 0 : i32
    %scan3A_79 = arith.constant 0 : i32
    %scan3A_80 = arith.constant 16 : i32
    %scan3A_81 = arith.addi %scan3A_79, %scan3A_80 : i32
    %scan3A_82 = arith.constant 1 : i32
    scf.for %scan3A_90 = %scan3A_79 to %scan3A_81 step %scan3A_82  : i32 {
      %mul3A_91 = arith.constant 5 : i32
      %mul3A_92 = arith.muli %scan3A_90, %mul3A_91 : i32
      %dma_wait3A = arith.constant 0 : i32
      %dma_wait3A_93 = arith.constant 0 : i32
      %dma_wait3A_94 = arith.constant 0 : i32
      %dma_wait3A_95 = arith.constant 0 : i32
      %dma_wait3A_96 = arith.constant 0 : i32
      %dma_wait3A_97 = tpu.memref_slice %arg9[%dma_wait3A_93, %dma_wait3A_95, %dma_wait3A_96] : memref<5x125x16xf32, #tpu.memory_space<vmem>> -> memref<1x125x16xf32, #tpu.memory_space<vmem>>
      %dma_wait3A_98 = tpu.memref_squeeze %dma_wait3A_97 : memref<1x125x16xf32, #tpu.memory_space<vmem>> -> memref<125x16xf32, #tpu.memory_space<vmem>>
      %dma_wait3A_99 = arith.constant 0 : i32
      %dma_wait3A_100 = tpu.memref_slice %arg7[%dma_wait3A, %dma_wait3A_99] : memref<80x125xi32, #tpu.memory_space<vmem>> -> memref<1x125xi32, #tpu.memory_space<vmem>>
      %dma_wait3A_101 = tpu.memref_squeeze %dma_wait3A_100 : memref<1x125xi32, #tpu.memory_space<vmem>> -> memref<125xi32, #tpu.memory_space<vmem>>
      %dma_wait3A_102 = arith.constant 0 : i32
      %dma_wait3A_103 = arith.constant 0 : i32
      %dma_wait3A_104 = tpu.memref_slice %arg2[%dma_wait3A_102, %dma_wait3A_103] : memref<10000x16xf32, #tpu.memory_space<hbm>> -> memref<10000x16xf32, #tpu.memory_space<hbm>>
      %dma_wait3A_105 = tpu.memref_slice %arg10[%dma_wait3A_94] : memref<5x!tpu.dma_semaphore, #tpu.memory_space<semaphore_mem>> -> memref<1x!tpu.dma_semaphore, #tpu.memory_space<semaphore_mem>>
      %dma_wait3A_106 = tpu.memref_squeeze %dma_wait3A_105 : memref<1x!tpu.dma_semaphore, #tpu.memory_space<semaphore_mem>> -> memref<!tpu.dma_semaphore, #tpu.memory_space<semaphore_mem>>
      tpu.wait_indirect_dma semaphore(%dma_wait3A_106 : memref<!tpu.dma_semaphore, #tpu.memory_space<semaphore_mem>>) src(%dma_wait3A_104 : memref<10000x16xf32, #tpu.memory_space<hbm>>) dst(%dma_wait3A_98 : memref<125x16xf32, #tpu.memory_space<vmem>>)
      %add3A_107 = arith.constant 0 : i32
      %add3A_108 = arith.addi %mul3A_92, %add3A_107 : i32
      %dma_start3A_109 = arith.constant 0 : i32
      %dma_start3A_110 = arith.constant 0 : i32
      %dma_start3A_111 = arith.constant 0 : i32
      %dma_start3A_112 = arith.constant 0 : i32
      %dma_start3A_113 = tpu.memref_slice %arg9[%dma_start3A_109, %dma_start3A_111, %dma_start3A_112] : memref<5x125x16xf32, #tpu.memory_space<vmem>> -> memref<1x125x16xf32, #tpu.memory_space<vmem>>
      %dma_start3A_114 = tpu.memref_squeeze %dma_start3A_113 : memref<1x125x16xf32, #tpu.memory_space<vmem>> -> memref<125x16xf32, #tpu.memory_space<vmem>>
      %dma_start3A_115 = arith.constant 0 : i32
      %dma_start3A_116 = tpu.memref_slice %arg8[%add3A_108, %dma_start3A_115] : memref<80x125xi32, #tpu.memory_space<vmem>> -> memref<1x125xi32, #tpu.memory_space<vmem>>
      %dma_start3A_117 = tpu.memref_squeeze %dma_start3A_116 : memref<1x125xi32, #tpu.memory_space<vmem>> -> memref<125xi32, #tpu.memory_space<vmem>>
      %dma_start3A_118 = arith.constant 0 : i32
      %dma_start3A_119 = arith.constant 0 : i32
      %dma_start3A_120 = tpu.memref_slice %arg6[%dma_start3A_118, %dma_start3A_119] : memref<10000x16xf32, #tpu.memory_space<vmem_shared>> -> memref<10000x16xf32, #tpu.memory_space<vmem_shared>>
      %dma_start3A_121 = tpu.memref_slice %arg11[%dma_start3A_110] : memref<5x!tpu.dma_semaphore, #tpu.memory_space<semaphore_mem>> -> memref<1x!tpu.dma_semaphore, #tpu.memory_space<semaphore_mem>>
      %dma_start3A_122 = tpu.memref_squeeze %dma_start3A_121 : memref<1x!tpu.dma_semaphore, #tpu.memory_space<semaphore_mem>> -> memref<!tpu.dma_semaphore, #tpu.memory_space<semaphore_mem>>
      tpu.enqueue_indirect_dma source(%dma_start3A_114 : memref<125x16xf32, #tpu.memory_space<vmem>>) target(%dma_start3A_120 : memref<10000x16xf32, #tpu.memory_space<vmem_shared>>) offsets(%dma_start3A_117 : memref<125xi32, #tpu.memory_space<vmem>>) semaphore(%dma_start3A_122 : memref<!tpu.dma_semaphore, #tpu.memory_space<semaphore_mem>>) {add = true}
      %dma_wait3A_123 = arith.constant 1 : i32
      %dma_wait3A_124 = arith.constant 1 : i32
      %dma_wait3A_125 = arith.constant 1 : i32
      %dma_wait3A_126 = arith.constant 0 : i32
      %dma_wait3A_127 = arith.constant 0 : i32
      %dma_wait3A_128 = tpu.memref_slice %arg9[%dma_wait3A_124, %dma_wait3A_126, %dma_wait3A_127] : memref<5x125x16xf32, #tpu.memory_space<vmem>> -> memref<1x125x16xf32, #tpu.memory_space<vmem>>
      %dma_wait3A_129 = tpu.memref_squeeze %dma_wait3A_128 : memref<1x125x16xf32, #tpu.memory_space<vmem>> -> memref<125x16xf32, #tpu.memory_space<vmem>>
      %dma_wait3A_130 = arith.constant 0 : i32
      %dma_wait3A_131 = tpu.memref_slice %arg7[%dma_wait3A_123, %dma_wait3A_130] : memref<80x125xi32, #tpu.memory_space<vmem>> -> memref<1x125xi32, #tpu.memory_space<vmem>>
      %dma_wait3A_132 = tpu.memref_squeeze %dma_wait3A_131 : memref<1x125xi32, #tpu.memory_space<vmem>> -> memref<125xi32, #tpu.memory_space<vmem>>
      %dma_wait3A_133 = arith.constant 0 : i32
      %dma_wait3A_134 = arith.constant 0 : i32
      %dma_wait3A_135 = tpu.memref_slice %arg2[%dma_wait3A_133, %dma_wait3A_134] : memref<10000x16xf32, #tpu.memory_space<hbm>> -> memref<10000x16xf32, #tpu.memory_space<hbm>>
      %dma_wait3A_136 = tpu.memref_slice %arg10[%dma_wait3A_125] : memref<5x!tpu.dma_semaphore, #tpu.memory_space<semaphore_mem>> -> memref<1x!tpu.dma_semaphore, #tpu.memory_space<semaphore_mem>>
      %dma_wait3A_137 = tpu.memref_squeeze %dma_wait3A_136 : memref<1x!tpu.dma_semaphore, #tpu.memory_space<semaphore_mem>> -> memref<!tpu.dma_semaphore, #tpu.memory_space<semaphore_mem>>
      tpu.wait_indirect_dma semaphore(%dma_wait3A_137 : memref<!tpu.dma_semaphore, #tpu.memory_space<semaphore_mem>>) src(%dma_wait3A_135 : memref<10000x16xf32, #tpu.memory_space<hbm>>) dst(%dma_wait3A_129 : memref<125x16xf32, #tpu.memory_space<vmem>>)
      %add3A_138 = arith.constant 1 : i32
      %add3A_139 = arith.addi %mul3A_92, %add3A_138 : i32
      %dma_start3A_140 = arith.constant 1 : i32
      %dma_start3A_141 = arith.constant 1 : i32
      %dma_start3A_142 = arith.constant 0 : i32
      %dma_start3A_143 = arith.constant 0 : i32
      %dma_start3A_144 = tpu.memref_slice %arg9[%dma_start3A_140, %dma_start3A_142, %dma_start3A_143] : memref<5x125x16xf32, #tpu.memory_space<vmem>> -> memref<1x125x16xf32, #tpu.memory_space<vmem>>
      %dma_start3A_145 = tpu.memref_squeeze %dma_start3A_144 : memref<1x125x16xf32, #tpu.memory_space<vmem>> -> memref<125x16xf32, #tpu.memory_space<vmem>>
      %dma_start3A_146 = arith.constant 0 : i32
      %dma_start3A_147 = tpu.memref_slice %arg8[%add3A_139, %dma_start3A_146] : memref<80x125xi32, #tpu.memory_space<vmem>> -> memref<1x125xi32, #tpu.memory_space<vmem>>
      %dma_start3A_148 = tpu.memref_squeeze %dma_start3A_147 : memref<1x125xi32, #tpu.memory_space<vmem>> -> memref<125xi32, #tpu.memory_space<vmem>>
      %dma_start3A_149 = arith.constant 0 : i32
      %dma_start3A_150 = arith.constant 0 : i32
      %dma_start3A_151 = tpu.memref_slice %arg6[%dma_start3A_149, %dma_start3A_150] : memref<10000x16xf32, #tpu.memory_space<vmem_shared>> -> memref<10000x16xf32, #tpu.memory_space<vmem_shared>>
      %dma_start3A_152 = tpu.memref_slice %arg11[%dma_start3A_141] : memref<5x!tpu.dma_semaphore, #tpu.memory_space<semaphore_mem>> -> memref<1x!tpu.dma_semaphore, #tpu.memory_space<semaphore_mem>>
      %dma_start3A_153 = tpu.memref_squeeze %dma_start3A_152 : memref<1x!tpu.dma_semaphore, #tpu.memory_space<semaphore_mem>> -> memref<!tpu.dma_semaphore, #tpu.memory_space<semaphore_mem>>
      tpu.enqueue_indirect_dma source(%dma_start3A_145 : memref<125x16xf32, #tpu.memory_space<vmem>>) target(%dma_start3A_151 : memref<10000x16xf32, #tpu.memory_space<vmem_shared>>) offsets(%dma_start3A_148 : memref<125xi32, #tpu.memory_space<vmem>>) semaphore(%dma_start3A_153 : memref<!tpu.dma_semaphore, #tpu.memory_space<semaphore_mem>>) {add = true}
      %dma_wait3A_154 = arith.constant 2 : i32
      %dma_wait3A_155 = arith.constant 2 : i32
      %dma_wait3A_156 = arith.constant 2 : i32
      %dma_wait3A_157 = arith.constant 0 : i32
      %dma_wait3A_158 = arith.constant 0 : i32
      %dma_wait3A_159 = tpu.memref_slice %arg9[%dma_wait3A_155, %dma_wait3A_157, %dma_wait3A_158] : memref<5x125x16xf32, #tpu.memory_space<vmem>> -> memref<1x125x16xf32, #tpu.memory_space<vmem>>
      %dma_wait3A_160 = tpu.memref_squeeze %dma_wait3A_159 : memref<1x125x16xf32, #tpu.memory_space<vmem>> -> memref<125x16xf32, #tpu.memory_space<vmem>>
      %dma_wait3A_161 = arith.constant 0 : i32
      %dma_wait3A_162 = tpu.memref_slice %arg7[%dma_wait3A_154, %dma_wait3A_161] : memref<80x125xi32, #tpu.memory_space<vmem>> -> memref<1x125xi32, #tpu.memory_space<vmem>>
      %dma_wait3A_163 = tpu.memref_squeeze %dma_wait3A_162 : memref<1x125xi32, #tpu.memory_space<vmem>> -> memref<125xi32, #tpu.memory_space<vmem>>
      %dma_wait3A_164 = arith.constant 0 : i32
      %dma_wait3A_165 = arith.constant 0 : i32
      %dma_wait3A_166 = tpu.memref_slice %arg2[%dma_wait3A_164, %dma_wait3A_165] : memref<10000x16xf32, #tpu.memory_space<hbm>> -> memref<10000x16xf32, #tpu.memory_space<hbm>>
      %dma_wait3A_167 = tpu.memref_slice %arg10[%dma_wait3A_156] : memref<5x!tpu.dma_semaphore, #tpu.memory_space<semaphore_mem>> -> memref<1x!tpu.dma_semaphore, #tpu.memory_space<semaphore_mem>>
      %dma_wait3A_168 = tpu.memref_squeeze %dma_wait3A_167 : memref<1x!tpu.dma_semaphore, #tpu.memory_space<semaphore_mem>> -> memref<!tpu.dma_semaphore, #tpu.memory_space<semaphore_mem>>
      tpu.wait_indirect_dma semaphore(%dma_wait3A_168 : memref<!tpu.dma_semaphore, #tpu.memory_space<semaphore_mem>>) src(%dma_wait3A_166 : memref<10000x16xf32, #tpu.memory_space<hbm>>) dst(%dma_wait3A_160 : memref<125x16xf32, #tpu.memory_space<vmem>>)
      %add3A_169 = arith.constant 2 : i32
      %add3A_170 = arith.addi %mul3A_92, %add3A_169 : i32
      %dma_start3A_171 = arith.constant 2 : i32
      %dma_start3A_172 = arith.constant 2 : i32
      %dma_start3A_173 = arith.constant 0 : i32
      %dma_start3A_174 = arith.constant 0 : i32
      %dma_start3A_175 = tpu.memref_slice %arg9[%dma_start3A_171, %dma_start3A_173, %dma_start3A_174] : memref<5x125x16xf32, #tpu.memory_space<vmem>> -> memref<1x125x16xf32, #tpu.memory_space<vmem>>
      %dma_start3A_176 = tpu.memref_squeeze %dma_start3A_175 : memref<1x125x16xf32, #tpu.memory_space<vmem>> -> memref<125x16xf32, #tpu.memory_space<vmem>>
      %dma_start3A_177 = arith.constant 0 : i32
      %dma_start3A_178 = tpu.memref_slice %arg8[%add3A_170, %dma_start3A_177] : memref<80x125xi32, #tpu.memory_space<vmem>> -> memref<1x125xi32, #tpu.memory_space<vmem>>
      %dma_start3A_179 = tpu.memref_squeeze %dma_start3A_178 : memref<1x125xi32, #tpu.memory_space<vmem>> -> memref<125xi32, #tpu.memory_space<vmem>>
      %dma_start3A_180 = arith.constant 0 : i32
      %dma_start3A_181 = arith.constant 0 : i32
      %dma_start3A_182 = tpu.memref_slice %arg6[%dma_start3A_180, %dma_start3A_181] : memref<10000x16xf32, #tpu.memory_space<vmem_shared>> -> memref<10000x16xf32, #tpu.memory_space<vmem_shared>>
      %dma_start3A_183 = tpu.memref_slice %arg11[%dma_start3A_172] : memref<5x!tpu.dma_semaphore, #tpu.memory_space<semaphore_mem>> -> memref<1x!tpu.dma_semaphore, #tpu.memory_space<semaphore_mem>>
      %dma_start3A_184 = tpu.memref_squeeze %dma_start3A_183 : memref<1x!tpu.dma_semaphore, #tpu.memory_space<semaphore_mem>> -> memref<!tpu.dma_semaphore, #tpu.memory_space<semaphore_mem>>
      tpu.enqueue_indirect_dma source(%dma_start3A_176 : memref<125x16xf32, #tpu.memory_space<vmem>>) target(%dma_start3A_182 : memref<10000x16xf32, #tpu.memory_space<vmem_shared>>) offsets(%dma_start3A_179 : memref<125xi32, #tpu.memory_space<vmem>>) semaphore(%dma_start3A_184 : memref<!tpu.dma_semaphore, #tpu.memory_space<semaphore_mem>>) {add = true}
      %dma_wait3A_185 = arith.constant 3 : i32
      %dma_wait3A_186 = arith.constant 3 : i32
      %dma_wait3A_187 = arith.constant 3 : i32
      %dma_wait3A_188 = arith.constant 0 : i32
      %dma_wait3A_189 = arith.constant 0 : i32
      %dma_wait3A_190 = tpu.memref_slice %arg9[%dma_wait3A_186, %dma_wait3A_188, %dma_wait3A_189] : memref<5x125x16xf32, #tpu.memory_space<vmem>> -> memref<1x125x16xf32, #tpu.memory_space<vmem>>
      %dma_wait3A_191 = tpu.memref_squeeze %dma_wait3A_190 : memref<1x125x16xf32, #tpu.memory_space<vmem>> -> memref<125x16xf32, #tpu.memory_space<vmem>>
      %dma_wait3A_192 = arith.constant 0 : i32
      %dma_wait3A_193 = tpu.memref_slice %arg7[%dma_wait3A_185, %dma_wait3A_192] : memref<80x125xi32, #tpu.memory_space<vmem>> -> memref<1x125xi32, #tpu.memory_space<vmem>>
      %dma_wait3A_194 = tpu.memref_squeeze %dma_wait3A_193 : memref<1x125xi32, #tpu.memory_space<vmem>> -> memref<125xi32, #tpu.memory_space<vmem>>
      %dma_wait3A_195 = arith.constant 0 : i32
      %dma_wait3A_196 = arith.constant 0 : i32
      %dma_wait3A_197 = tpu.memref_slice %arg2[%dma_wait3A_195, %dma_wait3A_196] : memref<10000x16xf32, #tpu.memory_space<hbm>> -> memref<10000x16xf32, #tpu.memory_space<hbm>>
      %dma_wait3A_198 = tpu.memref_slice %arg10[%dma_wait3A_187] : memref<5x!tpu.dma_semaphore, #tpu.memory_space<semaphore_mem>> -> memref<1x!tpu.dma_semaphore, #tpu.memory_space<semaphore_mem>>
      %dma_wait3A_199 = tpu.memref_squeeze %dma_wait3A_198 : memref<1x!tpu.dma_semaphore, #tpu.memory_space<semaphore_mem>> -> memref<!tpu.dma_semaphore, #tpu.memory_space<semaphore_mem>>
      tpu.wait_indirect_dma semaphore(%dma_wait3A_199 : memref<!tpu.dma_semaphore, #tpu.memory_space<semaphore_mem>>) src(%dma_wait3A_197 : memref<10000x16xf32, #tpu.memory_space<hbm>>) dst(%dma_wait3A_191 : memref<125x16xf32, #tpu.memory_space<vmem>>)
      %add3A_200 = arith.constant 3 : i32
      %add3A_201 = arith.addi %mul3A_92, %add3A_200 : i32
      %dma_start3A_202 = arith.constant 3 : i32
      %dma_start3A_203 = arith.constant 3 : i32
      %dma_start3A_204 = arith.constant 0 : i32
      %dma_start3A_205 = arith.constant 0 : i32
      %dma_start3A_206 = tpu.memref_slice %arg9[%dma_start3A_202, %dma_start3A_204, %dma_start3A_205] : memref<5x125x16xf32, #tpu.memory_space<vmem>> -> memref<1x125x16xf32, #tpu.memory_space<vmem>>
      %dma_start3A_207 = tpu.memref_squeeze %dma_start3A_206 : memref<1x125x16xf32, #tpu.memory_space<vmem>> -> memref<125x16xf32, #tpu.memory_space<vmem>>
      %dma_start3A_208 = arith.constant 0 : i32
      %dma_start3A_209 = tpu.memref_slice %arg8[%add3A_201, %dma_start3A_208] : memref<80x125xi32, #tpu.memory_space<vmem>> -> memref<1x125xi32, #tpu.memory_space<vmem>>
      %dma_start3A_210 = tpu.memref_squeeze %dma_start3A_209 : memref<1x125xi32, #tpu.memory_space<vmem>> -> memref<125xi32, #tpu.memory_space<vmem>>
      %dma_start3A_211 = arith.constant 0 : i32
      %dma_start3A_212 = arith.constant 0 : i32
      %dma_start3A_213 = tpu.memref_slice %arg6[%dma_start3A_211, %dma_start3A_212] : memref<10000x16xf32, #tpu.memory_space<vmem_shared>> -> memref<10000x16xf32, #tpu.memory_space<vmem_shared>>
      %dma_start3A_214 = tpu.memref_slice %arg11[%dma_start3A_203] : memref<5x!tpu.dma_semaphore, #tpu.memory_space<semaphore_mem>> -> memref<1x!tpu.dma_semaphore, #tpu.memory_space<semaphore_mem>>
      %dma_start3A_215 = tpu.memref_squeeze %dma_start3A_214 : memref<1x!tpu.dma_semaphore, #tpu.memory_space<semaphore_mem>> -> memref<!tpu.dma_semaphore, #tpu.memory_space<semaphore_mem>>
      tpu.enqueue_indirect_dma source(%dma_start3A_207 : memref<125x16xf32, #tpu.memory_space<vmem>>) target(%dma_start3A_213 : memref<10000x16xf32, #tpu.memory_space<vmem_shared>>) offsets(%dma_start3A_210 : memref<125xi32, #tpu.memory_space<vmem>>) semaphore(%dma_start3A_215 : memref<!tpu.dma_semaphore, #tpu.memory_space<semaphore_mem>>) {add = true}
      %dma_wait3A_216 = arith.constant 4 : i32
      %dma_wait3A_217 = arith.constant 4 : i32
      %dma_wait3A_218 = arith.constant 4 : i32
      %dma_wait3A_219 = arith.constant 0 : i32
      %dma_wait3A_220 = arith.constant 0 : i32
      %dma_wait3A_221 = tpu.memref_slice %arg9[%dma_wait3A_217, %dma_wait3A_219, %dma_wait3A_220] : memref<5x125x16xf32, #tpu.memory_space<vmem>> -> memref<1x125x16xf32, #tpu.memory_space<vmem>>
      %dma_wait3A_222 = tpu.memref_squeeze %dma_wait3A_221 : memref<1x125x16xf32, #tpu.memory_space<vmem>> -> memref<125x16xf32, #tpu.memory_space<vmem>>
      %dma_wait3A_223 = arith.constant 0 : i32
      %dma_wait3A_224 = tpu.memref_slice %arg7[%dma_wait3A_216, %dma_wait3A_223] : memref<80x125xi32, #tpu.memory_space<vmem>> -> memref<1x125xi32, #tpu.memory_space<vmem>>
      %dma_wait3A_225 = tpu.memref_squeeze %dma_wait3A_224 : memref<1x125xi32, #tpu.memory_space<vmem>> -> memref<125xi32, #tpu.memory_space<vmem>>
      %dma_wait3A_226 = arith.constant 0 : i32
      %dma_wait3A_227 = arith.constant 0 : i32
      %dma_wait3A_228 = tpu.memref_slice %arg2[%dma_wait3A_226, %dma_wait3A_227] : memref<10000x16xf32, #tpu.memory_space<hbm>> -> memref<10000x16xf32, #tpu.memory_space<hbm>>
      %dma_wait3A_229 = tpu.memref_slice %arg10[%dma_wait3A_218] : memref<5x!tpu.dma_semaphore, #tpu.memory_space<semaphore_mem>> -> memref<1x!tpu.dma_semaphore, #tpu.memory_space<semaphore_mem>>
      %dma_wait3A_230 = tpu.memref_squeeze %dma_wait3A_229 : memref<1x!tpu.dma_semaphore, #tpu.memory_space<semaphore_mem>> -> memref<!tpu.dma_semaphore, #tpu.memory_space<semaphore_mem>>
      tpu.wait_indirect_dma semaphore(%dma_wait3A_230 : memref<!tpu.dma_semaphore, #tpu.memory_space<semaphore_mem>>) src(%dma_wait3A_228 : memref<10000x16xf32, #tpu.memory_space<hbm>>) dst(%dma_wait3A_222 : memref<125x16xf32, #tpu.memory_space<vmem>>)
      %add3A_231 = arith.constant 4 : i32
      %add3A_232 = arith.addi %mul3A_92, %add3A_231 : i32
      %dma_start3A_233 = arith.constant 4 : i32
      %dma_start3A_234 = arith.constant 4 : i32
      %dma_start3A_235 = arith.constant 0 : i32
      %dma_start3A_236 = arith.constant 0 : i32
      %dma_start3A_237 = tpu.memref_slice %arg9[%dma_start3A_233, %dma_start3A_235, %dma_start3A_236] : memref<5x125x16xf32, #tpu.memory_space<vmem>> -> memref<1x125x16xf32, #tpu.memory_space<vmem>>
      %dma_start3A_238 = tpu.memref_squeeze %dma_start3A_237 : memref<1x125x16xf32, #tpu.memory_space<vmem>> -> memref<125x16xf32, #tpu.memory_space<vmem>>
      %dma_start3A_239 = arith.constant 0 : i32
      %dma_start3A_240 = tpu.memref_slice %arg8[%add3A_232, %dma_start3A_239] : memref<80x125xi32, #tpu.memory_space<vmem>> -> memref<1x125xi32, #tpu.memory_space<vmem>>
      %dma_start3A_241 = tpu.memref_squeeze %dma_start3A_240 : memref<1x125xi32, #tpu.memory_space<vmem>> -> memref<125xi32, #tpu.memory_space<vmem>>
      %dma_start3A_242 = arith.constant 0 : i32
      %dma_start3A_243 = arith.constant 0 : i32
      %dma_start3A_244 = tpu.memref_slice %arg6[%dma_start3A_242, %dma_start3A_243] : memref<10000x16xf32, #tpu.memory_space<vmem_shared>> -> memref<10000x16xf32, #tpu.memory_space<vmem_shared>>
      %dma_start3A_245 = tpu.memref_slice %arg11[%dma_start3A_234] : memref<5x!tpu.dma_semaphore, #tpu.memory_space<semaphore_mem>> -> memref<1x!tpu.dma_semaphore, #tpu.memory_space<semaphore_mem>>
      %dma_start3A_246 = tpu.memref_squeeze %dma_start3A_245 : memref<1x!tpu.dma_semaphore, #tpu.memory_space<semaphore_mem>> -> memref<!tpu.dma_semaphore, #tpu.memory_space<semaphore_mem>>
      tpu.enqueue_indirect_dma source(%dma_start3A_238 : memref<125x16xf32, #tpu.memory_space<vmem>>) target(%dma_start3A_244 : memref<10000x16xf32, #tpu.memory_space<vmem_shared>>) offsets(%dma_start3A_241 : memref<125xi32, #tpu.memory_space<vmem>>) semaphore(%dma_start3A_246 : memref<!tpu.dma_semaphore, #tpu.memory_space<semaphore_mem>>) {add = true}
      %dma_wait3A_247 = arith.constant 0 : i32
      %dma_wait3A_248 = arith.constant 0 : i32
      %dma_wait3A_249 = arith.constant 0 : i32
      %dma_wait3A_250 = arith.constant 0 : i32
      %dma_wait3A_251 = tpu.memref_slice %arg9[%dma_wait3A_247, %dma_wait3A_249, %dma_wait3A_250] : memref<5x125x16xf32, #tpu.memory_space<vmem>> -> memref<1x125x16xf32, #tpu.memory_space<vmem>>
      %dma_wait3A_252 = tpu.memref_squeeze %dma_wait3A_251 : memref<1x125x16xf32, #tpu.memory_space<vmem>> -> memref<125x16xf32, #tpu.memory_space<vmem>>
      %dma_wait3A_253 = arith.constant 0 : i32
      %dma_wait3A_254 = tpu.memref_slice %arg8[%add3A_108, %dma_wait3A_253] : memref<80x125xi32, #tpu.memory_space<vmem>> -> memref<1x125xi32, #tpu.memory_space<vmem>>
      %dma_wait3A_255 = tpu.memref_squeeze %dma_wait3A_254 : memref<1x125xi32, #tpu.memory_space<vmem>> -> memref<125xi32, #tpu.memory_space<vmem>>
      %dma_wait3A_256 = arith.constant 0 : i32
      %dma_wait3A_257 = arith.constant 0 : i32
      %dma_wait3A_258 = tpu.memref_slice %arg6[%dma_wait3A_256, %dma_wait3A_257] : memref<10000x16xf32, #tpu.memory_space<vmem_shared>> -> memref<10000x16xf32, #tpu.memory_space<vmem_shared>>
      %dma_wait3A_259 = tpu.memref_slice %arg11[%dma_wait3A_248] : memref<5x!tpu.dma_semaphore, #tpu.memory_space<semaphore_mem>> -> memref<1x!tpu.dma_semaphore, #tpu.memory_space<semaphore_mem>>
      %dma_wait3A_260 = tpu.memref_squeeze %dma_wait3A_259 : memref<1x!tpu.dma_semaphore, #tpu.memory_space<semaphore_mem>> -> memref<!tpu.dma_semaphore, #tpu.memory_space<semaphore_mem>>
      tpu.wait_indirect_dma semaphore(%dma_wait3A_260 : memref<!tpu.dma_semaphore, #tpu.memory_space<semaphore_mem>>) src(%dma_wait3A_252 : memref<125x16xf32, #tpu.memory_space<vmem>>) dst(%dma_wait3A_258 : memref<10000x16xf32, #tpu.memory_space<vmem_shared>>)
      %lt3A = arith.constant 15 : i32
      %lt3A_261 = arith.cmpi slt, %scan3A_90, %lt3A : i32
      %convert_element_type3A_262 = arith.extui %lt3A_261 : i1 to i32
      %cond3A_263 = arith.constant 0 : i32
      %cond3A_264 = arith.cmpi ne, %convert_element_type3A_262, %cond3A_263 : i32
      scf.if %cond3A_264 {
        %add3A_341 = arith.constant 5 : i32
        %add3A_342 = arith.addi %mul3A_92, %add3A_341 : i32
        %add3A_343 = arith.constant 0 : i32
        %add3A_344 = arith.addi %add3A_342, %add3A_343 : i32
        %dma_start3A_345 = arith.constant 0 : i32
        %dma_start3A_346 = arith.constant 0 : i32
        %dma_start3A_347 = arith.constant 0 : i32
        %dma_start3A_348 = arith.constant 0 : i32
        %dma_start3A_349 = tpu.memref_slice %arg9[%dma_start3A_345, %dma_start3A_347, %dma_start3A_348] : memref<5x125x16xf32, #tpu.memory_space<vmem>> -> memref<1x125x16xf32, #tpu.memory_space<vmem>>
        %dma_start3A_350 = tpu.memref_squeeze %dma_start3A_349 : memref<1x125x16xf32, #tpu.memory_space<vmem>> -> memref<125x16xf32, #tpu.memory_space<vmem>>
        %dma_start3A_351 = arith.constant 0 : i32
        %dma_start3A_352 = tpu.memref_slice %arg7[%add3A_344, %dma_start3A_351] : memref<80x125xi32, #tpu.memory_space<vmem>> -> memref<1x125xi32, #tpu.memory_space<vmem>>
        %dma_start3A_353 = tpu.memref_squeeze %dma_start3A_352 : memref<1x125xi32, #tpu.memory_space<vmem>> -> memref<125xi32, #tpu.memory_space<vmem>>
        %dma_start3A_354 = arith.constant 0 : i32
        %dma_start3A_355 = arith.constant 0 : i32
        %dma_start3A_356 = tpu.memref_slice %arg2[%dma_start3A_354, %dma_start3A_355] : memref<10000x16xf32, #tpu.memory_space<hbm>> -> memref<10000x16xf32, #tpu.memory_space<hbm>>
        %dma_start3A_357 = tpu.memref_slice %arg10[%dma_start3A_346] : memref<5x!tpu.dma_semaphore, #tpu.memory_space<semaphore_mem>> -> memref<1x!tpu.dma_semaphore, #tpu.memory_space<semaphore_mem>>
        %dma_start3A_358 = tpu.memref_squeeze %dma_start3A_357 : memref<1x!tpu.dma_semaphore, #tpu.memory_space<semaphore_mem>> -> memref<!tpu.dma_semaphore, #tpu.memory_space<semaphore_mem>>
        tpu.enqueue_indirect_dma source(%dma_start3A_356 : memref<10000x16xf32, #tpu.memory_space<hbm>>) target(%dma_start3A_350 : memref<125x16xf32, #tpu.memory_space<vmem>>) offsets(%dma_start3A_353 : memref<125xi32, #tpu.memory_space<vmem>>) semaphore(%dma_start3A_358 : memref<!tpu.dma_semaphore, #tpu.memory_space<semaphore_mem>>)
      } else {
      }
      %dma_wait3A_265 = arith.constant 1 : i32
      %dma_wait3A_266 = arith.constant 1 : i32
      %dma_wait3A_267 = arith.constant 0 : i32
      %dma_wait3A_268 = arith.constant 0 : i32
      %dma_wait3A_269 = tpu.memref_slice %arg9[%dma_wait3A_265, %dma_wait3A_267, %dma_wait3A_268] : memref<5x125x16xf32, #tpu.memory_space<vmem>> -> memref<1x125x16xf32, #tpu.memory_space<vmem>>
      %dma_wait3A_270 = tpu.memref_squeeze %dma_wait3A_269 : memref<1x125x16xf32, #tpu.memory_space<vmem>> -> memref<125x16xf32, #tpu.memory_space<vmem>>
      %dma_wait3A_271 = arith.constant 0 : i32
      %dma_wait3A_272 = tpu.memref_slice %arg8[%add3A_139, %dma_wait3A_271] : memref<80x125xi32, #tpu.memory_space<vmem>> -> memref<1x125xi32, #tpu.memory_space<vmem>>
      %dma_wait3A_273 = tpu.memref_squeeze %dma_wait3A_272 : memref<1x125xi32, #tpu.memory_space<vmem>> -> memref<125xi32, #tpu.memory_space<vmem>>
      %dma_wait3A_274 = arith.constant 0 : i32
      %dma_wait3A_275 = arith.constant 0 : i32
      %dma_wait3A_276 = tpu.memref_slice %arg6[%dma_wait3A_274, %dma_wait3A_275] : memref<10000x16xf32, #tpu.memory_space<vmem_shared>> -> memref<10000x16xf32, #tpu.memory_space<vmem_shared>>
      %dma_wait3A_277 = tpu.memref_slice %arg11[%dma_wait3A_266] : memref<5x!tpu.dma_semaphore, #tpu.memory_space<semaphore_mem>> -> memref<1x!tpu.dma_semaphore, #tpu.memory_space<semaphore_mem>>
      %dma_wait3A_278 = tpu.memref_squeeze %dma_wait3A_277 : memref<1x!tpu.dma_semaphore, #tpu.memory_space<semaphore_mem>> -> memref<!tpu.dma_semaphore, #tpu.memory_space<semaphore_mem>>
      tpu.wait_indirect_dma semaphore(%dma_wait3A_278 : memref<!tpu.dma_semaphore, #tpu.memory_space<semaphore_mem>>) src(%dma_wait3A_270 : memref<125x16xf32, #tpu.memory_space<vmem>>) dst(%dma_wait3A_276 : memref<10000x16xf32, #tpu.memory_space<vmem_shared>>)
      %lt3A_279 = arith.constant 15 : i32
      %lt3A_280 = arith.cmpi slt, %scan3A_90, %lt3A_279 : i32
      %convert_element_type3A_281 = arith.extui %lt3A_280 : i1 to i32
      %cond3A_282 = arith.constant 0 : i32
      %cond3A_283 = arith.cmpi ne, %convert_element_type3A_281, %cond3A_282 : i32
      scf.if %cond3A_283 {
        %add3A_341 = arith.constant 5 : i32
        %add3A_342 = arith.addi %mul3A_92, %add3A_341 : i32
        %add3A_343 = arith.constant 1 : i32
        %add3A_344 = arith.addi %add3A_342, %add3A_343 : i32
        %dma_start3A_345 = arith.constant 1 : i32
        %dma_start3A_346 = arith.constant 1 : i32
        %dma_start3A_347 = arith.constant 0 : i32
        %dma_start3A_348 = arith.constant 0 : i32
        %dma_start3A_349 = tpu.memref_slice %arg9[%dma_start3A_345, %dma_start3A_347, %dma_start3A_348] : memref<5x125x16xf32, #tpu.memory_space<vmem>> -> memref<1x125x16xf32, #tpu.memory_space<vmem>>
        %dma_start3A_350 = tpu.memref_squeeze %dma_start3A_349 : memref<1x125x16xf32, #tpu.memory_space<vmem>> -> memref<125x16xf32, #tpu.memory_space<vmem>>
        %dma_start3A_351 = arith.constant 0 : i32
        %dma_start3A_352 = tpu.memref_slice %arg7[%add3A_344, %dma_start3A_351] : memref<80x125xi32, #tpu.memory_space<vmem>> -> memref<1x125xi32, #tpu.memory_space<vmem>>
        %dma_start3A_353 = tpu.memref_squeeze %dma_start3A_352 : memref<1x125xi32, #tpu.memory_space<vmem>> -> memref<125xi32, #tpu.memory_space<vmem>>
        %dma_start3A_354 = arith.constant 0 : i32
        %dma_start3A_355 = arith.constant 0 : i32
        %dma_start3A_356 = tpu.memref_slice %arg2[%dma_start3A_354, %dma_start3A_355] : memref<10000x16xf32, #tpu.memory_space<hbm>> -> memref<10000x16xf32, #tpu.memory_space<hbm>>
        %dma_start3A_357 = tpu.memref_slice %arg10[%dma_start3A_346] : memref<5x!tpu.dma_semaphore, #tpu.memory_space<semaphore_mem>> -> memref<1x!tpu.dma_semaphore, #tpu.memory_space<semaphore_mem>>
        %dma_start3A_358 = tpu.memref_squeeze %dma_start3A_357 : memref<1x!tpu.dma_semaphore, #tpu.memory_space<semaphore_mem>> -> memref<!tpu.dma_semaphore, #tpu.memory_space<semaphore_mem>>
        tpu.enqueue_indirect_dma source(%dma_start3A_356 : memref<10000x16xf32, #tpu.memory_space<hbm>>) target(%dma_start3A_350 : memref<125x16xf32, #tpu.memory_space<vmem>>) offsets(%dma_start3A_353 : memref<125xi32, #tpu.memory_space<vmem>>) semaphore(%dma_start3A_358 : memref<!tpu.dma_semaphore, #tpu.memory_space<semaphore_mem>>)
      } else {
      }
      %dma_wait3A_284 = arith.constant 2 : i32
      %dma_wait3A_285 = arith.constant 2 : i32
      %dma_wait3A_286 = arith.constant 0 : i32
      %dma_wait3A_287 = arith.constant 0 : i32
      %dma_wait3A_288 = tpu.memref_slice %arg9[%dma_wait3A_284, %dma_wait3A_286, %dma_wait3A_287] : memref<5x125x16xf32, #tpu.memory_space<vmem>> -> memref<1x125x16xf32, #tpu.memory_space<vmem>>
      %dma_wait3A_289 = tpu.memref_squeeze %dma_wait3A_288 : memref<1x125x16xf32, #tpu.memory_space<vmem>> -> memref<125x16xf32, #tpu.memory_space<vmem>>
      %dma_wait3A_290 = arith.constant 0 : i32
      %dma_wait3A_291 = tpu.memref_slice %arg8[%add3A_170, %dma_wait3A_290] : memref<80x125xi32, #tpu.memory_space<vmem>> -> memref<1x125xi32, #tpu.memory_space<vmem>>
      %dma_wait3A_292 = tpu.memref_squeeze %dma_wait3A_291 : memref<1x125xi32, #tpu.memory_space<vmem>> -> memref<125xi32, #tpu.memory_space<vmem>>
      %dma_wait3A_293 = arith.constant 0 : i32
      %dma_wait3A_294 = arith.constant 0 : i32
      %dma_wait3A_295 = tpu.memref_slice %arg6[%dma_wait3A_293, %dma_wait3A_294] : memref<10000x16xf32, #tpu.memory_space<vmem_shared>> -> memref<10000x16xf32, #tpu.memory_space<vmem_shared>>
      %dma_wait3A_296 = tpu.memref_slice %arg11[%dma_wait3A_285] : memref<5x!tpu.dma_semaphore, #tpu.memory_space<semaphore_mem>> -> memref<1x!tpu.dma_semaphore, #tpu.memory_space<semaphore_mem>>
      %dma_wait3A_297 = tpu.memref_squeeze %dma_wait3A_296 : memref<1x!tpu.dma_semaphore, #tpu.memory_space<semaphore_mem>> -> memref<!tpu.dma_semaphore, #tpu.memory_space<semaphore_mem>>
      tpu.wait_indirect_dma semaphore(%dma_wait3A_297 : memref<!tpu.dma_semaphore, #tpu.memory_space<semaphore_mem>>) src(%dma_wait3A_289 : memref<125x16xf32, #tpu.memory_space<vmem>>) dst(%dma_wait3A_295 : memref<10000x16xf32, #tpu.memory_space<vmem_shared>>)
      %lt3A_298 = arith.constant 15 : i32
      %lt3A_299 = arith.cmpi slt, %scan3A_90, %lt3A_298 : i32
      %convert_element_type3A_300 = arith.extui %lt3A_299 : i1 to i32
      %cond3A_301 = arith.constant 0 : i32
      %cond3A_302 = arith.cmpi ne, %convert_element_type3A_300, %cond3A_301 : i32
      scf.if %cond3A_302 {
        %add3A_341 = arith.constant 5 : i32
        %add3A_342 = arith.addi %mul3A_92, %add3A_341 : i32
        %add3A_343 = arith.constant 2 : i32
        %add3A_344 = arith.addi %add3A_342, %add3A_343 : i32
        %dma_start3A_345 = arith.constant 2 : i32
        %dma_start3A_346 = arith.constant 2 : i32
        %dma_start3A_347 = arith.constant 0 : i32
        %dma_start3A_348 = arith.constant 0 : i32
        %dma_start3A_349 = tpu.memref_slice %arg9[%dma_start3A_345, %dma_start3A_347, %dma_start3A_348] : memref<5x125x16xf32, #tpu.memory_space<vmem>> -> memref<1x125x16xf32, #tpu.memory_space<vmem>>
        %dma_start3A_350 = tpu.memref_squeeze %dma_start3A_349 : memref<1x125x16xf32, #tpu.memory_space<vmem>> -> memref<125x16xf32, #tpu.memory_space<vmem>>
        %dma_start3A_351 = arith.constant 0 : i32
        %dma_start3A_352 = tpu.memref_slice %arg7[%add3A_344, %dma_start3A_351] : memref<80x125xi32, #tpu.memory_space<vmem>> -> memref<1x125xi32, #tpu.memory_space<vmem>>
        %dma_start3A_353 = tpu.memref_squeeze %dma_start3A_352 : memref<1x125xi32, #tpu.memory_space<vmem>> -> memref<125xi32, #tpu.memory_space<vmem>>
        %dma_start3A_354 = arith.constant 0 : i32
        %dma_start3A_355 = arith.constant 0 : i32
        %dma_start3A_356 = tpu.memref_slice %arg2[%dma_start3A_354, %dma_start3A_355] : memref<10000x16xf32, #tpu.memory_space<hbm>> -> memref<10000x16xf32, #tpu.memory_space<hbm>>
        %dma_start3A_357 = tpu.memref_slice %arg10[%dma_start3A_346] : memref<5x!tpu.dma_semaphore, #tpu.memory_space<semaphore_mem>> -> memref<1x!tpu.dma_semaphore, #tpu.memory_space<semaphore_mem>>
        %dma_start3A_358 = tpu.memref_squeeze %dma_start3A_357 : memref<1x!tpu.dma_semaphore, #tpu.memory_space<semaphore_mem>> -> memref<!tpu.dma_semaphore, #tpu.memory_space<semaphore_mem>>
        tpu.enqueue_indirect_dma source(%dma_start3A_356 : memref<10000x16xf32, #tpu.memory_space<hbm>>) target(%dma_start3A_350 : memref<125x16xf32, #tpu.memory_space<vmem>>) offsets(%dma_start3A_353 : memref<125xi32, #tpu.memory_space<vmem>>) semaphore(%dma_start3A_358 : memref<!tpu.dma_semaphore, #tpu.memory_space<semaphore_mem>>)
      } else {
      }
      %dma_wait3A_303 = arith.constant 3 : i32
      %dma_wait3A_304 = arith.constant 3 : i32
      %dma_wait3A_305 = arith.constant 0 : i32
      %dma_wait3A_306 = arith.constant 0 : i32
      %dma_wait3A_307 = tpu.memref_slice %arg9[%dma_wait3A_303, %dma_wait3A_305, %dma_wait3A_306] : memref<5x125x16xf32, #tpu.memory_space<vmem>> -> memref<1x125x16xf32, #tpu.memory_space<vmem>>
      %dma_wait3A_308 = tpu.memref_squeeze %dma_wait3A_307 : memref<1x125x16xf32, #tpu.memory_space<vmem>> -> memref<125x16xf32, #tpu.memory_space<vmem>>
      %dma_wait3A_309 = arith.constant 0 : i32
      %dma_wait3A_310 = tpu.memref_slice %arg8[%add3A_201, %dma_wait3A_309] : memref<80x125xi32, #tpu.memory_space<vmem>> -> memref<1x125xi32, #tpu.memory_space<vmem>>
      %dma_wait3A_311 = tpu.memref_squeeze %dma_wait3A_310 : memref<1x125xi32, #tpu.memory_space<vmem>> -> memref<125xi32, #tpu.memory_space<vmem>>
      %dma_wait3A_312 = arith.constant 0 : i32
      %dma_wait3A_313 = arith.constant 0 : i32
      %dma_wait3A_314 = tpu.memref_slice %arg6[%dma_wait3A_312, %dma_wait3A_313] : memref<10000x16xf32, #tpu.memory_space<vmem_shared>> -> memref<10000x16xf32, #tpu.memory_space<vmem_shared>>
      %dma_wait3A_315 = tpu.memref_slice %arg11[%dma_wait3A_304] : memref<5x!tpu.dma_semaphore, #tpu.memory_space<semaphore_mem>> -> memref<1x!tpu.dma_semaphore, #tpu.memory_space<semaphore_mem>>
      %dma_wait3A_316 = tpu.memref_squeeze %dma_wait3A_315 : memref<1x!tpu.dma_semaphore, #tpu.memory_space<semaphore_mem>> -> memref<!tpu.dma_semaphore, #tpu.memory_space<semaphore_mem>>
      tpu.wait_indirect_dma semaphore(%dma_wait3A_316 : memref<!tpu.dma_semaphore, #tpu.memory_space<semaphore_mem>>) src(%dma_wait3A_308 : memref<125x16xf32, #tpu.memory_space<vmem>>) dst(%dma_wait3A_314 : memref<10000x16xf32, #tpu.memory_space<vmem_shared>>)
      %lt3A_317 = arith.constant 15 : i32
      %lt3A_318 = arith.cmpi slt, %scan3A_90, %lt3A_317 : i32
      %convert_element_type3A_319 = arith.extui %lt3A_318 : i1 to i32
      %cond3A_320 = arith.constant 0 : i32
      %cond3A_321 = arith.cmpi ne, %convert_element_type3A_319, %cond3A_320 : i32
      scf.if %cond3A_321 {
        %add3A_341 = arith.constant 5 : i32
        %add3A_342 = arith.addi %mul3A_92, %add3A_341 : i32
        %add3A_343 = arith.constant 3 : i32
        %add3A_344 = arith.addi %add3A_342, %add3A_343 : i32
        %dma_start3A_345 = arith.constant 3 : i32
        %dma_start3A_346 = arith.constant 3 : i32
        %dma_start3A_347 = arith.constant 0 : i32
        %dma_start3A_348 = arith.constant 0 : i32
        %dma_start3A_349 = tpu.memref_slice %arg9[%dma_start3A_345, %dma_start3A_347, %dma_start3A_348] : memref<5x125x16xf32, #tpu.memory_space<vmem>> -> memref<1x125x16xf32, #tpu.memory_space<vmem>>
        %dma_start3A_350 = tpu.memref_squeeze %dma_start3A_349 : memref<1x125x16xf32, #tpu.memory_space<vmem>> -> memref<125x16xf32, #tpu.memory_space<vmem>>
        %dma_start3A_351 = arith.constant 0 : i32
        %dma_start3A_352 = tpu.memref_slice %arg7[%add3A_344, %dma_start3A_351] : memref<80x125xi32, #tpu.memory_space<vmem>> -> memref<1x125xi32, #tpu.memory_space<vmem>>
        %dma_start3A_353 = tpu.memref_squeeze %dma_start3A_352 : memref<1x125xi32, #tpu.memory_space<vmem>> -> memref<125xi32, #tpu.memory_space<vmem>>
        %dma_start3A_354 = arith.constant 0 : i32
        %dma_start3A_355 = arith.constant 0 : i32
        %dma_start3A_356 = tpu.memref_slice %arg2[%dma_start3A_354, %dma_start3A_355] : memref<10000x16xf32, #tpu.memory_space<hbm>> -> memref<10000x16xf32, #tpu.memory_space<hbm>>
        %dma_start3A_357 = tpu.memref_slice %arg10[%dma_start3A_346] : memref<5x!tpu.dma_semaphore, #tpu.memory_space<semaphore_mem>> -> memref<1x!tpu.dma_semaphore, #tpu.memory_space<semaphore_mem>>
        %dma_start3A_358 = tpu.memref_squeeze %dma_start3A_357 : memref<1x!tpu.dma_semaphore, #tpu.memory_space<semaphore_mem>> -> memref<!tpu.dma_semaphore, #tpu.memory_space<semaphore_mem>>
        tpu.enqueue_indirect_dma source(%dma_start3A_356 : memref<10000x16xf32, #tpu.memory_space<hbm>>) target(%dma_start3A_350 : memref<125x16xf32, #tpu.memory_space<vmem>>) offsets(%dma_start3A_353 : memref<125xi32, #tpu.memory_space<vmem>>) semaphore(%dma_start3A_358 : memref<!tpu.dma_semaphore, #tpu.memory_space<semaphore_mem>>)
      } else {
      }
      %dma_wait3A_322 = arith.constant 4 : i32
      %dma_wait3A_323 = arith.constant 4 : i32
      %dma_wait3A_324 = arith.constant 0 : i32
      %dma_wait3A_325 = arith.constant 0 : i32
      %dma_wait3A_326 = tpu.memref_slice %arg9[%dma_wait3A_322, %dma_wait3A_324, %dma_wait3A_325] : memref<5x125x16xf32, #tpu.memory_space<vmem>> -> memref<1x125x16xf32, #tpu.memory_space<vmem>>
      %dma_wait3A_327 = tpu.memref_squeeze %dma_wait3A_326 : memref<1x125x16xf32, #tpu.memory_space<vmem>> -> memref<125x16xf32, #tpu.memory_space<vmem>>
      %dma_wait3A_328 = arith.constant 0 : i32
      %dma_wait3A_329 = tpu.memref_slice %arg8[%add3A_232, %dma_wait3A_328] : memref<80x125xi32, #tpu.memory_space<vmem>> -> memref<1x125xi32, #tpu.memory_space<vmem>>
      %dma_wait3A_330 = tpu.memref_squeeze %dma_wait3A_329 : memref<1x125xi32, #tpu.memory_space<vmem>> -> memref<125xi32, #tpu.memory_space<vmem>>
      %dma_wait3A_331 = arith.constant 0 : i32
      %dma_wait3A_332 = arith.constant 0 : i32
      %dma_wait3A_333 = tpu.memref_slice %arg6[%dma_wait3A_331, %dma_wait3A_332] : memref<10000x16xf32, #tpu.memory_space<vmem_shared>> -> memref<10000x16xf32, #tpu.memory_space<vmem_shared>>
      %dma_wait3A_334 = tpu.memref_slice %arg11[%dma_wait3A_323] : memref<5x!tpu.dma_semaphore, #tpu.memory_space<semaphore_mem>> -> memref<1x!tpu.dma_semaphore, #tpu.memory_space<semaphore_mem>>
      %dma_wait3A_335 = tpu.memref_squeeze %dma_wait3A_334 : memref<1x!tpu.dma_semaphore, #tpu.memory_space<semaphore_mem>> -> memref<!tpu.dma_semaphore, #tpu.memory_space<semaphore_mem>>
      tpu.wait_indirect_dma semaphore(%dma_wait3A_335 : memref<!tpu.dma_semaphore, #tpu.memory_space<semaphore_mem>>) src(%dma_wait3A_327 : memref<125x16xf32, #tpu.memory_space<vmem>>) dst(%dma_wait3A_333 : memref<10000x16xf32, #tpu.memory_space<vmem_shared>>)
      %lt3A_336 = arith.constant 15 : i32
      %lt3A_337 = arith.cmpi slt, %scan3A_90, %lt3A_336 : i32
      %convert_element_type3A_338 = arith.extui %lt3A_337 : i1 to i32
      %cond3A_339 = arith.constant 0 : i32
      %cond3A_340 = arith.cmpi ne, %convert_element_type3A_338, %cond3A_339 : i32
      scf.if %cond3A_340 {
        %add3A_341 = arith.constant 5 : i32
        %add3A_342 = arith.addi %mul3A_92, %add3A_341 : i32
        %add3A_343 = arith.constant 4 : i32
        %add3A_344 = arith.addi %add3A_342, %add3A_343 : i32
        %dma_start3A_345 = arith.constant 4 : i32
        %dma_start3A_346 = arith.constant 4 : i32
        %dma_start3A_347 = arith.constant 0 : i32
        %dma_start3A_348 = arith.constant 0 : i32
        %dma_start3A_349 = tpu.memref_slice %arg9[%dma_start3A_345, %dma_start3A_347, %dma_start3A_348] : memref<5x125x16xf32, #tpu.memory_space<vmem>> -> memref<1x125x16xf32, #tpu.memory_space<vmem>>
        %dma_start3A_350 = tpu.memref_squeeze %dma_start3A_349 : memref<1x125x16xf32, #tpu.memory_space<vmem>> -> memref<125x16xf32, #tpu.memory_space<vmem>>
        %dma_start3A_351 = arith.constant 0 : i32
        %dma_start3A_352 = tpu.memref_slice %arg7[%add3A_344, %dma_start3A_351] : memref<80x125xi32, #tpu.memory_space<vmem>> -> memref<1x125xi32, #tpu.memory_space<vmem>>
        %dma_start3A_353 = tpu.memref_squeeze %dma_start3A_352 : memref<1x125xi32, #tpu.memory_space<vmem>> -> memref<125xi32, #tpu.memory_space<vmem>>
        %dma_start3A_354 = arith.constant 0 : i32
        %dma_start3A_355 = arith.constant 0 : i32
        %dma_start3A_356 = tpu.memref_slice %arg2[%dma_start3A_354, %dma_start3A_355] : memref<10000x16xf32, #tpu.memory_space<hbm>> -> memref<10000x16xf32, #tpu.memory_space<hbm>>
        %dma_start3A_357 = tpu.memref_slice %arg10[%dma_start3A_346] : memref<5x!tpu.dma_semaphore, #tpu.memory_space<semaphore_mem>> -> memref<1x!tpu.dma_semaphore, #tpu.memory_space<semaphore_mem>>
        %dma_start3A_358 = tpu.memref_squeeze %dma_start3A_357 : memref<1x!tpu.dma_semaphore, #tpu.memory_space<semaphore_mem>> -> memref<!tpu.dma_semaphore, #tpu.memory_space<semaphore_mem>>
        tpu.enqueue_indirect_dma source(%dma_start3A_356 : memref<10000x16xf32, #tpu.memory_space<hbm>>) target(%dma_start3A_350 : memref<125x16xf32, #tpu.memory_space<vmem>>) offsets(%dma_start3A_353 : memref<125xi32, #tpu.memory_space<vmem>>) semaphore(%dma_start3A_358 : memref<!tpu.dma_semaphore, #tpu.memory_space<semaphore_mem>>)
      } else {
      }
    }
    %scan3A_83 = arith.constant 16 : i32
    %barrier3A_84 = arith.constant 0 : index
    tpu.barrier barrier_id(%barrier3A_84)
    "tpu.region"() ({
      %run_scoped3A = tpu.sem_alloc : memref<!tpu.dma_semaphore, #tpu.memory_space<semaphore_mem>>
      %dma_start3A_90 = arith.constant 0 : i32
      %dma_start3A_91 = tpu.memref_slice %arg5[%arg0, %multiple_of3A, %dma_start3A_90] : memref<2x10000x16xf32, #tpu.memory_space<hbm>> -> memref<1x624x16xf32, #tpu.memory_space<hbm>>
      %dma_start3A_92 = tpu.memref_squeeze %dma_start3A_91 : memref<1x624x16xf32, #tpu.memory_space<hbm>> -> memref<624x16xf32, #tpu.memory_space<hbm>>
      %dma_start3A_93 = arith.constant 0 : i32
      %dma_start3A_94 = tpu.memref_slice %arg6[%multiple_of3A, %dma_start3A_93] : memref<10000x16xf32, #tpu.memory_space<vmem_shared>> -> memref<624x16xf32, #tpu.memory_space<vmem_shared>>
      tpu.enqueue_dma source(%dma_start3A_94 : memref<624x16xf32, #tpu.memory_space<vmem_shared>>) target(%dma_start3A_92 : memref<624x16xf32, #tpu.memory_space<hbm>>) target_semaphore(%run_scoped3A : memref<!tpu.dma_semaphore, #tpu.memory_space<semaphore_mem>>)
      %dma_wait3A = arith.constant 0 : i32
      %dma_wait3A_95 = tpu.memref_slice %arg5[%arg0, %multiple_of3A, %dma_wait3A] : memref<2x10000x16xf32, #tpu.memory_space<hbm>> -> memref<1x624x16xf32, #tpu.memory_space<hbm>>
      %dma_wait3A_96 = tpu.memref_squeeze %dma_wait3A_95 : memref<1x624x16xf32, #tpu.memory_space<hbm>> -> memref<624x16xf32, #tpu.memory_space<hbm>>
      %dma_wait3A_97 = arith.constant 0 : i32
      %dma_wait3A_98 = tpu.memref_slice %arg6[%multiple_of3A, %dma_wait3A_97] : memref<10000x16xf32, #tpu.memory_space<vmem_shared>> -> memref<624x16xf32, #tpu.memory_space<vmem_shared>>
      tpu.wait_dma2 semaphore(%run_scoped3A : memref<!tpu.dma_semaphore, #tpu.memory_space<semaphore_mem>>) src(%dma_wait3A_98 : memref<624x16xf32, #tpu.memory_space<vmem_shared>>) dst(%dma_wait3A_96 : memref<624x16xf32, #tpu.memory_space<hbm>>)
      tpu.yield
    }) : () -> ()
    %eq3A_85 = arith.constant 0 : i32
    %eq3A_86 = arith.cmpi eq, %arg1, %eq3A_85 : i32
    %convert_element_type3A_87 = arith.extui %eq3A_86 : i1 to i32
    %cond3A_88 = arith.constant 0 : i32
    %cond3A_89 = arith.cmpi ne, %convert_element_type3A_87, %cond3A_88 : i32
    scf.if %cond3A_89 {
      "tpu.region"() ({
        %run_scoped3A = tpu.sem_alloc : memref<!tpu.dma_semaphore, #tpu.memory_space<semaphore_mem>>
        %dma_start3A_90 = arith.constant 9984 : i32
        %dma_start3A_91 = arith.constant 0 : i32
        %dma_start3A_92 = tpu.memref_slice %arg5[%arg0, %dma_start3A_90, %dma_start3A_91] : memref<2x10000x16xf32, #tpu.memory_space<hbm>> -> memref<1x16x16xf32, #tpu.memory_space<hbm>>
        %dma_start3A_93 = tpu.memref_squeeze %dma_start3A_92 : memref<1x16x16xf32, #tpu.memory_space<hbm>> -> memref<16x16xf32, #tpu.memory_space<hbm>>
        %dma_start3A_94 = arith.constant 9984 : i32
        %dma_start3A_95 = arith.constant 0 : i32
        %dma_start3A_96 = tpu.memref_slice %arg6[%dma_start3A_94, %dma_start3A_95] : memref<10000x16xf32, #tpu.memory_space<vmem_shared>> -> memref<16x16xf32, #tpu.memory_space<vmem_shared>>
        tpu.enqueue_dma source(%dma_start3A_96 : memref<16x16xf32, #tpu.memory_space<vmem_shared>>) target(%dma_start3A_93 : memref<16x16xf32, #tpu.memory_space<hbm>>) target_semaphore(%run_scoped3A : memref<!tpu.dma_semaphore, #tpu.memory_space<semaphore_mem>>)
        %dma_wait3A = arith.constant 9984 : i32
        %dma_wait3A_97 = arith.constant 0 : i32
        %dma_wait3A_98 = tpu.memref_slice %arg5[%arg0, %dma_wait3A, %dma_wait3A_97] : memref<2x10000x16xf32, #tpu.memory_space<hbm>> -> memref<1x16x16xf32, #tpu.memory_space<hbm>>
        %dma_wait3A_99 = tpu.memref_squeeze %dma_wait3A_98 : memref<1x16x16xf32, #tpu.memory_space<hbm>> -> memref<16x16xf32, #tpu.memory_space<hbm>>
        %dma_wait3A_100 = arith.constant 9984 : i32
        %dma_wait3A_101 = arith.constant 0 : i32
        %dma_wait3A_102 = tpu.memref_slice %arg6[%dma_wait3A_100, %dma_wait3A_101] : memref<10000x16xf32, #tpu.memory_space<vmem_shared>> -> memref<16x16xf32, #tpu.memory_space<vmem_shared>>
        tpu.wait_dma2 semaphore(%run_scoped3A : memref<!tpu.dma_semaphore, #tpu.memory_space<semaphore_mem>>) src(%dma_wait3A_102 : memref<16x16xf32, #tpu.memory_space<vmem_shared>>) dst(%dma_wait3A_99 : memref<16x16xf32, #tpu.memory_space<hbm>>)
        tpu.yield
      }) : () -> ()
    } else {
    }
    return
  }
}

#map = affine_map<(d0, d1) -> (0, 0)>
#map1 = affine_map<(d0, d1) -> (0, 0, 0)>
module attributes {stable_mosaic.version = 14 : i64} {
  func.func @_prop(%arg0: i32, %arg1: i32, %arg2: memref<10000x128xf32, #tpu.memory_space<hbm>>, %arg3: memref<32x250x40xi32, #tpu.memory_space<hbm>>, %arg4: memref<32x250x40xi32, #tpu.memory_space<hbm>>, %arg5: memref<2x10000x128xf32, #tpu.memory_space<hbm>>, %arg6: memref<10000x128xf32, #tpu.memory_space<vmem_shared>>, %arg7: memref<250x40xi32, #tpu.memory_space<vmem>>, %arg8: memref<250x40xi32, #tpu.memory_space<vmem>>, %arg9: memref<5x40x128xf32, #tpu.memory_space<vmem>>, %arg10: memref<5x!tpu.dma_semaphore, #tpu.memory_space<semaphore_mem>>, %arg11: memref<5x!tpu.dma_semaphore, #tpu.memory_space<semaphore_mem>>) attributes {dimension_semantics = [#tpu.dimension_semantics<core_parallel>, #tpu.dimension_semantics<subcore_parallel>], iteration_bounds = array<i64: 2, 16>, scalar_prefetch = 0 : i64, scratch_operands = 6 : i64, tpu.core_type = #tpu.core_type<sc_vector_subcore>, window_params = [{transform_indices = #map}, {transform_indices = #map1}, {transform_indices = #map1}, {transform_indices = #map1}]} {
    %mul3A = arith.constant 16 : i32
    %mul3A_0 = arith.muli %arg0, %mul3A : i32
    %add3A = arith.addi %mul3A_0, %arg1 : i32
    "tpu.region"() ({
      %run_scoped3A = tpu.sem_alloc : memref<!tpu.dma_semaphore, #tpu.memory_space<semaphore_mem>>
      %dma_start3A_90 = arith.constant 0 : i32
      %dma_start3A_91 = arith.constant 0 : i32
      %dma_start3A_92 = tpu.memref_slice %arg3[%add3A, %dma_start3A_90, %dma_start3A_91] : memref<32x250x40xi32, #tpu.memory_space<hbm>> -> memref<1x250x40xi32, #tpu.memory_space<hbm>>
      %dma_start3A_93 = tpu.memref_squeeze %dma_start3A_92 : memref<1x250x40xi32, #tpu.memory_space<hbm>> -> memref<250x40xi32, #tpu.memory_space<hbm>>
      %dma_start3A_94 = arith.constant 0 : i32
      %dma_start3A_95 = arith.constant 0 : i32
      %dma_start3A_96 = tpu.memref_slice %arg3[%add3A, %dma_start3A_94, %dma_start3A_95] : memref<32x250x40xi32, #tpu.memory_space<hbm>> -> memref<1x250x40xi32, #tpu.memory_space<hbm>>
      %dma_start3A_97 = tpu.memref_squeeze %dma_start3A_96 : memref<1x250x40xi32, #tpu.memory_space<hbm>> -> memref<250x40xi32, #tpu.memory_space<hbm>>
      tpu.enqueue_dma source(%dma_start3A_97 : memref<250x40xi32, #tpu.memory_space<hbm>>) target(%arg7 : memref<250x40xi32, #tpu.memory_space<vmem>>) target_semaphore(%run_scoped3A : memref<!tpu.dma_semaphore, #tpu.memory_space<semaphore_mem>>)
      %dma_wait3A = arith.constant 0 : i32
      %dma_wait3A_98 = arith.constant 0 : i32
      %dma_wait3A_99 = tpu.memref_slice %arg3[%add3A, %dma_wait3A, %dma_wait3A_98] : memref<32x250x40xi32, #tpu.memory_space<hbm>> -> memref<1x250x40xi32, #tpu.memory_space<hbm>>
      %dma_wait3A_100 = tpu.memref_squeeze %dma_wait3A_99 : memref<1x250x40xi32, #tpu.memory_space<hbm>> -> memref<250x40xi32, #tpu.memory_space<hbm>>
      %dma_wait3A_101 = arith.constant 0 : i32
      %dma_wait3A_102 = arith.constant 0 : i32
      %dma_wait3A_103 = tpu.memref_slice %arg3[%add3A, %dma_wait3A_101, %dma_wait3A_102] : memref<32x250x40xi32, #tpu.memory_space<hbm>> -> memref<1x250x40xi32, #tpu.memory_space<hbm>>
      %dma_wait3A_104 = tpu.memref_squeeze %dma_wait3A_103 : memref<1x250x40xi32, #tpu.memory_space<hbm>> -> memref<250x40xi32, #tpu.memory_space<hbm>>
      tpu.wait_dma2 semaphore(%run_scoped3A : memref<!tpu.dma_semaphore, #tpu.memory_space<semaphore_mem>>) src(%dma_wait3A_104 : memref<250x40xi32, #tpu.memory_space<hbm>>) dst(%arg7 : memref<250x40xi32, #tpu.memory_space<vmem>>)
      tpu.yield
    }) : () -> ()
    "tpu.region"() ({
      %run_scoped3A = tpu.sem_alloc : memref<!tpu.dma_semaphore, #tpu.memory_space<semaphore_mem>>
      %dma_start3A_90 = arith.constant 0 : i32
      %dma_start3A_91 = arith.constant 0 : i32
      %dma_start3A_92 = tpu.memref_slice %arg4[%add3A, %dma_start3A_90, %dma_start3A_91] : memref<32x250x40xi32, #tpu.memory_space<hbm>> -> memref<1x250x40xi32, #tpu.memory_space<hbm>>
      %dma_start3A_93 = tpu.memref_squeeze %dma_start3A_92 : memref<1x250x40xi32, #tpu.memory_space<hbm>> -> memref<250x40xi32, #tpu.memory_space<hbm>>
      %dma_start3A_94 = arith.constant 0 : i32
      %dma_start3A_95 = arith.constant 0 : i32
      %dma_start3A_96 = tpu.memref_slice %arg4[%add3A, %dma_start3A_94, %dma_start3A_95] : memref<32x250x40xi32, #tpu.memory_space<hbm>> -> memref<1x250x40xi32, #tpu.memory_space<hbm>>
      %dma_start3A_97 = tpu.memref_squeeze %dma_start3A_96 : memref<1x250x40xi32, #tpu.memory_space<hbm>> -> memref<250x40xi32, #tpu.memory_space<hbm>>
      tpu.enqueue_dma source(%dma_start3A_97 : memref<250x40xi32, #tpu.memory_space<hbm>>) target(%arg8 : memref<250x40xi32, #tpu.memory_space<vmem>>) target_semaphore(%run_scoped3A : memref<!tpu.dma_semaphore, #tpu.memory_space<semaphore_mem>>)
      %dma_wait3A = arith.constant 0 : i32
      %dma_wait3A_98 = arith.constant 0 : i32
      %dma_wait3A_99 = tpu.memref_slice %arg4[%add3A, %dma_wait3A, %dma_wait3A_98] : memref<32x250x40xi32, #tpu.memory_space<hbm>> -> memref<1x250x40xi32, #tpu.memory_space<hbm>>
      %dma_wait3A_100 = tpu.memref_squeeze %dma_wait3A_99 : memref<1x250x40xi32, #tpu.memory_space<hbm>> -> memref<250x40xi32, #tpu.memory_space<hbm>>
      %dma_wait3A_101 = arith.constant 0 : i32
      %dma_wait3A_102 = arith.constant 0 : i32
      %dma_wait3A_103 = tpu.memref_slice %arg4[%add3A, %dma_wait3A_101, %dma_wait3A_102] : memref<32x250x40xi32, #tpu.memory_space<hbm>> -> memref<1x250x40xi32, #tpu.memory_space<hbm>>
      %dma_wait3A_104 = tpu.memref_squeeze %dma_wait3A_103 : memref<1x250x40xi32, #tpu.memory_space<hbm>> -> memref<250x40xi32, #tpu.memory_space<hbm>>
      tpu.wait_dma2 semaphore(%run_scoped3A : memref<!tpu.dma_semaphore, #tpu.memory_space<semaphore_mem>>) src(%dma_wait3A_104 : memref<250x40xi32, #tpu.memory_space<hbm>>) dst(%arg8 : memref<250x40xi32, #tpu.memory_space<vmem>>)
      tpu.yield
    }) : () -> ()
    %mul3A_1 = arith.constant 624 : i32
    %mul3A_2 = arith.muli %arg1, %mul3A_1 : i32
    %multiple_of3A = tpu.assume_multiple %mul3A_2, 8 : i32
    "tpu.region"() ({
      %run_scoped3A = tpu.sem_alloc : memref<!tpu.dma_semaphore, #tpu.memory_space<semaphore_mem>>
      %dma_start3A_90 = arith.constant 0 : i32
      %dma_start3A_91 = tpu.memref_slice %arg6[%multiple_of3A, %dma_start3A_90] : memref<10000x128xf32, #tpu.memory_space<vmem_shared>> -> memref<624x128xf32, #tpu.memory_space<vmem_shared>>
      %dma_start3A_92 = arith.constant 0 : i32
      %dma_start3A_93 = tpu.memref_slice %arg2[%multiple_of3A, %dma_start3A_92] : memref<10000x128xf32, #tpu.memory_space<hbm>> -> memref<624x128xf32, #tpu.memory_space<hbm>>
      tpu.enqueue_dma source(%dma_start3A_93 : memref<624x128xf32, #tpu.memory_space<hbm>>) target(%dma_start3A_91 : memref<624x128xf32, #tpu.memory_space<vmem_shared>>) target_semaphore(%run_scoped3A : memref<!tpu.dma_semaphore, #tpu.memory_space<semaphore_mem>>)
      %dma_wait3A = arith.constant 0 : i32
      %dma_wait3A_94 = tpu.memref_slice %arg6[%multiple_of3A, %dma_wait3A] : memref<10000x128xf32, #tpu.memory_space<vmem_shared>> -> memref<624x128xf32, #tpu.memory_space<vmem_shared>>
      %dma_wait3A_95 = arith.constant 0 : i32
      %dma_wait3A_96 = tpu.memref_slice %arg2[%multiple_of3A, %dma_wait3A_95] : memref<10000x128xf32, #tpu.memory_space<hbm>> -> memref<624x128xf32, #tpu.memory_space<hbm>>
      tpu.wait_dma2 semaphore(%run_scoped3A : memref<!tpu.dma_semaphore, #tpu.memory_space<semaphore_mem>>) src(%dma_wait3A_96 : memref<624x128xf32, #tpu.memory_space<hbm>>) dst(%dma_wait3A_94 : memref<624x128xf32, #tpu.memory_space<vmem_shared>>)
      tpu.yield
    }) : () -> ()
    %eq3A = arith.constant 0 : i32
    %eq3A_3 = arith.cmpi eq, %arg1, %eq3A : i32
    %convert_element_type3A = arith.extui %eq3A_3 : i1 to i32
    %cond3A = arith.constant 0 : i32
    %cond3A_4 = arith.cmpi ne, %convert_element_type3A, %cond3A : i32
    scf.if %cond3A_4 {
      "tpu.region"() ({
        %run_scoped3A = tpu.sem_alloc : memref<!tpu.dma_semaphore, #tpu.memory_space<semaphore_mem>>
        %dma_start3A_90 = arith.constant 9984 : i32
        %dma_start3A_91 = arith.constant 0 : i32
        %dma_start3A_92 = tpu.memref_slice %arg6[%dma_start3A_90, %dma_start3A_91] : memref<10000x128xf32, #tpu.memory_space<vmem_shared>> -> memref<16x128xf32, #tpu.memory_space<vmem_shared>>
        %dma_start3A_93 = arith.constant 9984 : i32
        %dma_start3A_94 = arith.constant 0 : i32
        %dma_start3A_95 = tpu.memref_slice %arg2[%dma_start3A_93, %dma_start3A_94] : memref<10000x128xf32, #tpu.memory_space<hbm>> -> memref<16x128xf32, #tpu.memory_space<hbm>>
        tpu.enqueue_dma source(%dma_start3A_95 : memref<16x128xf32, #tpu.memory_space<hbm>>) target(%dma_start3A_92 : memref<16x128xf32, #tpu.memory_space<vmem_shared>>) target_semaphore(%run_scoped3A : memref<!tpu.dma_semaphore, #tpu.memory_space<semaphore_mem>>)
        %dma_wait3A = arith.constant 9984 : i32
        %dma_wait3A_96 = arith.constant 0 : i32
        %dma_wait3A_97 = tpu.memref_slice %arg6[%dma_wait3A, %dma_wait3A_96] : memref<10000x128xf32, #tpu.memory_space<vmem_shared>> -> memref<16x128xf32, #tpu.memory_space<vmem_shared>>
        %dma_wait3A_98 = arith.constant 9984 : i32
        %dma_wait3A_99 = arith.constant 0 : i32
        %dma_wait3A_100 = tpu.memref_slice %arg2[%dma_wait3A_98, %dma_wait3A_99] : memref<10000x128xf32, #tpu.memory_space<hbm>> -> memref<16x128xf32, #tpu.memory_space<hbm>>
        tpu.wait_dma2 semaphore(%run_scoped3A : memref<!tpu.dma_semaphore, #tpu.memory_space<semaphore_mem>>) src(%dma_wait3A_100 : memref<16x128xf32, #tpu.memory_space<hbm>>) dst(%dma_wait3A_97 : memref<16x128xf32, #tpu.memory_space<vmem_shared>>)
        tpu.yield
      }) : () -> ()
    } else {
    }
    %barrier3A = arith.constant 0 : index
    tpu.barrier barrier_id(%barrier3A)
    %dma_start3A = arith.constant 0 : i32
    %dma_start3A_5 = arith.constant 0 : i32
    %dma_start3A_6 = arith.constant 0 : i32
    %dma_start3A_7 = arith.constant 0 : i32
    %dma_start3A_8 = arith.constant 0 : i32
    %dma_start3A_9 = tpu.memref_slice %arg9[%dma_start3A_5, %dma_start3A_7, %dma_start3A_8] : memref<5x40x128xf32, #tpu.memory_space<vmem>> -> memref<1x40x128xf32, #tpu.memory_space<vmem>>
    %dma_start3A_10 = tpu.memref_squeeze %dma_start3A_9 : memref<1x40x128xf32, #tpu.memory_space<vmem>> -> memref<40x128xf32, #tpu.memory_space<vmem>>
    %dma_start3A_11 = arith.constant 0 : i32
    %dma_start3A_12 = tpu.memref_slice %arg7[%dma_start3A, %dma_start3A_11] : memref<250x40xi32, #tpu.memory_space<vmem>> -> memref<1x40xi32, #tpu.memory_space<vmem>>
    %dma_start3A_13 = tpu.memref_squeeze %dma_start3A_12 : memref<1x40xi32, #tpu.memory_space<vmem>> -> memref<40xi32, #tpu.memory_space<vmem>>
    %dma_start3A_14 = arith.constant 0 : i32
    %dma_start3A_15 = arith.constant 0 : i32
    %dma_start3A_16 = tpu.memref_slice %arg2[%dma_start3A_14, %dma_start3A_15] : memref<10000x128xf32, #tpu.memory_space<hbm>> -> memref<10000x128xf32, #tpu.memory_space<hbm>>
    %dma_start3A_17 = tpu.memref_slice %arg10[%dma_start3A_6] : memref<5x!tpu.dma_semaphore, #tpu.memory_space<semaphore_mem>> -> memref<1x!tpu.dma_semaphore, #tpu.memory_space<semaphore_mem>>
    %dma_start3A_18 = tpu.memref_squeeze %dma_start3A_17 : memref<1x!tpu.dma_semaphore, #tpu.memory_space<semaphore_mem>> -> memref<!tpu.dma_semaphore, #tpu.memory_space<semaphore_mem>>
    tpu.enqueue_indirect_dma source(%dma_start3A_16 : memref<10000x128xf32, #tpu.memory_space<hbm>>) target(%dma_start3A_10 : memref<40x128xf32, #tpu.memory_space<vmem>>) offsets(%dma_start3A_13 : memref<40xi32, #tpu.memory_space<vmem>>) semaphore(%dma_start3A_18 : memref<!tpu.dma_semaphore, #tpu.memory_space<semaphore_mem>>)
    %dma_start3A_19 = arith.constant 1 : i32
    %dma_start3A_20 = arith.constant 1 : i32
    %dma_start3A_21 = arith.constant 1 : i32
    %dma_start3A_22 = arith.constant 0 : i32
    %dma_start3A_23 = arith.constant 0 : i32
    %dma_start3A_24 = tpu.memref_slice %arg9[%dma_start3A_20, %dma_start3A_22, %dma_start3A_23] : memref<5x40x128xf32, #tpu.memory_space<vmem>> -> memref<1x40x128xf32, #tpu.memory_space<vmem>>
    %dma_start3A_25 = tpu.memref_squeeze %dma_start3A_24 : memref<1x40x128xf32, #tpu.memory_space<vmem>> -> memref<40x128xf32, #tpu.memory_space<vmem>>
    %dma_start3A_26 = arith.constant 0 : i32
    %dma_start3A_27 = tpu.memref_slice %arg7[%dma_start3A_19, %dma_start3A_26] : memref<250x40xi32, #tpu.memory_space<vmem>> -> memref<1x40xi32, #tpu.memory_space<vmem>>
    %dma_start3A_28 = tpu.memref_squeeze %dma_start3A_27 : memref<1x40xi32, #tpu.memory_space<vmem>> -> memref<40xi32, #tpu.memory_space<vmem>>
    %dma_start3A_29 = arith.constant 0 : i32
    %dma_start3A_30 = arith.constant 0 : i32
    %dma_start3A_31 = tpu.memref_slice %arg2[%dma_start3A_29, %dma_start3A_30] : memref<10000x128xf32, #tpu.memory_space<hbm>> -> memref<10000x128xf32, #tpu.memory_space<hbm>>
    %dma_start3A_32 = tpu.memref_slice %arg10[%dma_start3A_21] : memref<5x!tpu.dma_semaphore, #tpu.memory_space<semaphore_mem>> -> memref<1x!tpu.dma_semaphore, #tpu.memory_space<semaphore_mem>>
    %dma_start3A_33 = tpu.memref_squeeze %dma_start3A_32 : memref<1x!tpu.dma_semaphore, #tpu.memory_space<semaphore_mem>> -> memref<!tpu.dma_semaphore, #tpu.memory_space<semaphore_mem>>
    tpu.enqueue_indirect_dma source(%dma_start3A_31 : memref<10000x128xf32, #tpu.memory_space<hbm>>) target(%dma_start3A_25 : memref<40x128xf32, #tpu.memory_space<vmem>>) offsets(%dma_start3A_28 : memref<40xi32, #tpu.memory_space<vmem>>) semaphore(%dma_start3A_33 : memref<!tpu.dma_semaphore, #tpu.memory_space<semaphore_mem>>)
    %dma_start3A_34 = arith.constant 2 : i32
    %dma_start3A_35 = arith.constant 2 : i32
    %dma_start3A_36 = arith.constant 2 : i32
    %dma_start3A_37 = arith.constant 0 : i32
    %dma_start3A_38 = arith.constant 0 : i32
    %dma_start3A_39 = tpu.memref_slice %arg9[%dma_start3A_35, %dma_start3A_37, %dma_start3A_38] : memref<5x40x128xf32, #tpu.memory_space<vmem>> -> memref<1x40x128xf32, #tpu.memory_space<vmem>>
    %dma_start3A_40 = tpu.memref_squeeze %dma_start3A_39 : memref<1x40x128xf32, #tpu.memory_space<vmem>> -> memref<40x128xf32, #tpu.memory_space<vmem>>
    %dma_start3A_41 = arith.constant 0 : i32
    %dma_start3A_42 = tpu.memref_slice %arg7[%dma_start3A_34, %dma_start3A_41] : memref<250x40xi32, #tpu.memory_space<vmem>> -> memref<1x40xi32, #tpu.memory_space<vmem>>
    %dma_start3A_43 = tpu.memref_squeeze %dma_start3A_42 : memref<1x40xi32, #tpu.memory_space<vmem>> -> memref<40xi32, #tpu.memory_space<vmem>>
    %dma_start3A_44 = arith.constant 0 : i32
    %dma_start3A_45 = arith.constant 0 : i32
    %dma_start3A_46 = tpu.memref_slice %arg2[%dma_start3A_44, %dma_start3A_45] : memref<10000x128xf32, #tpu.memory_space<hbm>> -> memref<10000x128xf32, #tpu.memory_space<hbm>>
    %dma_start3A_47 = tpu.memref_slice %arg10[%dma_start3A_36] : memref<5x!tpu.dma_semaphore, #tpu.memory_space<semaphore_mem>> -> memref<1x!tpu.dma_semaphore, #tpu.memory_space<semaphore_mem>>
    %dma_start3A_48 = tpu.memref_squeeze %dma_start3A_47 : memref<1x!tpu.dma_semaphore, #tpu.memory_space<semaphore_mem>> -> memref<!tpu.dma_semaphore, #tpu.memory_space<semaphore_mem>>
    tpu.enqueue_indirect_dma source(%dma_start3A_46 : memref<10000x128xf32, #tpu.memory_space<hbm>>) target(%dma_start3A_40 : memref<40x128xf32, #tpu.memory_space<vmem>>) offsets(%dma_start3A_43 : memref<40xi32, #tpu.memory_space<vmem>>) semaphore(%dma_start3A_48 : memref<!tpu.dma_semaphore, #tpu.memory_space<semaphore_mem>>)
    %dma_start3A_49 = arith.constant 3 : i32
    %dma_start3A_50 = arith.constant 3 : i32
    %dma_start3A_51 = arith.constant 3 : i32
    %dma_start3A_52 = arith.constant 0 : i32
    %dma_start3A_53 = arith.constant 0 : i32
    %dma_start3A_54 = tpu.memref_slice %arg9[%dma_start3A_50, %dma_start3A_52, %dma_start3A_53] : memref<5x40x128xf32, #tpu.memory_space<vmem>> -> memref<1x40x128xf32, #tpu.memory_space<vmem>>
    %dma_start3A_55 = tpu.memref_squeeze %dma_start3A_54 : memref<1x40x128xf32, #tpu.memory_space<vmem>> -> memref<40x128xf32, #tpu.memory_space<vmem>>
    %dma_start3A_56 = arith.constant 0 : i32
    %dma_start3A_57 = tpu.memref_slice %arg7[%dma_start3A_49, %dma_start3A_56] : memref<250x40xi32, #tpu.memory_space<vmem>> -> memref<1x40xi32, #tpu.memory_space<vmem>>
    %dma_start3A_58 = tpu.memref_squeeze %dma_start3A_57 : memref<1x40xi32, #tpu.memory_space<vmem>> -> memref<40xi32, #tpu.memory_space<vmem>>
    %dma_start3A_59 = arith.constant 0 : i32
    %dma_start3A_60 = arith.constant 0 : i32
    %dma_start3A_61 = tpu.memref_slice %arg2[%dma_start3A_59, %dma_start3A_60] : memref<10000x128xf32, #tpu.memory_space<hbm>> -> memref<10000x128xf32, #tpu.memory_space<hbm>>
    %dma_start3A_62 = tpu.memref_slice %arg10[%dma_start3A_51] : memref<5x!tpu.dma_semaphore, #tpu.memory_space<semaphore_mem>> -> memref<1x!tpu.dma_semaphore, #tpu.memory_space<semaphore_mem>>
    %dma_start3A_63 = tpu.memref_squeeze %dma_start3A_62 : memref<1x!tpu.dma_semaphore, #tpu.memory_space<semaphore_mem>> -> memref<!tpu.dma_semaphore, #tpu.memory_space<semaphore_mem>>
    tpu.enqueue_indirect_dma source(%dma_start3A_61 : memref<10000x128xf32, #tpu.memory_space<hbm>>) target(%dma_start3A_55 : memref<40x128xf32, #tpu.memory_space<vmem>>) offsets(%dma_start3A_58 : memref<40xi32, #tpu.memory_space<vmem>>) semaphore(%dma_start3A_63 : memref<!tpu.dma_semaphore, #tpu.memory_space<semaphore_mem>>)
    %dma_start3A_64 = arith.constant 4 : i32
    %dma_start3A_65 = arith.constant 4 : i32
    %dma_start3A_66 = arith.constant 4 : i32
    %dma_start3A_67 = arith.constant 0 : i32
    %dma_start3A_68 = arith.constant 0 : i32
    %dma_start3A_69 = tpu.memref_slice %arg9[%dma_start3A_65, %dma_start3A_67, %dma_start3A_68] : memref<5x40x128xf32, #tpu.memory_space<vmem>> -> memref<1x40x128xf32, #tpu.memory_space<vmem>>
    %dma_start3A_70 = tpu.memref_squeeze %dma_start3A_69 : memref<1x40x128xf32, #tpu.memory_space<vmem>> -> memref<40x128xf32, #tpu.memory_space<vmem>>
    %dma_start3A_71 = arith.constant 0 : i32
    %dma_start3A_72 = tpu.memref_slice %arg7[%dma_start3A_64, %dma_start3A_71] : memref<250x40xi32, #tpu.memory_space<vmem>> -> memref<1x40xi32, #tpu.memory_space<vmem>>
    %dma_start3A_73 = tpu.memref_squeeze %dma_start3A_72 : memref<1x40xi32, #tpu.memory_space<vmem>> -> memref<40xi32, #tpu.memory_space<vmem>>
    %dma_start3A_74 = arith.constant 0 : i32
    %dma_start3A_75 = arith.constant 0 : i32
    %dma_start3A_76 = tpu.memref_slice %arg2[%dma_start3A_74, %dma_start3A_75] : memref<10000x128xf32, #tpu.memory_space<hbm>> -> memref<10000x128xf32, #tpu.memory_space<hbm>>
    %dma_start3A_77 = tpu.memref_slice %arg10[%dma_start3A_66] : memref<5x!tpu.dma_semaphore, #tpu.memory_space<semaphore_mem>> -> memref<1x!tpu.dma_semaphore, #tpu.memory_space<semaphore_mem>>
    %dma_start3A_78 = tpu.memref_squeeze %dma_start3A_77 : memref<1x!tpu.dma_semaphore, #tpu.memory_space<semaphore_mem>> -> memref<!tpu.dma_semaphore, #tpu.memory_space<semaphore_mem>>
    tpu.enqueue_indirect_dma source(%dma_start3A_76 : memref<10000x128xf32, #tpu.memory_space<hbm>>) target(%dma_start3A_70 : memref<40x128xf32, #tpu.memory_space<vmem>>) offsets(%dma_start3A_73 : memref<40xi32, #tpu.memory_space<vmem>>) semaphore(%dma_start3A_78 : memref<!tpu.dma_semaphore, #tpu.memory_space<semaphore_mem>>)
    %scan3A = arith.constant 0 : i32
    %scan3A_79 = arith.constant 0 : i32
    %scan3A_80 = arith.constant 50 : i32
    %scan3A_81 = arith.addi %scan3A_79, %scan3A_80 : i32
    %scan3A_82 = arith.constant 1 : i32
    scf.for %scan3A_90 = %scan3A_79 to %scan3A_81 step %scan3A_82  : i32 {
      %mul3A_91 = arith.constant 5 : i32
      %mul3A_92 = arith.muli %scan3A_90, %mul3A_91 : i32
      %dma_wait3A = arith.constant 0 : i32
      %dma_wait3A_93 = arith.constant 0 : i32
      %dma_wait3A_94 = arith.constant 0 : i32
      %dma_wait3A_95 = arith.constant 0 : i32
      %dma_wait3A_96 = arith.constant 0 : i32
      %dma_wait3A_97 = tpu.memref_slice %arg9[%dma_wait3A_93, %dma_wait3A_95, %dma_wait3A_96] : memref<5x40x128xf32, #tpu.memory_space<vmem>> -> memref<1x40x128xf32, #tpu.memory_space<vmem>>
      %dma_wait3A_98 = tpu.memref_squeeze %dma_wait3A_97 : memref<1x40x128xf32, #tpu.memory_space<vmem>> -> memref<40x128xf32, #tpu.memory_space<vmem>>
      %dma_wait3A_99 = arith.constant 0 : i32
      %dma_wait3A_100 = tpu.memref_slice %arg7[%dma_wait3A, %dma_wait3A_99] : memref<250x40xi32, #tpu.memory_space<vmem>> -> memref<1x40xi32, #tpu.memory_space<vmem>>
      %dma_wait3A_101 = tpu.memref_squeeze %dma_wait3A_100 : memref<1x40xi32, #tpu.memory_space<vmem>> -> memref<40xi32, #tpu.memory_space<vmem>>
      %dma_wait3A_102 = arith.constant 0 : i32
      %dma_wait3A_103 = arith.constant 0 : i32
      %dma_wait3A_104 = tpu.memref_slice %arg2[%dma_wait3A_102, %dma_wait3A_103] : memref<10000x128xf32, #tpu.memory_space<hbm>> -> memref<10000x128xf32, #tpu.memory_space<hbm>>
      %dma_wait3A_105 = tpu.memref_slice %arg10[%dma_wait3A_94] : memref<5x!tpu.dma_semaphore, #tpu.memory_space<semaphore_mem>> -> memref<1x!tpu.dma_semaphore, #tpu.memory_space<semaphore_mem>>
      %dma_wait3A_106 = tpu.memref_squeeze %dma_wait3A_105 : memref<1x!tpu.dma_semaphore, #tpu.memory_space<semaphore_mem>> -> memref<!tpu.dma_semaphore, #tpu.memory_space<semaphore_mem>>
      tpu.wait_indirect_dma semaphore(%dma_wait3A_106 : memref<!tpu.dma_semaphore, #tpu.memory_space<semaphore_mem>>) src(%dma_wait3A_104 : memref<10000x128xf32, #tpu.memory_space<hbm>>) dst(%dma_wait3A_98 : memref<40x128xf32, #tpu.memory_space<vmem>>)
      %add3A_107 = arith.constant 0 : i32
      %add3A_108 = arith.addi %mul3A_92, %add3A_107 : i32
      %dma_start3A_109 = arith.constant 0 : i32
      %dma_start3A_110 = arith.constant 0 : i32
      %dma_start3A_111 = arith.constant 0 : i32
      %dma_start3A_112 = arith.constant 0 : i32
      %dma_start3A_113 = tpu.memref_slice %arg9[%dma_start3A_109, %dma_start3A_111, %dma_start3A_112] : memref<5x40x128xf32, #tpu.memory_space<vmem>> -> memref<1x40x128xf32, #tpu.memory_space<vmem>>
      %dma_start3A_114 = tpu.memref_squeeze %dma_start3A_113 : memref<1x40x128xf32, #tpu.memory_space<vmem>> -> memref<40x128xf32, #tpu.memory_space<vmem>>
      %dma_start3A_115 = arith.constant 0 : i32
      %dma_start3A_116 = tpu.memref_slice %arg8[%add3A_108, %dma_start3A_115] : memref<250x40xi32, #tpu.memory_space<vmem>> -> memref<1x40xi32, #tpu.memory_space<vmem>>
      %dma_start3A_117 = tpu.memref_squeeze %dma_start3A_116 : memref<1x40xi32, #tpu.memory_space<vmem>> -> memref<40xi32, #tpu.memory_space<vmem>>
      %dma_start3A_118 = arith.constant 0 : i32
      %dma_start3A_119 = arith.constant 0 : i32
      %dma_start3A_120 = tpu.memref_slice %arg6[%dma_start3A_118, %dma_start3A_119] : memref<10000x128xf32, #tpu.memory_space<vmem_shared>> -> memref<10000x128xf32, #tpu.memory_space<vmem_shared>>
      %dma_start3A_121 = tpu.memref_slice %arg11[%dma_start3A_110] : memref<5x!tpu.dma_semaphore, #tpu.memory_space<semaphore_mem>> -> memref<1x!tpu.dma_semaphore, #tpu.memory_space<semaphore_mem>>
      %dma_start3A_122 = tpu.memref_squeeze %dma_start3A_121 : memref<1x!tpu.dma_semaphore, #tpu.memory_space<semaphore_mem>> -> memref<!tpu.dma_semaphore, #tpu.memory_space<semaphore_mem>>
      tpu.enqueue_indirect_dma source(%dma_start3A_114 : memref<40x128xf32, #tpu.memory_space<vmem>>) target(%dma_start3A_120 : memref<10000x128xf32, #tpu.memory_space<vmem_shared>>) offsets(%dma_start3A_117 : memref<40xi32, #tpu.memory_space<vmem>>) semaphore(%dma_start3A_122 : memref<!tpu.dma_semaphore, #tpu.memory_space<semaphore_mem>>) {add = true}
      %dma_wait3A_123 = arith.constant 1 : i32
      %dma_wait3A_124 = arith.constant 1 : i32
      %dma_wait3A_125 = arith.constant 1 : i32
      %dma_wait3A_126 = arith.constant 0 : i32
      %dma_wait3A_127 = arith.constant 0 : i32
      %dma_wait3A_128 = tpu.memref_slice %arg9[%dma_wait3A_124, %dma_wait3A_126, %dma_wait3A_127] : memref<5x40x128xf32, #tpu.memory_space<vmem>> -> memref<1x40x128xf32, #tpu.memory_space<vmem>>
      %dma_wait3A_129 = tpu.memref_squeeze %dma_wait3A_128 : memref<1x40x128xf32, #tpu.memory_space<vmem>> -> memref<40x128xf32, #tpu.memory_space<vmem>>
      %dma_wait3A_130 = arith.constant 0 : i32
      %dma_wait3A_131 = tpu.memref_slice %arg7[%dma_wait3A_123, %dma_wait3A_130] : memref<250x40xi32, #tpu.memory_space<vmem>> -> memref<1x40xi32, #tpu.memory_space<vmem>>
      %dma_wait3A_132 = tpu.memref_squeeze %dma_wait3A_131 : memref<1x40xi32, #tpu.memory_space<vmem>> -> memref<40xi32, #tpu.memory_space<vmem>>
      %dma_wait3A_133 = arith.constant 0 : i32
      %dma_wait3A_134 = arith.constant 0 : i32
      %dma_wait3A_135 = tpu.memref_slice %arg2[%dma_wait3A_133, %dma_wait3A_134] : memref<10000x128xf32, #tpu.memory_space<hbm>> -> memref<10000x128xf32, #tpu.memory_space<hbm>>
      %dma_wait3A_136 = tpu.memref_slice %arg10[%dma_wait3A_125] : memref<5x!tpu.dma_semaphore, #tpu.memory_space<semaphore_mem>> -> memref<1x!tpu.dma_semaphore, #tpu.memory_space<semaphore_mem>>
      %dma_wait3A_137 = tpu.memref_squeeze %dma_wait3A_136 : memref<1x!tpu.dma_semaphore, #tpu.memory_space<semaphore_mem>> -> memref<!tpu.dma_semaphore, #tpu.memory_space<semaphore_mem>>
      tpu.wait_indirect_dma semaphore(%dma_wait3A_137 : memref<!tpu.dma_semaphore, #tpu.memory_space<semaphore_mem>>) src(%dma_wait3A_135 : memref<10000x128xf32, #tpu.memory_space<hbm>>) dst(%dma_wait3A_129 : memref<40x128xf32, #tpu.memory_space<vmem>>)
      %add3A_138 = arith.constant 1 : i32
      %add3A_139 = arith.addi %mul3A_92, %add3A_138 : i32
      %dma_start3A_140 = arith.constant 1 : i32
      %dma_start3A_141 = arith.constant 1 : i32
      %dma_start3A_142 = arith.constant 0 : i32
      %dma_start3A_143 = arith.constant 0 : i32
      %dma_start3A_144 = tpu.memref_slice %arg9[%dma_start3A_140, %dma_start3A_142, %dma_start3A_143] : memref<5x40x128xf32, #tpu.memory_space<vmem>> -> memref<1x40x128xf32, #tpu.memory_space<vmem>>
      %dma_start3A_145 = tpu.memref_squeeze %dma_start3A_144 : memref<1x40x128xf32, #tpu.memory_space<vmem>> -> memref<40x128xf32, #tpu.memory_space<vmem>>
      %dma_start3A_146 = arith.constant 0 : i32
      %dma_start3A_147 = tpu.memref_slice %arg8[%add3A_139, %dma_start3A_146] : memref<250x40xi32, #tpu.memory_space<vmem>> -> memref<1x40xi32, #tpu.memory_space<vmem>>
      %dma_start3A_148 = tpu.memref_squeeze %dma_start3A_147 : memref<1x40xi32, #tpu.memory_space<vmem>> -> memref<40xi32, #tpu.memory_space<vmem>>
      %dma_start3A_149 = arith.constant 0 : i32
      %dma_start3A_150 = arith.constant 0 : i32
      %dma_start3A_151 = tpu.memref_slice %arg6[%dma_start3A_149, %dma_start3A_150] : memref<10000x128xf32, #tpu.memory_space<vmem_shared>> -> memref<10000x128xf32, #tpu.memory_space<vmem_shared>>
      %dma_start3A_152 = tpu.memref_slice %arg11[%dma_start3A_141] : memref<5x!tpu.dma_semaphore, #tpu.memory_space<semaphore_mem>> -> memref<1x!tpu.dma_semaphore, #tpu.memory_space<semaphore_mem>>
      %dma_start3A_153 = tpu.memref_squeeze %dma_start3A_152 : memref<1x!tpu.dma_semaphore, #tpu.memory_space<semaphore_mem>> -> memref<!tpu.dma_semaphore, #tpu.memory_space<semaphore_mem>>
      tpu.enqueue_indirect_dma source(%dma_start3A_145 : memref<40x128xf32, #tpu.memory_space<vmem>>) target(%dma_start3A_151 : memref<10000x128xf32, #tpu.memory_space<vmem_shared>>) offsets(%dma_start3A_148 : memref<40xi32, #tpu.memory_space<vmem>>) semaphore(%dma_start3A_153 : memref<!tpu.dma_semaphore, #tpu.memory_space<semaphore_mem>>) {add = true}
      %dma_wait3A_154 = arith.constant 2 : i32
      %dma_wait3A_155 = arith.constant 2 : i32
      %dma_wait3A_156 = arith.constant 2 : i32
      %dma_wait3A_157 = arith.constant 0 : i32
      %dma_wait3A_158 = arith.constant 0 : i32
      %dma_wait3A_159 = tpu.memref_slice %arg9[%dma_wait3A_155, %dma_wait3A_157, %dma_wait3A_158] : memref<5x40x128xf32, #tpu.memory_space<vmem>> -> memref<1x40x128xf32, #tpu.memory_space<vmem>>
      %dma_wait3A_160 = tpu.memref_squeeze %dma_wait3A_159 : memref<1x40x128xf32, #tpu.memory_space<vmem>> -> memref<40x128xf32, #tpu.memory_space<vmem>>
      %dma_wait3A_161 = arith.constant 0 : i32
      %dma_wait3A_162 = tpu.memref_slice %arg7[%dma_wait3A_154, %dma_wait3A_161] : memref<250x40xi32, #tpu.memory_space<vmem>> -> memref<1x40xi32, #tpu.memory_space<vmem>>
      %dma_wait3A_163 = tpu.memref_squeeze %dma_wait3A_162 : memref<1x40xi32, #tpu.memory_space<vmem>> -> memref<40xi32, #tpu.memory_space<vmem>>
      %dma_wait3A_164 = arith.constant 0 : i32
      %dma_wait3A_165 = arith.constant 0 : i32
      %dma_wait3A_166 = tpu.memref_slice %arg2[%dma_wait3A_164, %dma_wait3A_165] : memref<10000x128xf32, #tpu.memory_space<hbm>> -> memref<10000x128xf32, #tpu.memory_space<hbm>>
      %dma_wait3A_167 = tpu.memref_slice %arg10[%dma_wait3A_156] : memref<5x!tpu.dma_semaphore, #tpu.memory_space<semaphore_mem>> -> memref<1x!tpu.dma_semaphore, #tpu.memory_space<semaphore_mem>>
      %dma_wait3A_168 = tpu.memref_squeeze %dma_wait3A_167 : memref<1x!tpu.dma_semaphore, #tpu.memory_space<semaphore_mem>> -> memref<!tpu.dma_semaphore, #tpu.memory_space<semaphore_mem>>
      tpu.wait_indirect_dma semaphore(%dma_wait3A_168 : memref<!tpu.dma_semaphore, #tpu.memory_space<semaphore_mem>>) src(%dma_wait3A_166 : memref<10000x128xf32, #tpu.memory_space<hbm>>) dst(%dma_wait3A_160 : memref<40x128xf32, #tpu.memory_space<vmem>>)
      %add3A_169 = arith.constant 2 : i32
      %add3A_170 = arith.addi %mul3A_92, %add3A_169 : i32
      %dma_start3A_171 = arith.constant 2 : i32
      %dma_start3A_172 = arith.constant 2 : i32
      %dma_start3A_173 = arith.constant 0 : i32
      %dma_start3A_174 = arith.constant 0 : i32
      %dma_start3A_175 = tpu.memref_slice %arg9[%dma_start3A_171, %dma_start3A_173, %dma_start3A_174] : memref<5x40x128xf32, #tpu.memory_space<vmem>> -> memref<1x40x128xf32, #tpu.memory_space<vmem>>
      %dma_start3A_176 = tpu.memref_squeeze %dma_start3A_175 : memref<1x40x128xf32, #tpu.memory_space<vmem>> -> memref<40x128xf32, #tpu.memory_space<vmem>>
      %dma_start3A_177 = arith.constant 0 : i32
      %dma_start3A_178 = tpu.memref_slice %arg8[%add3A_170, %dma_start3A_177] : memref<250x40xi32, #tpu.memory_space<vmem>> -> memref<1x40xi32, #tpu.memory_space<vmem>>
      %dma_start3A_179 = tpu.memref_squeeze %dma_start3A_178 : memref<1x40xi32, #tpu.memory_space<vmem>> -> memref<40xi32, #tpu.memory_space<vmem>>
      %dma_start3A_180 = arith.constant 0 : i32
      %dma_start3A_181 = arith.constant 0 : i32
      %dma_start3A_182 = tpu.memref_slice %arg6[%dma_start3A_180, %dma_start3A_181] : memref<10000x128xf32, #tpu.memory_space<vmem_shared>> -> memref<10000x128xf32, #tpu.memory_space<vmem_shared>>
      %dma_start3A_183 = tpu.memref_slice %arg11[%dma_start3A_172] : memref<5x!tpu.dma_semaphore, #tpu.memory_space<semaphore_mem>> -> memref<1x!tpu.dma_semaphore, #tpu.memory_space<semaphore_mem>>
      %dma_start3A_184 = tpu.memref_squeeze %dma_start3A_183 : memref<1x!tpu.dma_semaphore, #tpu.memory_space<semaphore_mem>> -> memref<!tpu.dma_semaphore, #tpu.memory_space<semaphore_mem>>
      tpu.enqueue_indirect_dma source(%dma_start3A_176 : memref<40x128xf32, #tpu.memory_space<vmem>>) target(%dma_start3A_182 : memref<10000x128xf32, #tpu.memory_space<vmem_shared>>) offsets(%dma_start3A_179 : memref<40xi32, #tpu.memory_space<vmem>>) semaphore(%dma_start3A_184 : memref<!tpu.dma_semaphore, #tpu.memory_space<semaphore_mem>>) {add = true}
      %dma_wait3A_185 = arith.constant 3 : i32
      %dma_wait3A_186 = arith.constant 3 : i32
      %dma_wait3A_187 = arith.constant 3 : i32
      %dma_wait3A_188 = arith.constant 0 : i32
      %dma_wait3A_189 = arith.constant 0 : i32
      %dma_wait3A_190 = tpu.memref_slice %arg9[%dma_wait3A_186, %dma_wait3A_188, %dma_wait3A_189] : memref<5x40x128xf32, #tpu.memory_space<vmem>> -> memref<1x40x128xf32, #tpu.memory_space<vmem>>
      %dma_wait3A_191 = tpu.memref_squeeze %dma_wait3A_190 : memref<1x40x128xf32, #tpu.memory_space<vmem>> -> memref<40x128xf32, #tpu.memory_space<vmem>>
      %dma_wait3A_192 = arith.constant 0 : i32
      %dma_wait3A_193 = tpu.memref_slice %arg7[%dma_wait3A_185, %dma_wait3A_192] : memref<250x40xi32, #tpu.memory_space<vmem>> -> memref<1x40xi32, #tpu.memory_space<vmem>>
      %dma_wait3A_194 = tpu.memref_squeeze %dma_wait3A_193 : memref<1x40xi32, #tpu.memory_space<vmem>> -> memref<40xi32, #tpu.memory_space<vmem>>
      %dma_wait3A_195 = arith.constant 0 : i32
      %dma_wait3A_196 = arith.constant 0 : i32
      %dma_wait3A_197 = tpu.memref_slice %arg2[%dma_wait3A_195, %dma_wait3A_196] : memref<10000x128xf32, #tpu.memory_space<hbm>> -> memref<10000x128xf32, #tpu.memory_space<hbm>>
      %dma_wait3A_198 = tpu.memref_slice %arg10[%dma_wait3A_187] : memref<5x!tpu.dma_semaphore, #tpu.memory_space<semaphore_mem>> -> memref<1x!tpu.dma_semaphore, #tpu.memory_space<semaphore_mem>>
      %dma_wait3A_199 = tpu.memref_squeeze %dma_wait3A_198 : memref<1x!tpu.dma_semaphore, #tpu.memory_space<semaphore_mem>> -> memref<!tpu.dma_semaphore, #tpu.memory_space<semaphore_mem>>
      tpu.wait_indirect_dma semaphore(%dma_wait3A_199 : memref<!tpu.dma_semaphore, #tpu.memory_space<semaphore_mem>>) src(%dma_wait3A_197 : memref<10000x128xf32, #tpu.memory_space<hbm>>) dst(%dma_wait3A_191 : memref<40x128xf32, #tpu.memory_space<vmem>>)
      %add3A_200 = arith.constant 3 : i32
      %add3A_201 = arith.addi %mul3A_92, %add3A_200 : i32
      %dma_start3A_202 = arith.constant 3 : i32
      %dma_start3A_203 = arith.constant 3 : i32
      %dma_start3A_204 = arith.constant 0 : i32
      %dma_start3A_205 = arith.constant 0 : i32
      %dma_start3A_206 = tpu.memref_slice %arg9[%dma_start3A_202, %dma_start3A_204, %dma_start3A_205] : memref<5x40x128xf32, #tpu.memory_space<vmem>> -> memref<1x40x128xf32, #tpu.memory_space<vmem>>
      %dma_start3A_207 = tpu.memref_squeeze %dma_start3A_206 : memref<1x40x128xf32, #tpu.memory_space<vmem>> -> memref<40x128xf32, #tpu.memory_space<vmem>>
      %dma_start3A_208 = arith.constant 0 : i32
      %dma_start3A_209 = tpu.memref_slice %arg8[%add3A_201, %dma_start3A_208] : memref<250x40xi32, #tpu.memory_space<vmem>> -> memref<1x40xi32, #tpu.memory_space<vmem>>
      %dma_start3A_210 = tpu.memref_squeeze %dma_start3A_209 : memref<1x40xi32, #tpu.memory_space<vmem>> -> memref<40xi32, #tpu.memory_space<vmem>>
      %dma_start3A_211 = arith.constant 0 : i32
      %dma_start3A_212 = arith.constant 0 : i32
      %dma_start3A_213 = tpu.memref_slice %arg6[%dma_start3A_211, %dma_start3A_212] : memref<10000x128xf32, #tpu.memory_space<vmem_shared>> -> memref<10000x128xf32, #tpu.memory_space<vmem_shared>>
      %dma_start3A_214 = tpu.memref_slice %arg11[%dma_start3A_203] : memref<5x!tpu.dma_semaphore, #tpu.memory_space<semaphore_mem>> -> memref<1x!tpu.dma_semaphore, #tpu.memory_space<semaphore_mem>>
      %dma_start3A_215 = tpu.memref_squeeze %dma_start3A_214 : memref<1x!tpu.dma_semaphore, #tpu.memory_space<semaphore_mem>> -> memref<!tpu.dma_semaphore, #tpu.memory_space<semaphore_mem>>
      tpu.enqueue_indirect_dma source(%dma_start3A_207 : memref<40x128xf32, #tpu.memory_space<vmem>>) target(%dma_start3A_213 : memref<10000x128xf32, #tpu.memory_space<vmem_shared>>) offsets(%dma_start3A_210 : memref<40xi32, #tpu.memory_space<vmem>>) semaphore(%dma_start3A_215 : memref<!tpu.dma_semaphore, #tpu.memory_space<semaphore_mem>>) {add = true}
      %dma_wait3A_216 = arith.constant 4 : i32
      %dma_wait3A_217 = arith.constant 4 : i32
      %dma_wait3A_218 = arith.constant 4 : i32
      %dma_wait3A_219 = arith.constant 0 : i32
      %dma_wait3A_220 = arith.constant 0 : i32
      %dma_wait3A_221 = tpu.memref_slice %arg9[%dma_wait3A_217, %dma_wait3A_219, %dma_wait3A_220] : memref<5x40x128xf32, #tpu.memory_space<vmem>> -> memref<1x40x128xf32, #tpu.memory_space<vmem>>
      %dma_wait3A_222 = tpu.memref_squeeze %dma_wait3A_221 : memref<1x40x128xf32, #tpu.memory_space<vmem>> -> memref<40x128xf32, #tpu.memory_space<vmem>>
      %dma_wait3A_223 = arith.constant 0 : i32
      %dma_wait3A_224 = tpu.memref_slice %arg7[%dma_wait3A_216, %dma_wait3A_223] : memref<250x40xi32, #tpu.memory_space<vmem>> -> memref<1x40xi32, #tpu.memory_space<vmem>>
      %dma_wait3A_225 = tpu.memref_squeeze %dma_wait3A_224 : memref<1x40xi32, #tpu.memory_space<vmem>> -> memref<40xi32, #tpu.memory_space<vmem>>
      %dma_wait3A_226 = arith.constant 0 : i32
      %dma_wait3A_227 = arith.constant 0 : i32
      %dma_wait3A_228 = tpu.memref_slice %arg2[%dma_wait3A_226, %dma_wait3A_227] : memref<10000x128xf32, #tpu.memory_space<hbm>> -> memref<10000x128xf32, #tpu.memory_space<hbm>>
      %dma_wait3A_229 = tpu.memref_slice %arg10[%dma_wait3A_218] : memref<5x!tpu.dma_semaphore, #tpu.memory_space<semaphore_mem>> -> memref<1x!tpu.dma_semaphore, #tpu.memory_space<semaphore_mem>>
      %dma_wait3A_230 = tpu.memref_squeeze %dma_wait3A_229 : memref<1x!tpu.dma_semaphore, #tpu.memory_space<semaphore_mem>> -> memref<!tpu.dma_semaphore, #tpu.memory_space<semaphore_mem>>
      tpu.wait_indirect_dma semaphore(%dma_wait3A_230 : memref<!tpu.dma_semaphore, #tpu.memory_space<semaphore_mem>>) src(%dma_wait3A_228 : memref<10000x128xf32, #tpu.memory_space<hbm>>) dst(%dma_wait3A_222 : memref<40x128xf32, #tpu.memory_space<vmem>>)
      %add3A_231 = arith.constant 4 : i32
      %add3A_232 = arith.addi %mul3A_92, %add3A_231 : i32
      %dma_start3A_233 = arith.constant 4 : i32
      %dma_start3A_234 = arith.constant 4 : i32
      %dma_start3A_235 = arith.constant 0 : i32
      %dma_start3A_236 = arith.constant 0 : i32
      %dma_start3A_237 = tpu.memref_slice %arg9[%dma_start3A_233, %dma_start3A_235, %dma_start3A_236] : memref<5x40x128xf32, #tpu.memory_space<vmem>> -> memref<1x40x128xf32, #tpu.memory_space<vmem>>
      %dma_start3A_238 = tpu.memref_squeeze %dma_start3A_237 : memref<1x40x128xf32, #tpu.memory_space<vmem>> -> memref<40x128xf32, #tpu.memory_space<vmem>>
      %dma_start3A_239 = arith.constant 0 : i32
      %dma_start3A_240 = tpu.memref_slice %arg8[%add3A_232, %dma_start3A_239] : memref<250x40xi32, #tpu.memory_space<vmem>> -> memref<1x40xi32, #tpu.memory_space<vmem>>
      %dma_start3A_241 = tpu.memref_squeeze %dma_start3A_240 : memref<1x40xi32, #tpu.memory_space<vmem>> -> memref<40xi32, #tpu.memory_space<vmem>>
      %dma_start3A_242 = arith.constant 0 : i32
      %dma_start3A_243 = arith.constant 0 : i32
      %dma_start3A_244 = tpu.memref_slice %arg6[%dma_start3A_242, %dma_start3A_243] : memref<10000x128xf32, #tpu.memory_space<vmem_shared>> -> memref<10000x128xf32, #tpu.memory_space<vmem_shared>>
      %dma_start3A_245 = tpu.memref_slice %arg11[%dma_start3A_234] : memref<5x!tpu.dma_semaphore, #tpu.memory_space<semaphore_mem>> -> memref<1x!tpu.dma_semaphore, #tpu.memory_space<semaphore_mem>>
      %dma_start3A_246 = tpu.memref_squeeze %dma_start3A_245 : memref<1x!tpu.dma_semaphore, #tpu.memory_space<semaphore_mem>> -> memref<!tpu.dma_semaphore, #tpu.memory_space<semaphore_mem>>
      tpu.enqueue_indirect_dma source(%dma_start3A_238 : memref<40x128xf32, #tpu.memory_space<vmem>>) target(%dma_start3A_244 : memref<10000x128xf32, #tpu.memory_space<vmem_shared>>) offsets(%dma_start3A_241 : memref<40xi32, #tpu.memory_space<vmem>>) semaphore(%dma_start3A_246 : memref<!tpu.dma_semaphore, #tpu.memory_space<semaphore_mem>>) {add = true}
      %dma_wait3A_247 = arith.constant 0 : i32
      %dma_wait3A_248 = arith.constant 0 : i32
      %dma_wait3A_249 = arith.constant 0 : i32
      %dma_wait3A_250 = arith.constant 0 : i32
      %dma_wait3A_251 = tpu.memref_slice %arg9[%dma_wait3A_247, %dma_wait3A_249, %dma_wait3A_250] : memref<5x40x128xf32, #tpu.memory_space<vmem>> -> memref<1x40x128xf32, #tpu.memory_space<vmem>>
      %dma_wait3A_252 = tpu.memref_squeeze %dma_wait3A_251 : memref<1x40x128xf32, #tpu.memory_space<vmem>> -> memref<40x128xf32, #tpu.memory_space<vmem>>
      %dma_wait3A_253 = arith.constant 0 : i32
      %dma_wait3A_254 = tpu.memref_slice %arg8[%add3A_108, %dma_wait3A_253] : memref<250x40xi32, #tpu.memory_space<vmem>> -> memref<1x40xi32, #tpu.memory_space<vmem>>
      %dma_wait3A_255 = tpu.memref_squeeze %dma_wait3A_254 : memref<1x40xi32, #tpu.memory_space<vmem>> -> memref<40xi32, #tpu.memory_space<vmem>>
      %dma_wait3A_256 = arith.constant 0 : i32
      %dma_wait3A_257 = arith.constant 0 : i32
      %dma_wait3A_258 = tpu.memref_slice %arg6[%dma_wait3A_256, %dma_wait3A_257] : memref<10000x128xf32, #tpu.memory_space<vmem_shared>> -> memref<10000x128xf32, #tpu.memory_space<vmem_shared>>
      %dma_wait3A_259 = tpu.memref_slice %arg11[%dma_wait3A_248] : memref<5x!tpu.dma_semaphore, #tpu.memory_space<semaphore_mem>> -> memref<1x!tpu.dma_semaphore, #tpu.memory_space<semaphore_mem>>
      %dma_wait3A_260 = tpu.memref_squeeze %dma_wait3A_259 : memref<1x!tpu.dma_semaphore, #tpu.memory_space<semaphore_mem>> -> memref<!tpu.dma_semaphore, #tpu.memory_space<semaphore_mem>>
      tpu.wait_indirect_dma semaphore(%dma_wait3A_260 : memref<!tpu.dma_semaphore, #tpu.memory_space<semaphore_mem>>) src(%dma_wait3A_252 : memref<40x128xf32, #tpu.memory_space<vmem>>) dst(%dma_wait3A_258 : memref<10000x128xf32, #tpu.memory_space<vmem_shared>>)
      %lt3A = arith.constant 49 : i32
      %lt3A_261 = arith.cmpi slt, %scan3A_90, %lt3A : i32
      %convert_element_type3A_262 = arith.extui %lt3A_261 : i1 to i32
      %cond3A_263 = arith.constant 0 : i32
      %cond3A_264 = arith.cmpi ne, %convert_element_type3A_262, %cond3A_263 : i32
      scf.if %cond3A_264 {
        %add3A_341 = arith.constant 5 : i32
        %add3A_342 = arith.addi %mul3A_92, %add3A_341 : i32
        %add3A_343 = arith.constant 0 : i32
        %add3A_344 = arith.addi %add3A_342, %add3A_343 : i32
        %dma_start3A_345 = arith.constant 0 : i32
        %dma_start3A_346 = arith.constant 0 : i32
        %dma_start3A_347 = arith.constant 0 : i32
        %dma_start3A_348 = arith.constant 0 : i32
        %dma_start3A_349 = tpu.memref_slice %arg9[%dma_start3A_345, %dma_start3A_347, %dma_start3A_348] : memref<5x40x128xf32, #tpu.memory_space<vmem>> -> memref<1x40x128xf32, #tpu.memory_space<vmem>>
        %dma_start3A_350 = tpu.memref_squeeze %dma_start3A_349 : memref<1x40x128xf32, #tpu.memory_space<vmem>> -> memref<40x128xf32, #tpu.memory_space<vmem>>
        %dma_start3A_351 = arith.constant 0 : i32
        %dma_start3A_352 = tpu.memref_slice %arg7[%add3A_344, %dma_start3A_351] : memref<250x40xi32, #tpu.memory_space<vmem>> -> memref<1x40xi32, #tpu.memory_space<vmem>>
        %dma_start3A_353 = tpu.memref_squeeze %dma_start3A_352 : memref<1x40xi32, #tpu.memory_space<vmem>> -> memref<40xi32, #tpu.memory_space<vmem>>
        %dma_start3A_354 = arith.constant 0 : i32
        %dma_start3A_355 = arith.constant 0 : i32
        %dma_start3A_356 = tpu.memref_slice %arg2[%dma_start3A_354, %dma_start3A_355] : memref<10000x128xf32, #tpu.memory_space<hbm>> -> memref<10000x128xf32, #tpu.memory_space<hbm>>
        %dma_start3A_357 = tpu.memref_slice %arg10[%dma_start3A_346] : memref<5x!tpu.dma_semaphore, #tpu.memory_space<semaphore_mem>> -> memref<1x!tpu.dma_semaphore, #tpu.memory_space<semaphore_mem>>
        %dma_start3A_358 = tpu.memref_squeeze %dma_start3A_357 : memref<1x!tpu.dma_semaphore, #tpu.memory_space<semaphore_mem>> -> memref<!tpu.dma_semaphore, #tpu.memory_space<semaphore_mem>>
        tpu.enqueue_indirect_dma source(%dma_start3A_356 : memref<10000x128xf32, #tpu.memory_space<hbm>>) target(%dma_start3A_350 : memref<40x128xf32, #tpu.memory_space<vmem>>) offsets(%dma_start3A_353 : memref<40xi32, #tpu.memory_space<vmem>>) semaphore(%dma_start3A_358 : memref<!tpu.dma_semaphore, #tpu.memory_space<semaphore_mem>>)
      } else {
      }
      %dma_wait3A_265 = arith.constant 1 : i32
      %dma_wait3A_266 = arith.constant 1 : i32
      %dma_wait3A_267 = arith.constant 0 : i32
      %dma_wait3A_268 = arith.constant 0 : i32
      %dma_wait3A_269 = tpu.memref_slice %arg9[%dma_wait3A_265, %dma_wait3A_267, %dma_wait3A_268] : memref<5x40x128xf32, #tpu.memory_space<vmem>> -> memref<1x40x128xf32, #tpu.memory_space<vmem>>
      %dma_wait3A_270 = tpu.memref_squeeze %dma_wait3A_269 : memref<1x40x128xf32, #tpu.memory_space<vmem>> -> memref<40x128xf32, #tpu.memory_space<vmem>>
      %dma_wait3A_271 = arith.constant 0 : i32
      %dma_wait3A_272 = tpu.memref_slice %arg8[%add3A_139, %dma_wait3A_271] : memref<250x40xi32, #tpu.memory_space<vmem>> -> memref<1x40xi32, #tpu.memory_space<vmem>>
      %dma_wait3A_273 = tpu.memref_squeeze %dma_wait3A_272 : memref<1x40xi32, #tpu.memory_space<vmem>> -> memref<40xi32, #tpu.memory_space<vmem>>
      %dma_wait3A_274 = arith.constant 0 : i32
      %dma_wait3A_275 = arith.constant 0 : i32
      %dma_wait3A_276 = tpu.memref_slice %arg6[%dma_wait3A_274, %dma_wait3A_275] : memref<10000x128xf32, #tpu.memory_space<vmem_shared>> -> memref<10000x128xf32, #tpu.memory_space<vmem_shared>>
      %dma_wait3A_277 = tpu.memref_slice %arg11[%dma_wait3A_266] : memref<5x!tpu.dma_semaphore, #tpu.memory_space<semaphore_mem>> -> memref<1x!tpu.dma_semaphore, #tpu.memory_space<semaphore_mem>>
      %dma_wait3A_278 = tpu.memref_squeeze %dma_wait3A_277 : memref<1x!tpu.dma_semaphore, #tpu.memory_space<semaphore_mem>> -> memref<!tpu.dma_semaphore, #tpu.memory_space<semaphore_mem>>
      tpu.wait_indirect_dma semaphore(%dma_wait3A_278 : memref<!tpu.dma_semaphore, #tpu.memory_space<semaphore_mem>>) src(%dma_wait3A_270 : memref<40x128xf32, #tpu.memory_space<vmem>>) dst(%dma_wait3A_276 : memref<10000x128xf32, #tpu.memory_space<vmem_shared>>)
      %lt3A_279 = arith.constant 49 : i32
      %lt3A_280 = arith.cmpi slt, %scan3A_90, %lt3A_279 : i32
      %convert_element_type3A_281 = arith.extui %lt3A_280 : i1 to i32
      %cond3A_282 = arith.constant 0 : i32
      %cond3A_283 = arith.cmpi ne, %convert_element_type3A_281, %cond3A_282 : i32
      scf.if %cond3A_283 {
        %add3A_341 = arith.constant 5 : i32
        %add3A_342 = arith.addi %mul3A_92, %add3A_341 : i32
        %add3A_343 = arith.constant 1 : i32
        %add3A_344 = arith.addi %add3A_342, %add3A_343 : i32
        %dma_start3A_345 = arith.constant 1 : i32
        %dma_start3A_346 = arith.constant 1 : i32
        %dma_start3A_347 = arith.constant 0 : i32
        %dma_start3A_348 = arith.constant 0 : i32
        %dma_start3A_349 = tpu.memref_slice %arg9[%dma_start3A_345, %dma_start3A_347, %dma_start3A_348] : memref<5x40x128xf32, #tpu.memory_space<vmem>> -> memref<1x40x128xf32, #tpu.memory_space<vmem>>
        %dma_start3A_350 = tpu.memref_squeeze %dma_start3A_349 : memref<1x40x128xf32, #tpu.memory_space<vmem>> -> memref<40x128xf32, #tpu.memory_space<vmem>>
        %dma_start3A_351 = arith.constant 0 : i32
        %dma_start3A_352 = tpu.memref_slice %arg7[%add3A_344, %dma_start3A_351] : memref<250x40xi32, #tpu.memory_space<vmem>> -> memref<1x40xi32, #tpu.memory_space<vmem>>
        %dma_start3A_353 = tpu.memref_squeeze %dma_start3A_352 : memref<1x40xi32, #tpu.memory_space<vmem>> -> memref<40xi32, #tpu.memory_space<vmem>>
        %dma_start3A_354 = arith.constant 0 : i32
        %dma_start3A_355 = arith.constant 0 : i32
        %dma_start3A_356 = tpu.memref_slice %arg2[%dma_start3A_354, %dma_start3A_355] : memref<10000x128xf32, #tpu.memory_space<hbm>> -> memref<10000x128xf32, #tpu.memory_space<hbm>>
        %dma_start3A_357 = tpu.memref_slice %arg10[%dma_start3A_346] : memref<5x!tpu.dma_semaphore, #tpu.memory_space<semaphore_mem>> -> memref<1x!tpu.dma_semaphore, #tpu.memory_space<semaphore_mem>>
        %dma_start3A_358 = tpu.memref_squeeze %dma_start3A_357 : memref<1x!tpu.dma_semaphore, #tpu.memory_space<semaphore_mem>> -> memref<!tpu.dma_semaphore, #tpu.memory_space<semaphore_mem>>
        tpu.enqueue_indirect_dma source(%dma_start3A_356 : memref<10000x128xf32, #tpu.memory_space<hbm>>) target(%dma_start3A_350 : memref<40x128xf32, #tpu.memory_space<vmem>>) offsets(%dma_start3A_353 : memref<40xi32, #tpu.memory_space<vmem>>) semaphore(%dma_start3A_358 : memref<!tpu.dma_semaphore, #tpu.memory_space<semaphore_mem>>)
      } else {
      }
      %dma_wait3A_284 = arith.constant 2 : i32
      %dma_wait3A_285 = arith.constant 2 : i32
      %dma_wait3A_286 = arith.constant 0 : i32
      %dma_wait3A_287 = arith.constant 0 : i32
      %dma_wait3A_288 = tpu.memref_slice %arg9[%dma_wait3A_284, %dma_wait3A_286, %dma_wait3A_287] : memref<5x40x128xf32, #tpu.memory_space<vmem>> -> memref<1x40x128xf32, #tpu.memory_space<vmem>>
      %dma_wait3A_289 = tpu.memref_squeeze %dma_wait3A_288 : memref<1x40x128xf32, #tpu.memory_space<vmem>> -> memref<40x128xf32, #tpu.memory_space<vmem>>
      %dma_wait3A_290 = arith.constant 0 : i32
      %dma_wait3A_291 = tpu.memref_slice %arg8[%add3A_170, %dma_wait3A_290] : memref<250x40xi32, #tpu.memory_space<vmem>> -> memref<1x40xi32, #tpu.memory_space<vmem>>
      %dma_wait3A_292 = tpu.memref_squeeze %dma_wait3A_291 : memref<1x40xi32, #tpu.memory_space<vmem>> -> memref<40xi32, #tpu.memory_space<vmem>>
      %dma_wait3A_293 = arith.constant 0 : i32
      %dma_wait3A_294 = arith.constant 0 : i32
      %dma_wait3A_295 = tpu.memref_slice %arg6[%dma_wait3A_293, %dma_wait3A_294] : memref<10000x128xf32, #tpu.memory_space<vmem_shared>> -> memref<10000x128xf32, #tpu.memory_space<vmem_shared>>
      %dma_wait3A_296 = tpu.memref_slice %arg11[%dma_wait3A_285] : memref<5x!tpu.dma_semaphore, #tpu.memory_space<semaphore_mem>> -> memref<1x!tpu.dma_semaphore, #tpu.memory_space<semaphore_mem>>
      %dma_wait3A_297 = tpu.memref_squeeze %dma_wait3A_296 : memref<1x!tpu.dma_semaphore, #tpu.memory_space<semaphore_mem>> -> memref<!tpu.dma_semaphore, #tpu.memory_space<semaphore_mem>>
      tpu.wait_indirect_dma semaphore(%dma_wait3A_297 : memref<!tpu.dma_semaphore, #tpu.memory_space<semaphore_mem>>) src(%dma_wait3A_289 : memref<40x128xf32, #tpu.memory_space<vmem>>) dst(%dma_wait3A_295 : memref<10000x128xf32, #tpu.memory_space<vmem_shared>>)
      %lt3A_298 = arith.constant 49 : i32
      %lt3A_299 = arith.cmpi slt, %scan3A_90, %lt3A_298 : i32
      %convert_element_type3A_300 = arith.extui %lt3A_299 : i1 to i32
      %cond3A_301 = arith.constant 0 : i32
      %cond3A_302 = arith.cmpi ne, %convert_element_type3A_300, %cond3A_301 : i32
      scf.if %cond3A_302 {
        %add3A_341 = arith.constant 5 : i32
        %add3A_342 = arith.addi %mul3A_92, %add3A_341 : i32
        %add3A_343 = arith.constant 2 : i32
        %add3A_344 = arith.addi %add3A_342, %add3A_343 : i32
        %dma_start3A_345 = arith.constant 2 : i32
        %dma_start3A_346 = arith.constant 2 : i32
        %dma_start3A_347 = arith.constant 0 : i32
        %dma_start3A_348 = arith.constant 0 : i32
        %dma_start3A_349 = tpu.memref_slice %arg9[%dma_start3A_345, %dma_start3A_347, %dma_start3A_348] : memref<5x40x128xf32, #tpu.memory_space<vmem>> -> memref<1x40x128xf32, #tpu.memory_space<vmem>>
        %dma_start3A_350 = tpu.memref_squeeze %dma_start3A_349 : memref<1x40x128xf32, #tpu.memory_space<vmem>> -> memref<40x128xf32, #tpu.memory_space<vmem>>
        %dma_start3A_351 = arith.constant 0 : i32
        %dma_start3A_352 = tpu.memref_slice %arg7[%add3A_344, %dma_start3A_351] : memref<250x40xi32, #tpu.memory_space<vmem>> -> memref<1x40xi32, #tpu.memory_space<vmem>>
        %dma_start3A_353 = tpu.memref_squeeze %dma_start3A_352 : memref<1x40xi32, #tpu.memory_space<vmem>> -> memref<40xi32, #tpu.memory_space<vmem>>
        %dma_start3A_354 = arith.constant 0 : i32
        %dma_start3A_355 = arith.constant 0 : i32
        %dma_start3A_356 = tpu.memref_slice %arg2[%dma_start3A_354, %dma_start3A_355] : memref<10000x128xf32, #tpu.memory_space<hbm>> -> memref<10000x128xf32, #tpu.memory_space<hbm>>
        %dma_start3A_357 = tpu.memref_slice %arg10[%dma_start3A_346] : memref<5x!tpu.dma_semaphore, #tpu.memory_space<semaphore_mem>> -> memref<1x!tpu.dma_semaphore, #tpu.memory_space<semaphore_mem>>
        %dma_start3A_358 = tpu.memref_squeeze %dma_start3A_357 : memref<1x!tpu.dma_semaphore, #tpu.memory_space<semaphore_mem>> -> memref<!tpu.dma_semaphore, #tpu.memory_space<semaphore_mem>>
        tpu.enqueue_indirect_dma source(%dma_start3A_356 : memref<10000x128xf32, #tpu.memory_space<hbm>>) target(%dma_start3A_350 : memref<40x128xf32, #tpu.memory_space<vmem>>) offsets(%dma_start3A_353 : memref<40xi32, #tpu.memory_space<vmem>>) semaphore(%dma_start3A_358 : memref<!tpu.dma_semaphore, #tpu.memory_space<semaphore_mem>>)
      } else {
      }
      %dma_wait3A_303 = arith.constant 3 : i32
      %dma_wait3A_304 = arith.constant 3 : i32
      %dma_wait3A_305 = arith.constant 0 : i32
      %dma_wait3A_306 = arith.constant 0 : i32
      %dma_wait3A_307 = tpu.memref_slice %arg9[%dma_wait3A_303, %dma_wait3A_305, %dma_wait3A_306] : memref<5x40x128xf32, #tpu.memory_space<vmem>> -> memref<1x40x128xf32, #tpu.memory_space<vmem>>
      %dma_wait3A_308 = tpu.memref_squeeze %dma_wait3A_307 : memref<1x40x128xf32, #tpu.memory_space<vmem>> -> memref<40x128xf32, #tpu.memory_space<vmem>>
      %dma_wait3A_309 = arith.constant 0 : i32
      %dma_wait3A_310 = tpu.memref_slice %arg8[%add3A_201, %dma_wait3A_309] : memref<250x40xi32, #tpu.memory_space<vmem>> -> memref<1x40xi32, #tpu.memory_space<vmem>>
      %dma_wait3A_311 = tpu.memref_squeeze %dma_wait3A_310 : memref<1x40xi32, #tpu.memory_space<vmem>> -> memref<40xi32, #tpu.memory_space<vmem>>
      %dma_wait3A_312 = arith.constant 0 : i32
      %dma_wait3A_313 = arith.constant 0 : i32
      %dma_wait3A_314 = tpu.memref_slice %arg6[%dma_wait3A_312, %dma_wait3A_313] : memref<10000x128xf32, #tpu.memory_space<vmem_shared>> -> memref<10000x128xf32, #tpu.memory_space<vmem_shared>>
      %dma_wait3A_315 = tpu.memref_slice %arg11[%dma_wait3A_304] : memref<5x!tpu.dma_semaphore, #tpu.memory_space<semaphore_mem>> -> memref<1x!tpu.dma_semaphore, #tpu.memory_space<semaphore_mem>>
      %dma_wait3A_316 = tpu.memref_squeeze %dma_wait3A_315 : memref<1x!tpu.dma_semaphore, #tpu.memory_space<semaphore_mem>> -> memref<!tpu.dma_semaphore, #tpu.memory_space<semaphore_mem>>
      tpu.wait_indirect_dma semaphore(%dma_wait3A_316 : memref<!tpu.dma_semaphore, #tpu.memory_space<semaphore_mem>>) src(%dma_wait3A_308 : memref<40x128xf32, #tpu.memory_space<vmem>>) dst(%dma_wait3A_314 : memref<10000x128xf32, #tpu.memory_space<vmem_shared>>)
      %lt3A_317 = arith.constant 49 : i32
      %lt3A_318 = arith.cmpi slt, %scan3A_90, %lt3A_317 : i32
      %convert_element_type3A_319 = arith.extui %lt3A_318 : i1 to i32
      %cond3A_320 = arith.constant 0 : i32
      %cond3A_321 = arith.cmpi ne, %convert_element_type3A_319, %cond3A_320 : i32
      scf.if %cond3A_321 {
        %add3A_341 = arith.constant 5 : i32
        %add3A_342 = arith.addi %mul3A_92, %add3A_341 : i32
        %add3A_343 = arith.constant 3 : i32
        %add3A_344 = arith.addi %add3A_342, %add3A_343 : i32
        %dma_start3A_345 = arith.constant 3 : i32
        %dma_start3A_346 = arith.constant 3 : i32
        %dma_start3A_347 = arith.constant 0 : i32
        %dma_start3A_348 = arith.constant 0 : i32
        %dma_start3A_349 = tpu.memref_slice %arg9[%dma_start3A_345, %dma_start3A_347, %dma_start3A_348] : memref<5x40x128xf32, #tpu.memory_space<vmem>> -> memref<1x40x128xf32, #tpu.memory_space<vmem>>
        %dma_start3A_350 = tpu.memref_squeeze %dma_start3A_349 : memref<1x40x128xf32, #tpu.memory_space<vmem>> -> memref<40x128xf32, #tpu.memory_space<vmem>>
        %dma_start3A_351 = arith.constant 0 : i32
        %dma_start3A_352 = tpu.memref_slice %arg7[%add3A_344, %dma_start3A_351] : memref<250x40xi32, #tpu.memory_space<vmem>> -> memref<1x40xi32, #tpu.memory_space<vmem>>
        %dma_start3A_353 = tpu.memref_squeeze %dma_start3A_352 : memref<1x40xi32, #tpu.memory_space<vmem>> -> memref<40xi32, #tpu.memory_space<vmem>>
        %dma_start3A_354 = arith.constant 0 : i32
        %dma_start3A_355 = arith.constant 0 : i32
        %dma_start3A_356 = tpu.memref_slice %arg2[%dma_start3A_354, %dma_start3A_355] : memref<10000x128xf32, #tpu.memory_space<hbm>> -> memref<10000x128xf32, #tpu.memory_space<hbm>>
        %dma_start3A_357 = tpu.memref_slice %arg10[%dma_start3A_346] : memref<5x!tpu.dma_semaphore, #tpu.memory_space<semaphore_mem>> -> memref<1x!tpu.dma_semaphore, #tpu.memory_space<semaphore_mem>>
        %dma_start3A_358 = tpu.memref_squeeze %dma_start3A_357 : memref<1x!tpu.dma_semaphore, #tpu.memory_space<semaphore_mem>> -> memref<!tpu.dma_semaphore, #tpu.memory_space<semaphore_mem>>
        tpu.enqueue_indirect_dma source(%dma_start3A_356 : memref<10000x128xf32, #tpu.memory_space<hbm>>) target(%dma_start3A_350 : memref<40x128xf32, #tpu.memory_space<vmem>>) offsets(%dma_start3A_353 : memref<40xi32, #tpu.memory_space<vmem>>) semaphore(%dma_start3A_358 : memref<!tpu.dma_semaphore, #tpu.memory_space<semaphore_mem>>)
      } else {
      }
      %dma_wait3A_322 = arith.constant 4 : i32
      %dma_wait3A_323 = arith.constant 4 : i32
      %dma_wait3A_324 = arith.constant 0 : i32
      %dma_wait3A_325 = arith.constant 0 : i32
      %dma_wait3A_326 = tpu.memref_slice %arg9[%dma_wait3A_322, %dma_wait3A_324, %dma_wait3A_325] : memref<5x40x128xf32, #tpu.memory_space<vmem>> -> memref<1x40x128xf32, #tpu.memory_space<vmem>>
      %dma_wait3A_327 = tpu.memref_squeeze %dma_wait3A_326 : memref<1x40x128xf32, #tpu.memory_space<vmem>> -> memref<40x128xf32, #tpu.memory_space<vmem>>
      %dma_wait3A_328 = arith.constant 0 : i32
      %dma_wait3A_329 = tpu.memref_slice %arg8[%add3A_232, %dma_wait3A_328] : memref<250x40xi32, #tpu.memory_space<vmem>> -> memref<1x40xi32, #tpu.memory_space<vmem>>
      %dma_wait3A_330 = tpu.memref_squeeze %dma_wait3A_329 : memref<1x40xi32, #tpu.memory_space<vmem>> -> memref<40xi32, #tpu.memory_space<vmem>>
      %dma_wait3A_331 = arith.constant 0 : i32
      %dma_wait3A_332 = arith.constant 0 : i32
      %dma_wait3A_333 = tpu.memref_slice %arg6[%dma_wait3A_331, %dma_wait3A_332] : memref<10000x128xf32, #tpu.memory_space<vmem_shared>> -> memref<10000x128xf32, #tpu.memory_space<vmem_shared>>
      %dma_wait3A_334 = tpu.memref_slice %arg11[%dma_wait3A_323] : memref<5x!tpu.dma_semaphore, #tpu.memory_space<semaphore_mem>> -> memref<1x!tpu.dma_semaphore, #tpu.memory_space<semaphore_mem>>
      %dma_wait3A_335 = tpu.memref_squeeze %dma_wait3A_334 : memref<1x!tpu.dma_semaphore, #tpu.memory_space<semaphore_mem>> -> memref<!tpu.dma_semaphore, #tpu.memory_space<semaphore_mem>>
      tpu.wait_indirect_dma semaphore(%dma_wait3A_335 : memref<!tpu.dma_semaphore, #tpu.memory_space<semaphore_mem>>) src(%dma_wait3A_327 : memref<40x128xf32, #tpu.memory_space<vmem>>) dst(%dma_wait3A_333 : memref<10000x128xf32, #tpu.memory_space<vmem_shared>>)
      %lt3A_336 = arith.constant 49 : i32
      %lt3A_337 = arith.cmpi slt, %scan3A_90, %lt3A_336 : i32
      %convert_element_type3A_338 = arith.extui %lt3A_337 : i1 to i32
      %cond3A_339 = arith.constant 0 : i32
      %cond3A_340 = arith.cmpi ne, %convert_element_type3A_338, %cond3A_339 : i32
      scf.if %cond3A_340 {
        %add3A_341 = arith.constant 5 : i32
        %add3A_342 = arith.addi %mul3A_92, %add3A_341 : i32
        %add3A_343 = arith.constant 4 : i32
        %add3A_344 = arith.addi %add3A_342, %add3A_343 : i32
        %dma_start3A_345 = arith.constant 4 : i32
        %dma_start3A_346 = arith.constant 4 : i32
        %dma_start3A_347 = arith.constant 0 : i32
        %dma_start3A_348 = arith.constant 0 : i32
        %dma_start3A_349 = tpu.memref_slice %arg9[%dma_start3A_345, %dma_start3A_347, %dma_start3A_348] : memref<5x40x128xf32, #tpu.memory_space<vmem>> -> memref<1x40x128xf32, #tpu.memory_space<vmem>>
        %dma_start3A_350 = tpu.memref_squeeze %dma_start3A_349 : memref<1x40x128xf32, #tpu.memory_space<vmem>> -> memref<40x128xf32, #tpu.memory_space<vmem>>
        %dma_start3A_351 = arith.constant 0 : i32
        %dma_start3A_352 = tpu.memref_slice %arg7[%add3A_344, %dma_start3A_351] : memref<250x40xi32, #tpu.memory_space<vmem>> -> memref<1x40xi32, #tpu.memory_space<vmem>>
        %dma_start3A_353 = tpu.memref_squeeze %dma_start3A_352 : memref<1x40xi32, #tpu.memory_space<vmem>> -> memref<40xi32, #tpu.memory_space<vmem>>
        %dma_start3A_354 = arith.constant 0 : i32
        %dma_start3A_355 = arith.constant 0 : i32
        %dma_start3A_356 = tpu.memref_slice %arg2[%dma_start3A_354, %dma_start3A_355] : memref<10000x128xf32, #tpu.memory_space<hbm>> -> memref<10000x128xf32, #tpu.memory_space<hbm>>
        %dma_start3A_357 = tpu.memref_slice %arg10[%dma_start3A_346] : memref<5x!tpu.dma_semaphore, #tpu.memory_space<semaphore_mem>> -> memref<1x!tpu.dma_semaphore, #tpu.memory_space<semaphore_mem>>
        %dma_start3A_358 = tpu.memref_squeeze %dma_start3A_357 : memref<1x!tpu.dma_semaphore, #tpu.memory_space<semaphore_mem>> -> memref<!tpu.dma_semaphore, #tpu.memory_space<semaphore_mem>>
        tpu.enqueue_indirect_dma source(%dma_start3A_356 : memref<10000x128xf32, #tpu.memory_space<hbm>>) target(%dma_start3A_350 : memref<40x128xf32, #tpu.memory_space<vmem>>) offsets(%dma_start3A_353 : memref<40xi32, #tpu.memory_space<vmem>>) semaphore(%dma_start3A_358 : memref<!tpu.dma_semaphore, #tpu.memory_space<semaphore_mem>>)
      } else {
      }
    }
    %scan3A_83 = arith.constant 50 : i32
    %barrier3A_84 = arith.constant 0 : index
    tpu.barrier barrier_id(%barrier3A_84)
    "tpu.region"() ({
      %run_scoped3A = tpu.sem_alloc : memref<!tpu.dma_semaphore, #tpu.memory_space<semaphore_mem>>
      %dma_start3A_90 = arith.constant 0 : i32
      %dma_start3A_91 = tpu.memref_slice %arg5[%arg0, %multiple_of3A, %dma_start3A_90] : memref<2x10000x128xf32, #tpu.memory_space<hbm>> -> memref<1x624x128xf32, #tpu.memory_space<hbm>>
      %dma_start3A_92 = tpu.memref_squeeze %dma_start3A_91 : memref<1x624x128xf32, #tpu.memory_space<hbm>> -> memref<624x128xf32, #tpu.memory_space<hbm>>
      %dma_start3A_93 = arith.constant 0 : i32
      %dma_start3A_94 = tpu.memref_slice %arg6[%multiple_of3A, %dma_start3A_93] : memref<10000x128xf32, #tpu.memory_space<vmem_shared>> -> memref<624x128xf32, #tpu.memory_space<vmem_shared>>
      tpu.enqueue_dma source(%dma_start3A_94 : memref<624x128xf32, #tpu.memory_space<vmem_shared>>) target(%dma_start3A_92 : memref<624x128xf32, #tpu.memory_space<hbm>>) target_semaphore(%run_scoped3A : memref<!tpu.dma_semaphore, #tpu.memory_space<semaphore_mem>>)
      %dma_wait3A = arith.constant 0 : i32
      %dma_wait3A_95 = tpu.memref_slice %arg5[%arg0, %multiple_of3A, %dma_wait3A] : memref<2x10000x128xf32, #tpu.memory_space<hbm>> -> memref<1x624x128xf32, #tpu.memory_space<hbm>>
      %dma_wait3A_96 = tpu.memref_squeeze %dma_wait3A_95 : memref<1x624x128xf32, #tpu.memory_space<hbm>> -> memref<624x128xf32, #tpu.memory_space<hbm>>
      %dma_wait3A_97 = arith.constant 0 : i32
      %dma_wait3A_98 = tpu.memref_slice %arg6[%multiple_of3A, %dma_wait3A_97] : memref<10000x128xf32, #tpu.memory_space<vmem_shared>> -> memref<624x128xf32, #tpu.memory_space<vmem_shared>>
      tpu.wait_dma2 semaphore(%run_scoped3A : memref<!tpu.dma_semaphore, #tpu.memory_space<semaphore_mem>>) src(%dma_wait3A_98 : memref<624x128xf32, #tpu.memory_space<vmem_shared>>) dst(%dma_wait3A_96 : memref<624x128xf32, #tpu.memory_space<hbm>>)
      tpu.yield
    }) : () -> ()
    %eq3A_85 = arith.constant 0 : i32
    %eq3A_86 = arith.cmpi eq, %arg1, %eq3A_85 : i32
    %convert_element_type3A_87 = arith.extui %eq3A_86 : i1 to i32
    %cond3A_88 = arith.constant 0 : i32
    %cond3A_89 = arith.cmpi ne, %convert_element_type3A_87, %cond3A_88 : i32
    scf.if %cond3A_89 {
      "tpu.region"() ({
        %run_scoped3A = tpu.sem_alloc : memref<!tpu.dma_semaphore, #tpu.memory_space<semaphore_mem>>
        %dma_start3A_90 = arith.constant 9984 : i32
        %dma_start3A_91 = arith.constant 0 : i32
        %dma_start3A_92 = tpu.memref_slice %arg5[%arg0, %dma_start3A_90, %dma_start3A_91] : memref<2x10000x128xf32, #tpu.memory_space<hbm>> -> memref<1x16x128xf32, #tpu.memory_space<hbm>>
        %dma_start3A_93 = tpu.memref_squeeze %dma_start3A_92 : memref<1x16x128xf32, #tpu.memory_space<hbm>> -> memref<16x128xf32, #tpu.memory_space<hbm>>
        %dma_start3A_94 = arith.constant 9984 : i32
        %dma_start3A_95 = arith.constant 0 : i32
        %dma_start3A_96 = tpu.memref_slice %arg6[%dma_start3A_94, %dma_start3A_95] : memref<10000x128xf32, #tpu.memory_space<vmem_shared>> -> memref<16x128xf32, #tpu.memory_space<vmem_shared>>
        tpu.enqueue_dma source(%dma_start3A_96 : memref<16x128xf32, #tpu.memory_space<vmem_shared>>) target(%dma_start3A_93 : memref<16x128xf32, #tpu.memory_space<hbm>>) target_semaphore(%run_scoped3A : memref<!tpu.dma_semaphore, #tpu.memory_space<semaphore_mem>>)
        %dma_wait3A = arith.constant 9984 : i32
        %dma_wait3A_97 = arith.constant 0 : i32
        %dma_wait3A_98 = tpu.memref_slice %arg5[%arg0, %dma_wait3A, %dma_wait3A_97] : memref<2x10000x128xf32, #tpu.memory_space<hbm>> -> memref<1x16x128xf32, #tpu.memory_space<hbm>>
        %dma_wait3A_99 = tpu.memref_squeeze %dma_wait3A_98 : memref<1x16x128xf32, #tpu.memory_space<hbm>> -> memref<16x128xf32, #tpu.memory_space<hbm>>
        %dma_wait3A_100 = arith.constant 9984 : i32
        %dma_wait3A_101 = arith.constant 0 : i32
        %dma_wait3A_102 = tpu.memref_slice %arg6[%dma_wait3A_100, %dma_wait3A_101] : memref<10000x128xf32, #tpu.memory_space<vmem_shared>> -> memref<16x128xf32, #tpu.memory_space<vmem_shared>>
        tpu.wait_dma2 semaphore(%run_scoped3A : memref<!tpu.dma_semaphore, #tpu.memory_space<semaphore_mem>>) src(%dma_wait3A_102 : memref<16x128xf32, #tpu.memory_space<vmem_shared>>) dst(%dma_wait3A_99 : memref<16x128xf32, #tpu.memory_space<hbm>>)
        tpu.yield
      }) : () -> ()
    } else {
    }
    return
  }
}

module attributes {stable_mosaic.version = 14 : i64} {
  func.func @_tc1_body(%arg0: memref<2x10000x8xf32, #tpu.memory_space<vmem>>, %arg1: memref<10000x128xf32, #tpu.memory_space<vmem>>, %arg2: memref<128x128xf32, #tpu.memory_space<vmem>>, %arg3: memref<10000x128xf32, #tpu.memory_space<vmem>>, %arg4: memref<10000xf32, #tpu.memory_space<vmem>>) attributes {dimension_semantics = [], scalar_prefetch = 0 : i64, scratch_operands = 0 : i64, tpu.core_type = #tpu.core_type<tc>} {
    %get3A = arith.constant 0 : index
    %get3A_0 = arith.constant 0 : index
    %get3A_1 = arith.constant 0 : index
    %get3A_2 = vector.load %arg0[%get3A, %get3A_0, %get3A_1] : memref<2x10000x8xf32, #tpu.memory_space<vmem>>, vector<1x10000x1xf32>
    %get3A_3 = vector.shape_cast %get3A_2 : vector<1x10000x1xf32> to vector<10000xf32>
    %get3A_4 = arith.constant 1 : index
    %get3A_5 = arith.constant 0 : index
    %get3A_6 = arith.constant 0 : index
    %get3A_7 = vector.load %arg0[%get3A_4, %get3A_5, %get3A_6] : memref<2x10000x8xf32, #tpu.memory_space<vmem>>, vector<1x10000x1xf32>
    %get3A_8 = vector.shape_cast %get3A_7 : vector<1x10000x1xf32> to vector<10000xf32>
    %add3A = arith.addf %get3A_3, %get3A_8 : vector<10000xf32>
    %sub3A = arith.constant 1.000000e+00 : f32
    %sub3A_9 = vector.broadcast %sub3A : f32 to vector<10000xf32>
    %sub3A_10 = arith.subf %add3A, %sub3A_9 : vector<10000xf32>
    %rsqrt3A = math.rsqrt %sub3A_10 : vector<10000xf32>
    %swap3A = arith.constant 0 : index
    %swap3A_11 = vector.load %arg4[%swap3A] : memref<10000xf32, #tpu.memory_space<vmem>>, vector<10000xf32>
    tpu.vector_store %arg4[%swap3A], %rsqrt3A {strides = array<i32>} : memref<10000xf32, #tpu.memory_space<vmem>>, vector<10000xf32>,
    %get3A_12 = arith.constant 0 : index
    %get3A_13 = arith.constant 0 : index
    %get3A_14 = vector.load %arg1[%get3A_12, %get3A_13] : memref<10000x128xf32, #tpu.memory_space<vmem>>, vector<10000x128xf32>
    %get3A_15 = arith.constant 0 : index
    %get3A_16 = arith.constant 0 : index
    %get3A_17 = vector.load %arg2[%get3A_15, %get3A_16] : memref<128x128xf32, #tpu.memory_space<vmem>>, vector<128x128xf32>
    %dot_general3A = arith.constant dense<0.000000e+00> : vector<10000x128xf32>
    %dot_general3A_18 = tpu.matmul %get3A_14, %get3A_17, %dot_general3A {dimension_numbers = #tpu.dot_dimension_numbers<[1], [0], [0], [1], [0, 0, 1, 1], [], []>, transpose_lhs_hint = false} : vector<10000x128xf32>, vector<128x128xf32>, vector<10000x128xf32> -> vector<10000x128xf32>
    %broadcast_in_dim3A = vector.shape_cast %rsqrt3A : vector<10000xf32> to vector<10000x1xf32>
    %mul3A = vector.broadcast %broadcast_in_dim3A : vector<10000x1xf32> to vector<10000x128xf32>
    %mul3A_19 = arith.mulf %dot_general3A_18, %mul3A : vector<10000x128xf32>
    %swap3A_20 = arith.constant 0 : index
    %swap3A_21 = arith.constant 0 : index
    %swap3A_22 = vector.load %arg3[%swap3A_20, %swap3A_21] : memref<10000x128xf32, #tpu.memory_space<vmem>>, vector<10000x128xf32>
    tpu.vector_store %arg3[%swap3A_20, %swap3A_21], %mul3A_19 {strides = array<i32>} : memref<10000x128xf32, #tpu.memory_space<vmem>>, vector<10000x128xf32>,
    return
  }
}

module attributes {stable_mosaic.version = 14 : i64} {
  func.func @_tc2_body(%arg0: memref<2x10000x128xf32, #tpu.memory_space<vmem>>, %arg1: memref<10000x128xf32, #tpu.memory_space<vmem>>, %arg2: memref<10000xf32, #tpu.memory_space<vmem>>, %arg3: memref<128xf32, #tpu.memory_space<vmem>>, %arg4: memref<128x16xf32, #tpu.memory_space<vmem>>, %arg5: memref<10000x16xf32, #tpu.memory_space<vmem>>) attributes {dimension_semantics = [], scalar_prefetch = 0 : i64, scratch_operands = 0 : i64, tpu.core_type = #tpu.core_type<tc>} {
    %get3A = arith.constant 0 : index
    %get3A_0 = vector.load %arg2[%get3A] : memref<10000xf32, #tpu.memory_space<vmem>>, vector<10000xf32>
    %get3A_1 = arith.constant 0 : index
    %get3A_2 = arith.constant 0 : index
    %get3A_3 = arith.constant 0 : index
    %get3A_4 = vector.load %arg0[%get3A_1, %get3A_2, %get3A_3] : memref<2x10000x128xf32, #tpu.memory_space<vmem>>, vector<1x10000x128xf32>
    %get3A_5 = vector.shape_cast %get3A_4 : vector<1x10000x128xf32> to vector<10000x128xf32>
    %get3A_6 = arith.constant 1 : index
    %get3A_7 = arith.constant 0 : index
    %get3A_8 = arith.constant 0 : index
    %get3A_9 = vector.load %arg0[%get3A_6, %get3A_7, %get3A_8] : memref<2x10000x128xf32, #tpu.memory_space<vmem>>, vector<1x10000x128xf32>
    %get3A_10 = vector.shape_cast %get3A_9 : vector<1x10000x128xf32> to vector<10000x128xf32>
    %add3A = arith.addf %get3A_5, %get3A_10 : vector<10000x128xf32>
    %get3A_11 = arith.constant 0 : index
    %get3A_12 = arith.constant 0 : index
    %get3A_13 = vector.load %arg1[%get3A_11, %get3A_12] : memref<10000x128xf32, #tpu.memory_space<vmem>>, vector<10000x128xf32>
    %sub3A = arith.subf %add3A, %get3A_13 : vector<10000x128xf32>
    %broadcast_in_dim3A = vector.shape_cast %get3A_0 : vector<10000xf32> to vector<10000x1xf32>
    %mul3A = vector.broadcast %broadcast_in_dim3A : vector<10000x1xf32> to vector<10000x128xf32>
    %mul3A_14 = arith.mulf %sub3A, %mul3A : vector<10000x128xf32>
    %get3A_15 = arith.constant 0 : index
    %get3A_16 = vector.load %arg3[%get3A_15] : memref<128xf32, #tpu.memory_space<vmem>>, vector<128xf32>
    %broadcast_in_dim3A_17 = vector.shape_cast %get3A_16 : vector<128xf32> to vector<1x128xf32>
    %add3A_18 = vector.broadcast %broadcast_in_dim3A_17 : vector<1x128xf32> to vector<10000x128xf32>
    %add3A_19 = arith.addf %mul3A_14, %add3A_18 : vector<10000x128xf32>
    %max3A = arith.constant 0.000000e+00 : f32
    %max3A_20 = vector.broadcast %max3A : f32 to vector<10000x128xf32>
    %max3A_21 = arith.maximumf %add3A_19, %max3A_20 : vector<10000x128xf32>
    %get3A_22 = arith.constant 0 : index
    %get3A_23 = arith.constant 0 : index
    %get3A_24 = vector.load %arg4[%get3A_22, %get3A_23] : memref<128x16xf32, #tpu.memory_space<vmem>>, vector<128x16xf32>
    %dot_general3A = arith.constant dense<0.000000e+00> : vector<10000x16xf32>
    %dot_general3A_25 = tpu.matmul %max3A_21, %get3A_24, %dot_general3A {dimension_numbers = #tpu.dot_dimension_numbers<[1], [0], [0], [1], [0, 0, 1, 1], [], []>, transpose_lhs_hint = false} : vector<10000x128xf32>, vector<128x16xf32>, vector<10000x16xf32> -> vector<10000x16xf32>
    %broadcast_in_dim3A_26 = vector.shape_cast %get3A_0 : vector<10000xf32> to vector<10000x1xf32>
    %mul3A_27 = vector.broadcast %broadcast_in_dim3A_26 : vector<10000x1xf32> to vector<10000x16xf32>
    %mul3A_28 = arith.mulf %dot_general3A_25, %mul3A_27 : vector<10000x16xf32>
    %swap3A = arith.constant 0 : index
    %swap3A_29 = arith.constant 0 : index
    %swap3A_30 = vector.load %arg5[%swap3A, %swap3A_29] : memref<10000x16xf32, #tpu.memory_space<vmem>>, vector<10000x16xf32>
    tpu.vector_store %arg5[%swap3A, %swap3A_29], %mul3A_28 {strides = array<i32>} : memref<10000x16xf32, #tpu.memory_space<vmem>>, vector<10000x16xf32>,
    return
  }
}

module attributes {stable_mosaic.version = 14 : i64} {
  func.func @_tc3_body(%arg0: memref<2x10000x16xf32, #tpu.memory_space<vmem>>, %arg1: memref<10000x16xf32, #tpu.memory_space<vmem>>, %arg2: memref<10000xf32, #tpu.memory_space<vmem>>, %arg3: memref<16xf32, #tpu.memory_space<vmem>>, %arg4: memref<10000x16xf32, #tpu.memory_space<vmem>>) attributes {dimension_semantics = [], scalar_prefetch = 0 : i64, scratch_operands = 0 : i64, tpu.core_type = #tpu.core_type<tc>} {
    %get3A = arith.constant 0 : index
    %get3A_0 = arith.constant 0 : index
    %get3A_1 = arith.constant 0 : index
    %get3A_2 = vector.load %arg0[%get3A, %get3A_0, %get3A_1] : memref<2x10000x16xf32, #tpu.memory_space<vmem>>, vector<1x10000x16xf32>
    %get3A_3 = vector.shape_cast %get3A_2 : vector<1x10000x16xf32> to vector<10000x16xf32>
    %get3A_4 = arith.constant 1 : index
    %get3A_5 = arith.constant 0 : index
    %get3A_6 = arith.constant 0 : index
    %get3A_7 = vector.load %arg0[%get3A_4, %get3A_5, %get3A_6] : memref<2x10000x16xf32, #tpu.memory_space<vmem>>, vector<1x10000x16xf32>
    %get3A_8 = vector.shape_cast %get3A_7 : vector<1x10000x16xf32> to vector<10000x16xf32>
    %add3A = arith.addf %get3A_3, %get3A_8 : vector<10000x16xf32>
    %get3A_9 = arith.constant 0 : index
    %get3A_10 = arith.constant 0 : index
    %get3A_11 = vector.load %arg1[%get3A_9, %get3A_10] : memref<10000x16xf32, #tpu.memory_space<vmem>>, vector<10000x16xf32>
    %sub3A = arith.subf %add3A, %get3A_11 : vector<10000x16xf32>
    %get3A_12 = arith.constant 0 : index
    %get3A_13 = vector.load %arg2[%get3A_12] : memref<10000xf32, #tpu.memory_space<vmem>>, vector<10000xf32>
    %broadcast_in_dim3A = vector.shape_cast %get3A_13 : vector<10000xf32> to vector<10000x1xf32>
    %mul3A = vector.broadcast %broadcast_in_dim3A : vector<10000x1xf32> to vector<10000x16xf32>
    %mul3A_14 = arith.mulf %sub3A, %mul3A : vector<10000x16xf32>
    %get3A_15 = arith.constant 0 : index
    %get3A_16 = vector.load %arg3[%get3A_15] : memref<16xf32, #tpu.memory_space<vmem>>, vector<16xf32>
    %broadcast_in_dim3A_17 = vector.shape_cast %get3A_16 : vector<16xf32> to vector<1x16xf32>
    %add3A_18 = vector.broadcast %broadcast_in_dim3A_17 : vector<1x16xf32> to vector<10000x16xf32>
    %add3A_19 = arith.addf %mul3A_14, %add3A_18 : vector<10000x16xf32>
    %swap3A = arith.constant 0 : index
    %swap3A_20 = arith.constant 0 : index
    %swap3A_21 = vector.load %arg4[%swap3A, %swap3A_20] : memref<10000x16xf32, #tpu.memory_space<vmem>>, vector<10000x16xf32>
    tpu.vector_store %arg4[%swap3A, %swap3A_20], %add3A_19 {strides = array<i32>} : memref<10000x16xf32, #tpu.memory_space<vmem>>, vector<10000x16xf32>,
    return
  }
}

</mosaic_0001>

<sc_bundles>
// kernel: kernel.11.cloned.1.call-start
scs
__scs_entry_jumppad:
0x0: {  	(pc) =	sbr.rel $0x88, $3  }
0x1: {  	(tag) =	ssettag $0x0;
	lr =	simm.s32 $0x1  }
0x2: {  	[smem:$0x3F9B] =	sst lr;
	_ =	strace $0xD0000000  }
0x3: {  	_ = 	snop  }
0x4: {  	_ = 	snop  }
0x5: {  	_ = 	snop  }
0x6: {  	_ = 	snop  }
0x7: {  	_ = 	snop  }
__scs_overlays_trampoline_lowered:
0x8: {  	[smem:$0x3FAA] =	sst s0  }
0x9: {  	[smem:$0x3FAB] =	sst s1  }
0xa: {  	[smem:$0x3FAC] =	sst s2  }
0xb: {  	[smem:$0x3FAD] =	sst s3  }
0xc: {  	[smem:$0x3FAE] =	sst s4  }
0xd: {  	[smem:$0x3FAF] =	sst s5  }
0xe: {  	[smem:$0x3FB0] =	sst s6  }
0xf: {  	[smem:$0x3FB1] =	sst s7  }
0x10: {  	[smem:$0x3FB2] =	sst s8  }
0x11: {  	[smem:$0x3FB3] =	sst s9;
	s0 =	simm.s32 @!p0 $0x0  }
0x12: {  	s1 =	sld [smem:$0x3F99];
	s0 =	simm.s32 @p0 $0x1  }
0x13: {  	[smem:$0x3FB4] =	sst s0;
	s0 =	simm.s32 @!p1 $0x0  }
0x14: {  	s2 =	sld [smem:$0x3F98];
	s0 =	simm.s32 @p1 $0x1  }
0x15: {  	[smem:$0x3FB5] =	sst s0;
	s0 =	simm.s32 @!p2 $0x0  }
0x16: {  	s3 =	sld [smem:$0x3FDB];
	s0 =	simm.s32 @p2 $0x1  }
0x17: {  	s4 =	simm.s32 $0x1BF5;
	[smem:$0x3FB7] =	sst s0  }
0x18: {  	s0 =	sld [smem:$0x3F9A];
	_ =	swait.ge [sflag:s4], $0x0  }
0x19: {  	s7 =	sld [smem:$0x3F9B]  }
0x1a: {  	s8 =	sadd.s32 $0xFFFFE003, lr  }
0x1b: {  	s9 =	sadd.s32 $0xFFFFFEF7, lr;
	s5 =	simm.s32 $0xFFFFFFFF;
	p2 =	slt.u32 s8, $0xFFFFF086  }
0x1c: {  	p1 =	slt.u32 s9, $0xF7A;
	s5 =	simm.s32 @!p2 $0x0  }
0x1d: {  	s5 =	simm.s32 @p1 $0x1;
	p0 =	seq.s32 s7, s2  }
0x1e: {  	s7 =	smul.u32 @!p0 $0xF7A, s2;
	p2 =	seq.s32 @!p0 s5, $0x0  }
0x1f: {  	s9 =	smul.u32 $0xF7A, s1;
	s8 =	simm.s32 @!p0 $0x1BF5;
	p2 =	por !p2, p0  }
0x20: {  	[sflag:s8] =	ssyncset.s32 @!p0 $0xFFFFF086;
	s6 =	sadd.s32 @!p0 s3, s7;
	s7 =	simm.s32 @!p0 $0x108  }
0x21: {  	s3 =	sadd.s32 s3, s9;
	s6 =	sadd.s32 @!p0 $0x88, s6;
	s7 =	simm.s32 @p2 $0x1082  }
0x22: {  	[simem:s7], [sflag:s8] =	dma.local @!p0 [hbm:s6], $0xF7A  }
0x23: {  	s9 =	sor.u32 $0xD0000000, s2;
	s6 =	simm.s32 $0x108;
	_ =	swait.ge @!p0 [sflag:s8], $0x0  }
0x24: {  	s3 =	sadd.s32 $0x88, s3;
	s6 =	simm.s32 @!p1 $0x1082;
	[sflag:s4] =	ssyncset.s32 $0xFFFFF086  }
0x25: {  	[simem:s6], [sflag:s4] =	dma.local [hbm:s3], $0xF7A  }
0x26: {  	[smem:$0x3F9B] =	sst s1;
	(tag) =	ssettag s2;
	_ =	strace s9  }
0x27: {  	s1 =	sld [smem:$0x3FAB]  }
0x28: {  	s2 =	sld [smem:$0x3FAC]  }
0x29: {  	s4 =	sld [smem:$0x3FAE]  }
0x2a: {  	p0 =	seq.s32 s5, $0x0;
	s5 =	sld [smem:$0x3FAF]  }
0x2b: {  	s6 =	sld [smem:$0x3FB0]  }
0x2c: {  	s7 =	sld [smem:$0x3FB1]  }
0x2d: {  	s3 =	simm.s32 $0x108;
	s8 =	sld [smem:$0x3FB2]  }
0x2e: {  	s3 =	simm.s32 @!p0 $0x1082;
	s9 =	sld [smem:$0x3FB3]  }
0x2f: {  	lr =	sadd.s32 s0, s3;
	s0 =	sld [smem:$0x3FAA]  }
0x30: {  	s3 =	sld [smem:$0x3FAD]  }
0x31: {  	[smem:$0x3FB6] =	sst s10  }
0x32: {  	s10 =	sld [smem:$0x3FB4];
	_ =	sdelay $0x3  }
0x33: {  	p0 =	seq.s32 s10, $0x1;
	s10 =	sld [smem:$0x3FB6];
	_ =	sdelay $0x3  }
0x34: {  	[smem:$0x3FB6] =	sst s10  }
0x35: {  	s10 =	sld [smem:$0x3FB5];
	_ =	sdelay $0x3  }
0x36: {  	p1 =	seq.s32 s10, $0x1;
	s10 =	sld [smem:$0x3FB6];
	_ =	sdelay $0x3  }
0x37: {  	[smem:$0x3FB6] =	sst s10  }
0x38: {  	s10 =	sld [smem:$0x3FB7]  }
0x39: {  	_ = 	snop;
	(pc) =	sbr.ind lr, $3  }
0x3a: {  	_ = 	snop  }
0x3b: {  	_ = 	snop  }
0x3c: {  	p2 =	seq.s32 s10, $0x1;
	s10 =	sld [smem:$0x3FB6]  }
0x3d: {  	_ =	shalt  }
0x3e: {  	_ =	shalt  }
0x3f: {  	_ =	shalt  }
0x40: {  	_ =	shalt  }
0x41: {  	_ =	shalt  }
0x42: {  	_ =	shalt  }
0x43: {  	_ =	shalt  }
0x44: {  	_ =	shalt  }
0x45: {  	_ =	shalt  }
0x46: {  	_ =	shalt  }
0x47: {  	_ =	shalt  }
0x48: {  	_ =	shalt  }
0x49: {  	_ =	shalt  }
0x4a: {  	_ =	shalt  }
0x4b: {  	_ =	shalt  }
0x4c: {  	_ =	shalt  }
0x4d: {  	_ =	shalt  }
0x4e: {  	_ =	shalt  }
0x4f: {  	_ =	shalt  }
0x50: {  	_ =	shalt  }
0x51: {  	_ =	shalt  }
0x52: {  	_ =	shalt  }
0x53: {  	_ =	shalt  }
0x54: {  	_ =	shalt  }
0x55: {  	_ =	shalt  }
0x56: {  	_ =	shalt  }
0x57: {  	_ =	shalt  }
0x58: {  	_ =	shalt  }
0x59: {  	_ =	shalt  }
0x5a: {  	_ =	shalt  }
0x5b: {  	_ =	shalt  }
0x5c: {  	_ =	shalt  }
0x5d: {  	_ =	shalt  }
0x5e: {  	_ =	shalt  }
0x5f: {  	_ =	shalt  }
0x60: {  	_ =	shalt  }
0x61: {  	_ =	shalt  }
0x62: {  	_ =	shalt  }
0x63: {  	_ =	shalt  }
0x64: {  	_ =	shalt  }
0x65: {  	_ =	shalt  }
0x66: {  	_ =	shalt  }
0x67: {  	_ =	shalt  }
0x68: {  	_ =	shalt  }
0x69: {  	_ =	shalt  }
0x6a: {  	_ =	shalt  }
0x6b: {  	_ =	shalt  }
0x6c: {  	_ =	shalt  }
0x6d: {  	_ =	shalt  }
0x6e: {  	_ =	shalt  }
0x6f: {  	_ =	shalt  }
0x70: {  	_ =	shalt  }
0x71: {  	_ =	shalt  }
0x72: {  	_ =	shalt  }
0x73: {  	_ =	shalt  }
0x74: {  	_ =	shalt  }
0x75: {  	_ =	shalt  }
0x76: {  	_ =	shalt  }
0x77: {  	_ =	shalt  }
0x78: {  	_ =	shalt  }
0x79: {  	_ =	shalt  }
0x7a: {  	_ =	shalt  }
0x7b: {  	_ =	shalt  }
0x7c: {  	_ =	shalt  }
0x7d: {  	_ =	shalt  }
0x7e: {  	_ =	shalt  }
0x7f: {  	_ =	shalt  }
0x80: {  	_ =	shalt  }
0x81: {  	_ =	shalt  }
0x82: {  	_ =	shalt  }
0x83: {  	_ =	shalt  }
0x84: {  	_ =	shalt  }
0x85: {  	_ =	shalt  }
0x86: {  	_ =	shalt  }
0x87: {  	_ =	shalt  }
.Lfunc_end0:
.L_simem_size_0:
called_computation.1_lowered:
.L_overlay_start_0:
0x88: {  	s2 =	sld [smem:$0x3FD9]  }
0x89: {  	s3 =	sld [smem:$0x3FFE];
	_ =	sdelay $0x1  }
0x8a: {  	s1 =	srdreg.scid  }
0x8b: {  	s0 =	sand.u32 $0x1, s1  }
0x8c: {  	s16 =	sshll.u32 s0, $0xA;
	s2 =	sadd.s32 s3, s2  }
0x8d: {  	s2 =	sadd.s32 s2, s16  }
0x8e: {  	[smem:$0x3FC2] =	sst s2  }
0x8f: {  	_ = 	snop  }
0x90: {  	(tm) =	ssettm $0x1  }
0x91: {  	s17 =	sld [smem:$0x3FFB];
	_ =	sdelay $0x3  }
0x92: {  	_ =	strace s17  }
0x93: {  	s2 =	sld [smem:$0x3FFC];
	_ =	sdelay $0x3  }
0x94: {  	_ =	strace s2  }
0x95: {  	s2 =	sld [smem:$0x3FFD];
	_ =	sdelay $0x3  }
0x96: {  	_ =	strace s2  }
0x97: {  	_ =	strace $0x8FFFFFFF  }
0x98: {  	s18 =	sld [smem:$0x3FDB];
	_ =	sdelay $0x1  }
0x99: {  	s19 =	simm.s32 $_scs_section_size  }
0x9a: {  	s4 =	simm.s32 $_size__tile_overlayer_lowered;
	s5 =	simm.s32 $_tile_overlayer_lowered  }
0x9b: {  	s22 =	simm.s32 $0x1BFF;
	s21 =	sshll.u32 s5, $0x1;
	s2 =	sadd.s32 s19, s18  }
0x9c: {  	s6 =	simm.s32 $0x0;
	s20 =	sshll.u32 s4, $0x1;
	s4 =	sadd.s32 s21, s2  }
0x9d: {  	[timem:s6], [sflag:s22] =	dma.local [hbm:s4], s20  }
0x9e: {  	_ =	swait.ge [sflag:s22], s20  }
0x9f: {  	s3 =	ssub.s32 $0x0, s20;
	[sflag:s22] =	ssyncset.done $0x0  }
0xa0: {  	[sflag:s22] =	ssyncadd.s32 s3;
	_ =	sdelay $0x1  }
0xa1: {  	s23 =	simm.s32 $0x1B8B  }
0xa2: {  	_ =	swait.ge [sflag:s23], $0x1  }
0xa3: {  	[sflag:s23] =	ssyncset.done $0x0  }
0xa4: {  	s25 =	simm.s32 $0x1B8E;
	s24 =	sld [smem:$0x3FFE];
	[sflag:s23] =	ssyncadd.s32 $0xFFFFFFFF  }
0xa5: {  	s26 =	simm.s32 $execute0_lowered;
	[smem:$0x3FD2] =	sst s25  }
0xa6: {  	s4 =	sshll.u32 s26, $0x1;
	_ =	strace $0x80000049;
	[dreg:$0x1] =	wrdreg $0xFFFFFFFF  }
0xa7: {  	s28 =	simm.s32 $_size_execute0_lowered;
	s2 =	sadd.s32 s2, s4;
	[dreg:$0x0] =	wrdreg $0x0  }
0xa8: {  	s4 =	sshll.u32 s28, $0x1;
	[dreg:$0x2] =	wrdreg s2  }
0xa9: {  	[dreg:$0x3] =	wrdreg s4  }
0xaa: {  	[dreg:$0x4] =	wrdreg $0xC0  }
0xab: {  	_ =	task [dreg:s6], $0x5FFFF  }
0xac: {  	[dreg:$0x1] =	wrdreg $0xFFFFFFFF  }
0xad: {  	[dreg:$0x0] =	wrdreg $0x60  }
0xae: {  	[dreg:$0x2] =	wrdreg s24  }
0xaf: {  	[dreg:$0x3] =	wrdreg $0x0  }
0xb0: {  	[dreg:$0x4] =	wrdreg $0x9  }
0xb1: {  	_ =	task.clear_ibuf [dreg:s6], $0x5FFFF;
	_ =	strace $0x90000049  }
0xb2: {  	s29 =	simm.s32 $0x9;
	_ =	strace $0x8000004B  }
0xb3: {  	_ =	swait.ge [sflag:s29], $0x1  }
0xb4: {  	[sflag:s29] =	ssyncadd.s32 $0xFFFFFFFF  }
0xb5: {  	_ =	strace $0x9000004B  }
0xb6: {  	_ =	sfence  }
0xb7: {  	s30 =	sld [smem:$0x0];
	_ =	sdelay $0x2  }
0xb8: {  	s31 =	sshll.u32 s1, $0xD;
	s1 =	sshrl.u32 s1, $0x2  }
0xb9: {  	s3 =	sand.u32 $0x4000, s31;
	s1 =	sadd.s32 s1, s30  }
0xba: {  	s0 =	sor.u32 s3, s0;
	s1 =	sshll.u32 s1, $0x11  }
0xbb: {  	s0 =	sor.u32 s1, s0  }
0xbc: {  	s0 =	sadd.s32 $0x8F2B, s0  }
0xbd: {  	[sflag:s0] =	ssyncadd.remote.s32 $0x1  }
0xbe: {  	_ =	sfence.sel $0xFFFF  }
0xbf: {  	[dreg:$0x0] =	wrdreg $0xFFFFFFFF;
	(pc) =	sbr.abs _section_cstart, $3  }
0xc0: {  	[dreg:$0x1] =	wrdreg $0xFFFFFFFF  }
0xc1: {  	_ =	task.clear_ibuf [dreg:s6], $0x2FFFF;
	_ =	strace $0x9FFFFFFF  }
0xc2: {  	(tm) =	ssettm $0x7FFFFFFF  }
0xc3: {  	_ =	shalt  }
tec
execute0_lowered:
.L_overlay_start_1:
0x0: {  	(tag) =	ssettag $0x1  }
0x1: {  	s2 =	rddreg [dreg:$0x0]  }
0x2: {  	s0 =	srdreg.scid;
	s1 =	rddreg [dreg:$0x1]  }
0x3: {  	s4 =	stileid.u32;
	s5 =	simm.s32 $0x0;
	s11 =	simm.s32 $0x13880  }
0x4: {  	s12 =	simm.s32 $0xB;
	s17 =	simm.s32 $0x28;
	s18 =	simm.s32 $0x186A0  }
0x5: {  	s20 =	simm.s32 $0x19AA0;
	s28 =	simm.s32 $0x1;
	s29 =	simm.s32 $0x2  }
0x6: {  	s30 =	simm.s32 $0x3;
	s31 =	simm.s32 $0x4;
	s19 =	simm.s32 $0x7  }
0x7: {  	s21 =	simm.s32 $0x8;
	s0 =	sand.u32 $0x1, s0;
	[smem:$0x7FF] =	sst s5  }
0x8: {  	s8 =	smul.u32 $0x13800, s4;
	s9 =	sadd.s32 $0x46E00, s2;
	s16 =	sadd.s32 $0x138000, s1  }
0x9: {  	p0 =	sne.s32 s4, $0x0;
	s26 =	sshll.u32 s4, $0x6;
	s3 =	sshll.u32 s0, $0x4  }
0xa: {  	_ =	strace $0x8000004A;
	s6 =	ssub.s32 $0x2, s0;
	s0 =	smul.u32 $0x138800, s0  }
0xb: {  	s14 =	sor.u32 $0x1C0B, s26;
	s16 =	sshrl.u32 @!p0 s16, $0x3;
	s26 =	simm.s32 $0x1D6A0  }
0xc: {  	s3 =	sor.u32 s4, s3;
	s7 =	sshrl.u32 s6, $0x1;
	s24 =	sshrl.u32 s8, $0x3  }
0xd: {  	s13 =	sadd.s32 s8, s1;
	s22 =	smul.u32 $0x4E2, s3;
	s3 =	sadd.s32 $0x1FC00, s2  }
0xe: {  	s10 =	ssub.s32 s6, s7;
	s25 =	sadd.s32 s8, s0;
	s0 =	sshrl.u32 s0, $0x3  }
0xf: {  	s7 =	sadd.s32 $0x46C00, s2;
	s15 =	sshrl.u32 s13, $0x3;
	s5 =	sadd.s32 s22, s2  }
0x10: {  	s13 =	simm.s32 $0x6;
	s0 =	sadd.s32 s9, s0;
	s23 =	sadd.s32 $0x2000, s5  }
0x11: {  	s10 =	smax.u32 s10, $0x1;
	s5 =	sadd.s32 $0xBE00, s5;
	[dreg:$0x3] =	wrdreg s23  }
0x12: {  	s22 =	simm.s32 $0x1AEA0;
	s2 =	simm.s32 $0x0;
	[dreg:$0x4] =	wrdreg s5  }
0x13: {  	s5 =	sadd.s32 s3, s24;
	s24 =	simm.s32 $0x1C2A0;
	s23 =	simm.s32 $0x9  }
0x14: {  	[dreg:$0x5] =	wrdreg s5;
	s5 =	sshrl.u32 s25, $0x3;
	s25 =	simm.s32 $0xA  }
0x15: {  	s8 =	sadd.s32 s9, s5;
	s9 =	sadd.s32 $0x27000, s0;
	s0 =	simm.s32 $0x5  }
.LBB2_1:
0x16: {  	s4 =	simm.s32 $0x0;
	s5 =	rddreg [dreg:$0x3]  }
0x17: {  	[tilespmem:s11], [sflag:$0xB] =	stream.linear.gather [hbm4b:s5+s4], $0x2710, $0x38;
	[tilespmem:$0x1EAA0] =	vst v63  }
0x18: {  	_ =	swait.ge [sflag:s12], $0x2710  }
0x19: {  	[sflag:s12] =	ssyncset.done $0x0  }
0x1a: {  	s6 =	simm.s32 $0x15F90;
	s5 =	rddreg [dreg:$0x4];
	[sflag:s12] =	ssyncadd.s32 $0xFFFFD8F0  }
0x1b: {  	[tilespmem:s6], [sflag:$0xB] =	stream.linear.gather [hbm4b:s5+s4], $0x2710, $0x38;
	[tilespmem:$0x1EAA0] =	vst v63  }
0x1c: {  	_ =	swait.ge [sflag:s12], $0x2710  }
0x1d: {  	[sflag:s12] =	ssyncset.done $0x0  }
0x1e: {  	s5 =	rddreg [dreg:$0x5];
	[sflag:s12] =	ssyncadd.s32 $0xFFFFD8F0  }
0x1f: {  	[spmem:s15], [sflag:s14] =	dma.local [hbm:s5], $0x2700  }
0x20: {  	_ =	swait.ge [sflag:s12], $0x2700  }
0x21: {  	[sflag:s12] =	ssyncset.done $0x0  }
0x22: {  	s4 =	simm.s32 @!p0 $0xB;
	[sflag:s12] =	ssyncadd.s32 $0xFFFFD900  }
0x23: {  	[spmem:s16], [sflag:s14] =	dma.local @!p0 [hbm:s7], $0x100  }
0x24: {  	_ =	swait.ge @!p0 [sflag:s4], $0x100  }
0x25: {  	[sflag:s4] =	ssyncset.done @!p0 $0x0  }
0x26: {  	[sflag:s4] =	ssyncadd.s32 @!p0 $0xFFFFFF00  }
0x27: {  	[bflag:$0x0] =	sbarrier.arrive $0xFFFF  }
0x28: {  	[tilespmem:s18], [sflag:$0x1] =	stream.indirect.gather [hbm4b:s3+s17], $0x80, s11, s17, $0xb8;
	[tilespmem:$0x1EAA0] =	vst v63  }
0x29: {  	s6 =	simm.s32 $0x138A8  }
0x2a: {  	[tilespmem:s20], [sflag:$0x2] =	stream.indirect.gather [hbm4b:s3+s17], $0x80, s6, s17, $0xb8;
	[tilespmem:$0x1EAA0] =	vst v63  }
0x2b: {  	s5 =	simm.s32 $0x138D0  }
0x2c: {  	[tilespmem:s22], [sflag:$0x3] =	stream.indirect.gather [hbm4b:s3+s17], $0x80, s5, s17, $0xb8;
	[tilespmem:$0x1EAA0] =	vst v63  }
0x2d: {  	s6 =	simm.s32 $0x138F8  }
0x2e: {  	[tilespmem:s24], [sflag:$0x4] =	stream.indirect.gather [hbm4b:s3+s17], $0x80, s6, s17, $0xb8;
	[tilespmem:$0x1EAA0] =	vst v63  }
0x2f: {  	s5 =	simm.s32 $0x13920  }
0x30: {  	[tilespmem:s26], [sflag:$0x5] =	stream.indirect.gather [hbm4b:s3+s17], $0x80, s5, s17, $0xb8;
	[tilespmem:$0x1EAA0] =	vst v63  }
0x31: {  	_ =	swait.ge [sflag:s28], $0x1400  }
0x32: {  	[sflag:s28] =	ssyncset.done $0x0  }
0x33: {  	s6 =	simm.s32 $0x15F90;
	[sflag:s28] =	ssyncadd.s32 $0xFFFFEC00  }
0x34: {  	[spmem:s1] =	stream.indirect.scatter.add.f32 [tilespmem:s18], [sflag:$0x6], $0x80, s6, s17, $0xb8;
	[tilespmem:$0x1EAA0] =	vst v63  }
0x35: {  	_ =	swait.ge [sflag:s29], $0x1400  }
0x36: {  	[sflag:s29] =	ssyncset.done $0x0  }
0x37: {  	s5 =	simm.s32 $0x15FB8;
	[sflag:s29] =	ssyncadd.s32 $0xFFFFEC00  }
0x38: {  	[spmem:s1] =	stream.indirect.scatter.add.f32 [tilespmem:s20], [sflag:$0x7], $0x80, s5, s17, $0xb8;
	[tilespmem:$0x1EAA0] =	vst v63  }
0x39: {  	_ =	swait.ge [sflag:s30], $0x1400  }
0x3a: {  	[sflag:s30] =	ssyncset.done $0x0  }
0x3b: {  	s6 =	simm.s32 $0x15FE0;
	[sflag:s30] =	ssyncadd.s32 $0xFFFFEC00  }
0x3c: {  	[spmem:s1] =	stream.indirect.scatter.add.f32 [tilespmem:s22], [sflag:$0x8], $0x80, s6, s17, $0xb8;
	[tilespmem:$0x1EAA0] =	vst v63  }
0x3d: {  	_ =	swait.ge [sflag:s31], $0x1400  }
0x3e: {  	[sflag:s31] =	ssyncset.done $0x0  }
0x3f: {  	s5 =	simm.s32 $0x16008;
	[sflag:s31] =	ssyncadd.s32 $0xFFFFEC00  }
0x40: {  	[spmem:s1] =	stream.indirect.scatter.add.f32 [tilespmem:s24], [sflag:$0x9], $0x80, s5, s17, $0xb8;
	[tilespmem:$0x1EAA0] =	vst v63  }
0x41: {  	_ =	swait.ge [sflag:s0], $0x1400  }
0x42: {  	[sflag:s0] =	ssyncset.done $0x0  }
0x43: {  	s6 =	simm.s32 $0x16030;
	[sflag:s0] =	ssyncadd.s32 $0xFFFFEC00  }
0x44: {  	[spmem:s1] =	stream.indirect.scatter.add.f32 [tilespmem:s26], [sflag:$0xA], $0x80, s6, s17, $0xb8;
	[tilespmem:$0x1EAA0] =	vst v63  }
0x45: {  	_ =	swait.ge [sflag:s13], $0x1400  }
0x46: {  	[sflag:s13] =	ssyncset.done $0x0  }
0x47: {  	s5 =	simm.s32 $0x13948;
	[sflag:s13] =	ssyncadd.s32 $0xFFFFEC00  }
0x48: {  	[tilespmem:s18], [sflag:$0x1] =	stream.indirect.gather [hbm4b:s3+s17], $0x80, s5, s17, $0xb8;
	[tilespmem:$0x1EAA0] =	vst v63  }
0x49: {  	_ =	swait.ge [sflag:s19], $0x1400  }
0x4a: {  	[sflag:s19] =	ssyncset.done $0x0  }
0x4b: {  	s6 =	simm.s32 $0x13970;
	[sflag:s19] =	ssyncadd.s32 $0xFFFFEC00  }
0x4c: {  	[tilespmem:s20], [sflag:$0x2] =	stream.indirect.gather [hbm4b:s3+s17], $0x80, s6, s17, $0xb8;
	[tilespmem:$0x1EAA0] =	vst v63  }
0x4d: {  	_ =	swait.ge [sflag:s21], $0x1400  }
0x4e: {  	[sflag:s21] =	ssyncset.done $0x0  }
0x4f: {  	s5 =	simm.s32 $0x13998;
	[sflag:s21] =	ssyncadd.s32 $0xFFFFEC00  }
0x50: {  	[tilespmem:s22], [sflag:$0x3] =	stream.indirect.gather [hbm4b:s3+s17], $0x80, s5, s17, $0xb8;
	[tilespmem:$0x1EAA0] =	vst v63  }
0x51: {  	_ =	swait.ge [sflag:s23], $0x1400  }
0x52: {  	[sflag:s23] =	ssyncset.done $0x0  }
0x53: {  	s6 =	simm.s32 $0x139C0;
	[sflag:s23] =	ssyncadd.s32 $0xFFFFEC00  }
0x54: {  	[tilespmem:s24], [sflag:$0x4] =	stream.indirect.gather [hbm4b:s3+s17], $0x80, s6, s17, $0xb8;
	[tilespmem:$0x1EAA0] =	vst v63  }
0x55: {  	_ =	swait.ge [sflag:s25], $0x1400  }
0x56: {  	[sflag:s25] =	ssyncset.done $0x0  }
0x57: {  	s4 =	simm.s32 $0x320;
	s5 =	simm.s32 $0x139E8;
	[sflag:s25] =	ssyncadd.s32 $0xFFFFEC00  }
.LBB2_2:
0x58: {  	[tilespmem:s26], [sflag:$0x5] =	stream.indirect.gather [hbm4b:s3+s17], $0x80, s5, s17, $0xb8;
	[tilespmem:$0x1EAA0] =	vst v63  }
0x59: {  	s5 =	smov.u32 s4  }
0x5a: {  	p1 =	sne.s32 s4, $0x9600;
	s4 =	sadd.s32 $0x320, s4;
	_ =	swait.ge [sflag:s28], $0x1400  }
0x5b: {  	s5 =	sshra.s32 s5, $0x2;
	[sflag:s28] =	ssyncset.done $0x0  }
0x5c: {  	s6 =	sadd.s32 $0x15F90, s5;
	[sflag:s28] =	ssyncadd.s32 $0xFFFFEC00  }
0x5d: {  	[spmem:s1] =	stream.indirect.scatter.add.f32 [tilespmem:s18], [sflag:$0x6], $0x80, s6, s17, $0xb8;
	[tilespmem:$0x1EAA0] =	vst v63  }
0x5e: {  	_ =	swait.ge [sflag:s29], $0x1400  }
0x5f: {  	[sflag:s29] =	ssyncset.done $0x0  }
0x60: {  	s6 =	sadd.s32 $0x15FB8, s5;
	[sflag:s29] =	ssyncadd.s32 $0xFFFFEC00  }
0x61: {  	[spmem:s1] =	stream.indirect.scatter.add.f32 [tilespmem:s20], [sflag:$0x7], $0x80, s6, s17, $0xb8;
	[tilespmem:$0x1EAA0] =	vst v63  }
0x62: {  	_ =	swait.ge [sflag:s30], $0x1400  }
0x63: {  	[sflag:s30] =	ssyncset.done $0x0  }
0x64: {  	s6 =	sadd.s32 $0x15FE0, s5;
	[sflag:s30] =	ssyncadd.s32 $0xFFFFEC00  }
0x65: {  	[spmem:s1] =	stream.indirect.scatter.add.f32 [tilespmem:s22], [sflag:$0x8], $0x80, s6, s17, $0xb8;
	[tilespmem:$0x1EAA0] =	vst v63  }
0x66: {  	_ =	swait.ge [sflag:s31], $0x1400  }
0x67: {  	[sflag:s31] =	ssyncset.done $0x0  }
0x68: {  	s6 =	sadd.s32 $0x16008, s5;
	[sflag:s31] =	ssyncadd.s32 $0xFFFFEC00  }
0x69: {  	[spmem:s1] =	stream.indirect.scatter.add.f32 [tilespmem:s24], [sflag:$0x9], $0x80, s6, s17, $0xb8;
	[tilespmem:$0x1EAA0] =	vst v63  }
0x6a: {  	_ =	swait.ge [sflag:s0], $0x1400  }
0x6b: {  	[sflag:s0] =	ssyncset.done $0x0  }
0x6c: {  	s6 =	sadd.s32 $0x16030, s5;
	[sflag:s0] =	ssyncadd.s32 $0xFFFFEC00  }
0x6d: {  	[spmem:s1] =	stream.indirect.scatter.add.f32 [tilespmem:s26], [sflag:$0xA], $0x80, s6, s17, $0xb8;
	[tilespmem:$0x1EAA0] =	vst v63  }
0x6e: {  	_ =	swait.ge [sflag:s13], $0x1400  }
0x6f: {  	[sflag:s13] =	ssyncset.done $0x0  }
0x70: {  	s6 =	sadd.s32 $0x13948, s5;
	[sflag:s13] =	ssyncadd.s32 $0xFFFFEC00  }
0x71: {  	[tilespmem:s18], [sflag:$0x1] =	stream.indirect.gather [hbm4b:s3+s17], $0x80, s6, s17, $0xb8;
	[tilespmem:$0x1EAA0] =	vst v63  }
0x72: {  	_ =	swait.ge [sflag:s19], $0x1400  }
0x73: {  	[sflag:s19] =	ssyncset.done $0x0  }
0x74: {  	s6 =	sadd.s32 $0x13970, s5;
	[sflag:s19] =	ssyncadd.s32 $0xFFFFEC00  }
0x75: {  	[tilespmem:s20], [sflag:$0x2] =	stream.indirect.gather [hbm4b:s3+s17], $0x80, s6, s17, $0xb8;
	[tilespmem:$0x1EAA0] =	vst v63  }
0x76: {  	_ =	swait.ge [sflag:s21], $0x1400  }
0x77: {  	[sflag:s21] =	ssyncset.done $0x0  }
0x78: {  	s6 =	sadd.s32 $0x13998, s5;
	[sflag:s21] =	ssyncadd.s32 $0xFFFFEC00  }
0x79: {  	[tilespmem:s22], [sflag:$0x3] =	stream.indirect.gather [hbm4b:s3+s17], $0x80, s6, s17, $0xb8;
	[tilespmem:$0x1EAA0] =	vst v63  }
0x7a: {  	_ =	swait.ge [sflag:s23], $0x1400  }
0x7b: {  	[sflag:s23] =	ssyncset.done $0x0  }
.Ltmp0:
0x7c: {  	s6 =	sadd.s32 $0x139C0, s5;
	[sflag:s23] =	ssyncadd.s32 $0xFFFFEC00;
	(pc) =	sbr.rel @p1 .LBB2_2-.Ltmp0, $4  }
0x7d: {  	[tilespmem:s24], [sflag:$0x4] =	stream.indirect.gather [hbm4b:s3+s17], $0x80, s6, s17, $0xb8;
	[tilespmem:$0x1EAA0] =	vst v63  }
0x7e: {  	_ =	swait.ge [sflag:s25], $0x1400  }
0x7f: {  	[sflag:s25] =	ssyncset.done $0x0  }
0x80: {  	s5 =	sadd.s32 $0x139E8, s5;
	[sflag:s25] =	ssyncadd.s32 $0xFFFFEC00  }
0x81: {  	[tilespmem:s26], [sflag:$0x5] =	stream.indirect.gather [hbm4b:s3+s17], $0x80, s5, s17, $0xb8;
	[tilespmem:$0x1EAA0] =	vst v63  }
0x82: {  	_ =	swait.ge [sflag:s28], $0x1400  }
0x83: {  	[sflag:s28] =	ssyncset.done $0x0  }
0x84: {  	s4 =	simm.s32 $0x185D8;
	[sflag:s28] =	ssyncadd.s32 $0xFFFFEC00  }
0x85: {  	[spmem:s1] =	stream.indirect.scatter.add.f32 [tilespmem:s18], [sflag:$0x6], $0x80, s4, s17, $0xb8;
	[tilespmem:$0x1EAA0] =	vst v63  }
0x86: {  	_ =	swait.ge [sflag:s29], $0x1400  }
0x87: {  	[sflag:s29] =	ssyncset.done $0x0  }
0x88: {  	s5 =	simm.s32 $0x18600;
	[sflag:s29] =	ssyncadd.s32 $0xFFFFEC00  }
0x89: {  	[spmem:s1] =	stream.indirect.scatter.add.f32 [tilespmem:s20], [sflag:$0x7], $0x80, s5, s17, $0xb8;
	[tilespmem:$0x1EAA0] =	vst v63  }
0x8a: {  	_ =	swait.ge [sflag:s30], $0x1400  }
0x8b: {  	[sflag:s30] =	ssyncset.done $0x0  }
0x8c: {  	s6 =	simm.s32 $0x18628;
	[sflag:s30] =	ssyncadd.s32 $0xFFFFEC00  }
0x8d: {  	[spmem:s1] =	stream.indirect.scatter.add.f32 [tilespmem:s22], [sflag:$0x8], $0x80, s6, s17, $0xb8;
	[tilespmem:$0x1EAA0] =	vst v63  }
0x8e: {  	_ =	swait.ge [sflag:s31], $0x1400  }
0x8f: {  	[sflag:s31] =	ssyncset.done $0x0  }
0x90: {  	s5 =	simm.s32 $0x18650;
	[sflag:s31] =	ssyncadd.s32 $0xFFFFEC00  }
0x91: {  	[spmem:s1] =	stream.indirect.scatter.add.f32 [tilespmem:s24], [sflag:$0x9], $0x80, s5, s17, $0xb8;
	[tilespmem:$0x1EAA0] =	vst v63  }
0x92: {  	_ =	swait.ge [sflag:s0], $0x1400  }
0x93: {  	[sflag:s0] =	ssyncset.done $0x0  }
0x94: {  	s6 =	simm.s32 $0x18678;
	[sflag:s0] =	ssyncadd.s32 $0xFFFFEC00  }
0x95: {  	[spmem:s1] =	stream.indirect.scatter.add.f32 [tilespmem:s26], [sflag:$0xA], $0x80, s6, s17, $0xb8;
	[tilespmem:$0x1EAA0] =	vst v63  }
0x96: {  	_ =	swait.ge [sflag:s13], $0x1400  }
0x97: {  	[sflag:s13] =	ssyncset.done $0x0  }
0x98: {  	[sflag:s13] =	ssyncadd.s32 $0xFFFFEC00  }
0x99: {  	_ =	swait.ge [sflag:s19], $0x1400  }
0x9a: {  	[sflag:s19] =	ssyncset.done $0x0  }
0x9b: {  	[sflag:s19] =	ssyncadd.s32 $0xFFFFEC00  }
0x9c: {  	_ =	swait.ge [sflag:s21], $0x1400  }
0x9d: {  	[sflag:s21] =	ssyncset.done $0x0  }
0x9e: {  	[sflag:s21] =	ssyncadd.s32 $0xFFFFEC00  }
0x9f: {  	_ =	swait.ge [sflag:s23], $0x1400  }
0xa0: {  	[sflag:s23] =	ssyncset.done $0x0  }
0xa1: {  	[sflag:s23] =	ssyncadd.s32 $0xFFFFEC00  }
0xa2: {  	_ =	swait.ge [sflag:s25], $0x1400  }
0xa3: {  	[sflag:s25] =	ssyncset.done $0x0  }
0xa4: {  	[sflag:s25] =	ssyncadd.s32 $0xFFFFEC00  }
0xa5: {  	[bflag:$0x0] =	sbarrier.arrive $0xFFFF  }
0xa6: {  	[hbm:s8], [sflag:s14] =	dma.local [spmem:s15], $0x2700  }
0xa7: {  	s2 =	sadd.s32 $0x1, s2;
	_ =	swait.ge [sflag:s12], $0x2700  }
0xa8: {  	p1 =	sne.s32 s2, s10;
	[sflag:s12] =	ssyncset.done $0x0  }
.Ltmp1:
0xa9: {  	s4 =	simm.s32 @!p0 $0xB;
	[sflag:s12] =	ssyncadd.s32 $0xFFFFD900;
	(pc) =	sbr.rel @p1 .LBB2_1-.Ltmp1, $4  }
0xaa: {  	[hbm:s9], [sflag:s14] =	dma.local @!p0 [spmem:s16], $0x100  }
0xab: {  	_ =	swait.ge @!p0 [sflag:s4], $0x100  }
0xac: {  	[sflag:s4] =	ssyncset.done @!p0 $0x0  }
0xad: {  	[sflag:s4] =	ssyncadd.s32 @!p0 $0xFFFFFF00  }
0xae: {  	_ =	sfence.sel $0x180000  }
0xaf: {  	[bflag:$0x0] =	sbarrier.arrive $0xFFFF  }
0xb0: {  	_ =	strace $0x9000004A  }
0xb1: {  	[bflag:$0x2] =	sbarrier.arrive $0xFFFF  }
0xb2: {  	s0 =	rddreg [dreg:$0x2]  }
0xb3: {  	s0 =	sadd.s32 @!p0 $0x100000, s0  }
0xb4: {  	[sflag:s0] =	ssyncadd.tile.s32 @!p0 $0x1;
	_ =	shalt  }
.Lfunc_end2:
_tile_overlayer_lowered:
.L_overlay_start_2:
0xb5: {  	(tag) =	ssettag $0x2  }
0xb6: {  	s0 =	rddreg [dreg:$0x0];
	s2 =	stileid.u32  }
0xb7: {  	s1 =	rddreg [dreg:$0x1];
	p0 =	sne.s32 s2, $0x0  }
0xb8: {  	s3 =	rddreg [dreg:$0x2];
	[bflag:$0x3] =	sbarrier.arrive $0xFFFF;
	s2 =	simm.s32 @!p0 $0x1C0B  }
0xb9: {  	[timem:s3], [sflag:s2] =	dma.local @!p0 [hbm:s0], s1  }
0xba: {  	s0 =	simm.s32 @!p0 $0xB  }
0xbb: {  	_ =	swait.ge @!p0 [sflag:s0], s1  }
0xbc: {  	s1 =	ssub.s32 @!p0 $0x0, s1;
	[sflag:s0] =	ssyncset.done @!p0 $0x0  }
0xbd: {  	[sflag:s0] =	ssyncadd.s32 @!p0 s1  }
0xbe: {  	[bflag:$0x3] =	sbarrier.arrive $0xFFFF  }
0xbf: {  	_ =	shalt  }

// kernel: kernel.14.cloned.1.call-start
scs
__scs_entry_jumppad:
0x0: {  	(pc) =	sbr.rel $0x88, $3  }
0x1: {  	(tag) =	ssettag $0x0;
	lr =	simm.s32 $0x1  }
0x2: {  	[smem:$0x3F9B] =	sst lr;
	_ =	strace $0xD0000000  }
0x3: {  	_ = 	snop  }
0x4: {  	_ = 	snop  }
0x5: {  	_ = 	snop  }
0x6: {  	_ = 	snop  }
0x7: {  	_ = 	snop  }
__scs_overlays_trampoline_lowered:
0x8: {  	[smem:$0x3FAA] =	sst s0  }
0x9: {  	[smem:$0x3FAB] =	sst s1  }
0xa: {  	[smem:$0x3FAC] =	sst s2  }
0xb: {  	[smem:$0x3FAD] =	sst s3  }
0xc: {  	[smem:$0x3FAE] =	sst s4  }
0xd: {  	[smem:$0x3FAF] =	sst s5  }
0xe: {  	[smem:$0x3FB0] =	sst s6  }
0xf: {  	[smem:$0x3FB1] =	sst s7  }
0x10: {  	[smem:$0x3FB2] =	sst s8  }
0x11: {  	[smem:$0x3FB3] =	sst s9;
	s0 =	simm.s32 @!p0 $0x0  }
0x12: {  	s1 =	sld [smem:$0x3F99];
	s0 =	simm.s32 @p0 $0x1  }
0x13: {  	[smem:$0x3FB4] =	sst s0;
	s0 =	simm.s32 @!p1 $0x0  }
0x14: {  	s2 =	sld [smem:$0x3F98];
	s0 =	simm.s32 @p1 $0x1  }
0x15: {  	[smem:$0x3FB5] =	sst s0;
	s0 =	simm.s32 @!p2 $0x0  }
0x16: {  	s3 =	sld [smem:$0x3FDB];
	s0 =	simm.s32 @p2 $0x1  }
0x17: {  	s4 =	simm.s32 $0x1BF5;
	[smem:$0x3FB7] =	sst s0  }
0x18: {  	s0 =	sld [smem:$0x3F9A];
	_ =	swait.ge [sflag:s4], $0x0  }
0x19: {  	s7 =	sld [smem:$0x3F9B]  }
0x1a: {  	s8 =	sadd.s32 $0xFFFFE003, lr  }
0x1b: {  	s9 =	sadd.s32 $0xFFFFFEF7, lr;
	s5 =	simm.s32 $0xFFFFFFFF;
	p2 =	slt.u32 s8, $0xFFFFF086  }
0x1c: {  	p1 =	slt.u32 s9, $0xF7A;
	s5 =	simm.s32 @!p2 $0x0  }
0x1d: {  	s5 =	simm.s32 @p1 $0x1;
	p0 =	seq.s32 s7, s2  }
0x1e: {  	s7 =	smul.u32 @!p0 $0xF7A, s2;
	p2 =	seq.s32 @!p0 s5, $0x0  }
0x1f: {  	s9 =	smul.u32 $0xF7A, s1;
	s8 =	simm.s32 @!p0 $0x1BF5;
	p2 =	por !p2, p0  }
0x20: {  	[sflag:s8] =	ssyncset.s32 @!p0 $0xFFFFF086;
	s6 =	sadd.s32 @!p0 s3, s7;
	s7 =	simm.s32 @!p0 $0x108  }
0x21: {  	s3 =	sadd.s32 s3, s9;
	s6 =	sadd.s32 @!p0 $0x88, s6;
	s7 =	simm.s32 @p2 $0x1082  }
0x22: {  	[simem:s7], [sflag:s8] =	dma.local @!p0 [hbm:s6], $0xF7A  }
0x23: {  	s9 =	sor.u32 $0xD0000000, s2;
	s6 =	simm.s32 $0x108;
	_ =	swait.ge @!p0 [sflag:s8], $0x0  }
0x24: {  	s3 =	sadd.s32 $0x88, s3;
	s6 =	simm.s32 @!p1 $0x1082;
	[sflag:s4] =	ssyncset.s32 $0xFFFFF086  }
0x25: {  	[simem:s6], [sflag:s4] =	dma.local [hbm:s3], $0xF7A  }
0x26: {  	[smem:$0x3F9B] =	sst s1;
	(tag) =	ssettag s2;
	_ =	strace s9  }
0x27: {  	s1 =	sld [smem:$0x3FAB]  }
0x28: {  	s2 =	sld [smem:$0x3FAC]  }
0x29: {  	s4 =	sld [smem:$0x3FAE]  }
0x2a: {  	p0 =	seq.s32 s5, $0x0;
	s5 =	sld [smem:$0x3FAF]  }
0x2b: {  	s6 =	sld [smem:$0x3FB0]  }
0x2c: {  	s7 =	sld [smem:$0x3FB1]  }
0x2d: {  	s3 =	simm.s32 $0x108;
	s8 =	sld [smem:$0x3FB2]  }
0x2e: {  	s3 =	simm.s32 @!p0 $0x1082;
	s9 =	sld [smem:$0x3FB3]  }
0x2f: {  	lr =	sadd.s32 s0, s3;
	s0 =	sld [smem:$0x3FAA]  }
0x30: {  	s3 =	sld [smem:$0x3FAD]  }
0x31: {  	[smem:$0x3FB6] =	sst s10  }
0x32: {  	s10 =	sld [smem:$0x3FB4];
	_ =	sdelay $0x3  }
0x33: {  	p0 =	seq.s32 s10, $0x1;
	s10 =	sld [smem:$0x3FB6];
	_ =	sdelay $0x3  }
0x34: {  	[smem:$0x3FB6] =	sst s10  }
0x35: {  	s10 =	sld [smem:$0x3FB5];
	_ =	sdelay $0x3  }
0x36: {  	p1 =	seq.s32 s10, $0x1;
	s10 =	sld [smem:$0x3FB6];
	_ =	sdelay $0x3  }
0x37: {  	[smem:$0x3FB6] =	sst s10  }
0x38: {  	s10 =	sld [smem:$0x3FB7]  }
0x39: {  	_ = 	snop;
	(pc) =	sbr.ind lr, $3  }
0x3a: {  	_ = 	snop  }
0x3b: {  	_ = 	snop  }
0x3c: {  	p2 =	seq.s32 s10, $0x1;
	s10 =	sld [smem:$0x3FB6]  }
0x3d: {  	_ =	shalt  }
0x3e: {  	_ =	shalt  }
0x3f: {  	_ =	shalt  }
0x40: {  	_ =	shalt  }
0x41: {  	_ =	shalt  }
0x42: {  	_ =	shalt  }
0x43: {  	_ =	shalt  }
0x44: {  	_ =	shalt  }
0x45: {  	_ =	shalt  }
0x46: {  	_ =	shalt  }
0x47: {  	_ =	shalt  }
0x48: {  	_ =	shalt  }
0x49: {  	_ =	shalt  }
0x4a: {  	_ =	shalt  }
0x4b: {  	_ =	shalt  }
0x4c: {  	_ =	shalt  }
0x4d: {  	_ =	shalt  }
0x4e: {  	_ =	shalt  }
0x4f: {  	_ =	shalt  }
0x50: {  	_ =	shalt  }
0x51: {  	_ =	shalt  }
0x52: {  	_ =	shalt  }
0x53: {  	_ =	shalt  }
0x54: {  	_ =	shalt  }
0x55: {  	_ =	shalt  }
0x56: {  	_ =	shalt  }
0x57: {  	_ =	shalt  }
0x58: {  	_ =	shalt  }
0x59: {  	_ =	shalt  }
0x5a: {  	_ =	shalt  }
0x5b: {  	_ =	shalt  }
0x5c: {  	_ =	shalt  }
0x5d: {  	_ =	shalt  }
0x5e: {  	_ =	shalt  }
0x5f: {  	_ =	shalt  }
0x60: {  	_ =	shalt  }
0x61: {  	_ =	shalt  }
0x62: {  	_ =	shalt  }
0x63: {  	_ =	shalt  }
0x64: {  	_ =	shalt  }
0x65: {  	_ =	shalt  }
0x66: {  	_ =	shalt  }
0x67: {  	_ =	shalt  }
0x68: {  	_ =	shalt  }
0x69: {  	_ =	shalt  }
0x6a: {  	_ =	shalt  }
0x6b: {  	_ =	shalt  }
0x6c: {  	_ =	shalt  }
0x6d: {  	_ =	shalt  }
0x6e: {  	_ =	shalt  }
0x6f: {  	_ =	shalt  }
0x70: {  	_ =	shalt  }
0x71: {  	_ =	shalt  }
0x72: {  	_ =	shalt  }
0x73: {  	_ =	shalt  }
0x74: {  	_ =	shalt  }
0x75: {  	_ =	shalt  }
0x76: {  	_ =	shalt  }
0x77: {  	_ =	shalt  }
0x78: {  	_ =	shalt  }
0x79: {  	_ =	shalt  }
0x7a: {  	_ =	shalt  }
0x7b: {  	_ =	shalt  }
0x7c: {  	_ =	shalt  }
0x7d: {  	_ =	shalt  }
0x7e: {  	_ =	shalt  }
0x7f: {  	_ =	shalt  }
0x80: {  	_ =	shalt  }
0x81: {  	_ =	shalt  }
0x82: {  	_ =	shalt  }
0x83: {  	_ =	shalt  }
0x84: {  	_ =	shalt  }
0x85: {  	_ =	shalt  }
0x86: {  	_ =	shalt  }
0x87: {  	_ =	shalt  }
.Lfunc_end0:
.L_simem_size_0:
called_computation.2_lowered:
.L_overlay_start_0:
0x88: {  	s2 =	sld [smem:$0x3FD9]  }
0x89: {  	s3 =	sld [smem:$0x3FFE];
	_ =	sdelay $0x1  }
0x8a: {  	s1 =	srdreg.scid  }
0x8b: {  	s0 =	sand.u32 $0x1, s1  }
0x8c: {  	s17 =	sshll.u32 s0, $0xA;
	s2 =	sadd.s32 s3, s2  }
0x8d: {  	s2 =	sadd.s32 s2, s17  }
0x8e: {  	[smem:$0x3FC2] =	sst s2  }
0x8f: {  	_ = 	snop  }
0x90: {  	s2 =	sld [smem:$0x3FD0];
	(tm) =	ssettm $0x1  }
0x91: {  	s18 =	sld [smem:$0x3FFB];
	_ =	sdelay $0x3  }
0x92: {  	_ =	strace s18  }
0x93: {  	s3 =	sld [smem:$0x3FFC];
	_ =	sdelay $0x3  }
0x94: {  	_ =	strace s3  }
0x95: {  	s3 =	sld [smem:$0x3FFD];
	_ =	sdelay $0x3  }
0x96: {  	_ =	strace s3  }
0x97: {  	_ =	strace $0x8FFFFFFF  }
0x98: {  	s19 =	sld [smem:$0x3FDB];
	_ =	sdelay $0x1  }
0x99: {  	s4 =	simm.s32 $_scs_section_size  }
0x9a: {  	s5 =	simm.s32 $_size__tile_overlayer_lowered;
	s6 =	simm.s32 $_tile_overlayer_lowered  }
0x9b: {  	s22 =	simm.s32 $0x1BFF;
	s21 =	sshll.u32 s6, $0x1;
	s3 =	sadd.s32 s4, s19  }
0x9c: {  	s7 =	simm.s32 $0x0;
	s20 =	sshll.u32 s5, $0x1;
	s5 =	sadd.s32 s21, s3  }
0x9d: {  	[timem:s7], [sflag:s22] =	dma.local [hbm:s5], s20  }
0x9e: {  	_ =	swait.ge [sflag:s22], s20  }
0x9f: {  	s4 =	ssub.s32 $0x0, s20;
	[sflag:s22] =	ssyncset.done $0x0  }
0xa0: {  	[sflag:s22] =	ssyncadd.s32 s4;
	_ =	sdelay $0x1  }
0xa1: {  	s23 =	simm.s32 $0x1B8B  }
0xa2: {  	_ =	swait.ge [sflag:s23], $0x1  }
0xa3: {  	[sflag:s23] =	ssyncset.done $0x0  }
0xa4: {  	s25 =	simm.s32 $0x1B8E;
	s24 =	sld [smem:$0x3FFE];
	[sflag:s23] =	ssyncadd.s32 $0xFFFFFFFF  }
0xa5: {  	s26 =	simm.s32 $execute0_lowered;
	[smem:$0x3FD2] =	sst s25  }
0xa6: {  	s5 =	sshll.u32 s26, $0x1;
	_ =	strace $0x8000004C;
	[dreg:$0x1] =	wrdreg $0xFFFFFFFF  }
0xa7: {  	s28 =	simm.s32 $_size_execute0_lowered;
	s3 =	sadd.s32 s3, s5;
	[dreg:$0x0] =	wrdreg $0x0  }
0xa8: {  	s5 =	sshll.u32 s28, $0x1;
	[dreg:$0x2] =	wrdreg s3  }
0xa9: {  	[dreg:$0x3] =	wrdreg s5  }
0xaa: {  	[dreg:$0x4] =	wrdreg $0xC0  }
0xab: {  	_ =	task [dreg:s7], $0x5FFFF  }
0xac: {  	[dreg:$0x1] =	wrdreg $0xFFFFFFFF  }
0xad: {  	[dreg:$0x0] =	wrdreg $0x60  }
0xae: {  	[dreg:$0x2] =	wrdreg s2  }
0xaf: {  	[dreg:$0x3] =	wrdreg s24  }
0xb0: {  	[dreg:$0x4] =	wrdreg $0x0  }
0xb1: {  	[dreg:$0x5] =	wrdreg $0x9  }
0xb2: {  	_ =	task.clear_ibuf [dreg:s7], $0x6FFFF;
	_ =	strace $0x9000004C  }
0xb3: {  	s29 =	simm.s32 $0x9;
	_ =	strace $0x8000004E  }
0xb4: {  	_ =	swait.ge [sflag:s29], $0x1  }
0xb5: {  	[sflag:s29] =	ssyncadd.s32 $0xFFFFFFFF  }
0xb6: {  	_ =	strace $0x9000004E  }
0xb7: {  	_ =	sfence  }
0xb8: {  	s30 =	sld [smem:$0x0];
	_ =	sdelay $0x2  }
0xb9: {  	s31 =	sshll.u32 s1, $0xD;
	s1 =	sshrl.u32 s1, $0x2  }
0xba: {  	s3 =	sand.u32 $0x4000, s31;
	s1 =	sadd.s32 s1, s30  }
0xbb: {  	s0 =	sor.u32 s3, s0;
	s1 =	sshll.u32 s1, $0x11  }
0xbc: {  	s0 =	sor.u32 s1, s0  }
0xbd: {  	s0 =	sadd.s32 $0x8F2B, s0  }
0xbe: {  	[sflag:s0] =	ssyncadd.remote.s32 $0x1  }
0xbf: {  	_ =	sfence.sel $0xFFFF  }
0xc0: {  	[dreg:$0x0] =	wrdreg $0xFFFFFFFF;
	(pc) =	sbr.abs _section_cstart, $3  }
0xc1: {  	[dreg:$0x1] =	wrdreg $0xFFFFFFFF  }
0xc2: {  	_ =	task.clear_ibuf [dreg:s7], $0x2FFFF;
	_ =	strace $0x9FFFFFFF  }
0xc3: {  	(tm) =	ssettm $0x7FFFFFFF  }
tec
execute0_lowered:
.L_overlay_start_1:
0x0: {  	(tag) =	ssettag $0x1  }
0x1: {  	s0 =	rddreg [dreg:$0x0]  }
0x2: {  	s1 =	srdreg.scid;
	s3 =	rddreg [dreg:$0x1]  }
0x3: {  	s2 =	rddreg [dreg:$0x2];
	s4 =	stileid.u32;
	s6 =	simm.s32 $0x0  }
0x4: {  	s11 =	simm.s32 $0x2710;
	s12 =	simm.s32 $0xB;
	s17 =	simm.s32 $0x7D  }
0x5: {  	s18 =	simm.s32 $0x7710;
	s20 =	simm.s32 $0x7EE0;
	s28 =	simm.s32 $0x1  }
0x6: {  	s29 =	simm.s32 $0x2;
	s30 =	simm.s32 $0x3;
	s31 =	simm.s32 $0x4  }
0x7: {  	s19 =	simm.s32 $0x7;
	s21 =	simm.s32 $0x8;
	s1 =	sand.u32 $0x1, s1  }
0x8: {  	[smem:$0x7FF] =	sst s6;
	s8 =	smul.u32 $0x2700, s4;
	s16 =	sadd.s32 $0x27000, s2  }
0x9: {  	p0 =	sne.s32 s4, $0x0;
	s26 =	sshll.u32 s4, $0x6;
	s5 =	sshll.u32 s1, $0x4  }
0xa: {  	_ =	strace $0x8000004D;
	s22 =	ssub.s32 $0x2, s1;
	s1 =	smul.u32 $0x27100, s1  }
0xb: {  	s14 =	sor.u32 $0x1C0B, s26;
	s16 =	sshrl.u32 @!p0 s16, $0x3;
	s26 =	simm.s32 $0x9650  }
0xc: {  	s5 =	sor.u32 s4, s5;
	s7 =	sshrl.u32 s22, $0x1;
	s24 =	sshrl.u32 s8, $0x3  }
0xd: {  	s13 =	sadd.s32 s8, s2;
	s5 =	smul.u32 $0x500, s5;
	s10 =	ssub.s32 s22, s7  }
0xe: {  	s25 =	sadd.s32 s8, s1;
	s1 =	sshrl.u32 s1, $0x3;
	s7 =	sadd.s32 $0x4E00, s0  }
0xf: {  	s15 =	sshrl.u32 s13, $0x3;
	s22 =	simm.s32 $0x86B0;
	s5 =	sadd.s32 s5, s3  }
0x10: {  	s13 =	simm.s32 $0x6;
	s10 =	smax.u32 s10, $0x1;
	s23 =	sadd.s32 $0x95000, s5  }
0x11: {  	s3 =	sadd.s32 $0x2000, s3;
	s5 =	sadd.s32 $0x15C00, s5;
	[dreg:$0x4] =	wrdreg s23  }
0x12: {  	s1 =	sadd.s32 s3, s1;
	[dreg:$0x5] =	wrdreg s5;
	s5 =	sadd.s32 s0, s24  }
0x13: {  	s9 =	sadd.s32 $0x4E00, s1;
	s24 =	simm.s32 $0x8E80;
	s1 =	simm.s32 $0x5  }
0x14: {  	s23 =	simm.s32 $0x9;
	[dreg:$0x6] =	wrdreg s5;
	s5 =	sshrl.u32 s25, $0x3  }
0x15: {  	s25 =	simm.s32 $0xA;
	s8 =	sadd.s32 s3, s5;
	s3 =	simm.s32 $0x0  }
.LBB2_1:
0x16: {  	s4 =	simm.s32 $0x0;
	s5 =	rddreg [dreg:$0x4]  }
0x17: {  	[tilespmem:s11], [sflag:$0xB] =	stream.linear.gather [hbm4b:s5+s4], $0x2800, $0x38;
	[tilespmem:$0x9E20] =	vst v63  }
0x18: {  	_ =	swait.ge [sflag:s12], $0x2800  }
0x19: {  	[sflag:s12] =	ssyncset.done $0x0  }
0x1a: {  	s6 =	simm.s32 $0x4F10;
	s5 =	rddreg [dreg:$0x5];
	[sflag:s12] =	ssyncadd.s32 $0xFFFFD800  }
0x1b: {  	[tilespmem:s6], [sflag:$0xB] =	stream.linear.gather [hbm4b:s5+s4], $0x2800, $0x38;
	[tilespmem:$0x9E20] =	vst v63  }
0x1c: {  	_ =	swait.ge [sflag:s12], $0x2800  }
0x1d: {  	[sflag:s12] =	ssyncset.done $0x0  }
0x1e: {  	s5 =	rddreg [dreg:$0x6];
	[sflag:s12] =	ssyncadd.s32 $0xFFFFD800  }
0x1f: {  	[spmem:s15], [sflag:s14] =	dma.local [hbm:s5], $0x4E0  }
0x20: {  	_ =	swait.ge [sflag:s12], $0x4E0  }
0x21: {  	[sflag:s12] =	ssyncset.done $0x0  }
0x22: {  	s4 =	simm.s32 @!p0 $0xB;
	[sflag:s12] =	ssyncadd.s32 $0xFFFFFB20  }
0x23: {  	[spmem:s16], [sflag:s14] =	dma.local @!p0 [hbm:s7], $0x20  }
0x24: {  	_ =	swait.ge @!p0 [sflag:s4], $0x20  }
0x25: {  	[sflag:s4] =	ssyncset.done @!p0 $0x0  }
0x26: {  	[sflag:s4] =	ssyncadd.s32 @!p0 $0xFFFFFFE0  }
0x27: {  	[bflag:$0x0] =	sbarrier.arrive $0xFFFF  }
0x28: {  	[tilespmem:s18], [sflag:$0x1] =	stream.indirect.gather [hbm4b:s0+s17], $0x10, s11, s17, $0xb8;
	[tilespmem:$0x9E20] =	vst v63  }
0x29: {  	s6 =	simm.s32 $0x2790  }
0x2a: {  	[tilespmem:s20], [sflag:$0x2] =	stream.indirect.gather [hbm4b:s0+s17], $0x10, s6, s17, $0xb8;
	[tilespmem:$0x9E20] =	vst v63  }
0x2b: {  	s5 =	simm.s32 $0x2810  }
0x2c: {  	[tilespmem:s22], [sflag:$0x3] =	stream.indirect.gather [hbm4b:s0+s17], $0x10, s5, s17, $0xb8;
	[tilespmem:$0x9E20] =	vst v63  }
0x2d: {  	s6 =	simm.s32 $0x2890  }
0x2e: {  	[tilespmem:s24], [sflag:$0x4] =	stream.indirect.gather [hbm4b:s0+s17], $0x10, s6, s17, $0xb8;
	[tilespmem:$0x9E20] =	vst v63  }
0x2f: {  	s5 =	simm.s32 $0x2910  }
0x30: {  	[tilespmem:s26], [sflag:$0x5] =	stream.indirect.gather [hbm4b:s0+s17], $0x10, s5, s17, $0xb8;
	[tilespmem:$0x9E20] =	vst v63  }
0x31: {  	_ =	swait.ge [sflag:s28], $0x7D0  }
0x32: {  	[sflag:s28] =	ssyncset.done $0x0  }
0x33: {  	s6 =	simm.s32 $0x4F10;
	[sflag:s28] =	ssyncadd.s32 $0xFFFFF830  }
0x34: {  	[spmem:s2] =	stream.indirect.scatter.add.f32 [tilespmem:s18], [sflag:$0x6], $0x10, s6, s17, $0xb8;
	[tilespmem:$0x9E20] =	vst v63  }
0x35: {  	_ =	swait.ge [sflag:s29], $0x7D0  }
0x36: {  	[sflag:s29] =	ssyncset.done $0x0  }
0x37: {  	s5 =	simm.s32 $0x4F90;
	[sflag:s29] =	ssyncadd.s32 $0xFFFFF830  }
0x38: {  	[spmem:s2] =	stream.indirect.scatter.add.f32 [tilespmem:s20], [sflag:$0x7], $0x10, s5, s17, $0xb8;
	[tilespmem:$0x9E20] =	vst v63  }
0x39: {  	_ =	swait.ge [sflag:s30], $0x7D0  }
0x3a: {  	[sflag:s30] =	ssyncset.done $0x0  }
0x3b: {  	s6 =	simm.s32 $0x5010;
	[sflag:s30] =	ssyncadd.s32 $0xFFFFF830  }
0x3c: {  	[spmem:s2] =	stream.indirect.scatter.add.f32 [tilespmem:s22], [sflag:$0x8], $0x10, s6, s17, $0xb8;
	[tilespmem:$0x9E20] =	vst v63  }
0x3d: {  	_ =	swait.ge [sflag:s31], $0x7D0  }
0x3e: {  	[sflag:s31] =	ssyncset.done $0x0  }
0x3f: {  	s5 =	simm.s32 $0x5090;
	[sflag:s31] =	ssyncadd.s32 $0xFFFFF830  }
0x40: {  	[spmem:s2] =	stream.indirect.scatter.add.f32 [tilespmem:s24], [sflag:$0x9], $0x10, s5, s17, $0xb8;
	[tilespmem:$0x9E20] =	vst v63  }
0x41: {  	_ =	swait.ge [sflag:s1], $0x7D0  }
0x42: {  	[sflag:s1] =	ssyncset.done $0x0  }
0x43: {  	s6 =	simm.s32 $0x5110;
	[sflag:s1] =	ssyncadd.s32 $0xFFFFF830  }
0x44: {  	[spmem:s2] =	stream.indirect.scatter.add.f32 [tilespmem:s26], [sflag:$0xA], $0x10, s6, s17, $0xb8;
	[tilespmem:$0x9E20] =	vst v63  }
0x45: {  	_ =	swait.ge [sflag:s13], $0x7D0  }
0x46: {  	[sflag:s13] =	ssyncset.done $0x0  }
0x47: {  	s5 =	simm.s32 $0x2990;
	[sflag:s13] =	ssyncadd.s32 $0xFFFFF830  }
0x48: {  	[tilespmem:s18], [sflag:$0x1] =	stream.indirect.gather [hbm4b:s0+s17], $0x10, s5, s17, $0xb8;
	[tilespmem:$0x9E20] =	vst v63  }
0x49: {  	_ =	swait.ge [sflag:s19], $0x7D0  }
0x4a: {  	[sflag:s19] =	ssyncset.done $0x0  }
0x4b: {  	s6 =	simm.s32 $0x2A10;
	[sflag:s19] =	ssyncadd.s32 $0xFFFFF830  }
0x4c: {  	[tilespmem:s20], [sflag:$0x2] =	stream.indirect.gather [hbm4b:s0+s17], $0x10, s6, s17, $0xb8;
	[tilespmem:$0x9E20] =	vst v63  }
0x4d: {  	_ =	swait.ge [sflag:s21], $0x7D0  }
0x4e: {  	[sflag:s21] =	ssyncset.done $0x0  }
0x4f: {  	s5 =	simm.s32 $0x2A90;
	[sflag:s21] =	ssyncadd.s32 $0xFFFFF830  }
0x50: {  	[tilespmem:s22], [sflag:$0x3] =	stream.indirect.gather [hbm4b:s0+s17], $0x10, s5, s17, $0xb8;
	[tilespmem:$0x9E20] =	vst v63  }
0x51: {  	_ =	swait.ge [sflag:s23], $0x7D0  }
0x52: {  	[sflag:s23] =	ssyncset.done $0x0  }
0x53: {  	s6 =	simm.s32 $0x2B10;
	[sflag:s23] =	ssyncadd.s32 $0xFFFFF830  }
0x54: {  	[tilespmem:s24], [sflag:$0x4] =	stream.indirect.gather [hbm4b:s0+s17], $0x10, s6, s17, $0xb8;
	[tilespmem:$0x9E20] =	vst v63  }
0x55: {  	_ =	swait.ge [sflag:s25], $0x7D0  }
0x56: {  	[sflag:s25] =	ssyncset.done $0x0  }
0x57: {  	s4 =	simm.s32 $0xA00;
	s5 =	simm.s32 $0x2B90;
	[sflag:s25] =	ssyncadd.s32 $0xFFFFF830  }
.LBB2_2:
0x58: {  	[tilespmem:s26], [sflag:$0x5] =	stream.indirect.gather [hbm4b:s0+s17], $0x10, s5, s17, $0xb8;
	[tilespmem:$0x9E20] =	vst v63  }
0x59: {  	s5 =	smov.u32 s4  }
0x5a: {  	p1 =	sne.s32 s4, $0x8C00;
	s4 =	sadd.s32 $0xA00, s4;
	_ =	swait.ge [sflag:s28], $0x7D0  }
0x5b: {  	s5 =	sshra.s32 s5, $0x2;
	[sflag:s28] =	ssyncset.done $0x0  }
0x5c: {  	s6 =	sadd.s32 $0x4F10, s5;
	[sflag:s28] =	ssyncadd.s32 $0xFFFFF830  }
0x5d: {  	[spmem:s2] =	stream.indirect.scatter.add.f32 [tilespmem:s18], [sflag:$0x6], $0x10, s6, s17, $0xb8;
	[tilespmem:$0x9E20] =	vst v63  }
0x5e: {  	_ =	swait.ge [sflag:s29], $0x7D0  }
0x5f: {  	[sflag:s29] =	ssyncset.done $0x0  }
0x60: {  	s6 =	sadd.s32 $0x4F90, s5;
	[sflag:s29] =	ssyncadd.s32 $0xFFFFF830  }
0x61: {  	[spmem:s2] =	stream.indirect.scatter.add.f32 [tilespmem:s20], [sflag:$0x7], $0x10, s6, s17, $0xb8;
	[tilespmem:$0x9E20] =	vst v63  }
0x62: {  	_ =	swait.ge [sflag:s30], $0x7D0  }
0x63: {  	[sflag:s30] =	ssyncset.done $0x0  }
0x64: {  	s6 =	sadd.s32 $0x5010, s5;
	[sflag:s30] =	ssyncadd.s32 $0xFFFFF830  }
0x65: {  	[spmem:s2] =	stream.indirect.scatter.add.f32 [tilespmem:s22], [sflag:$0x8], $0x10, s6, s17, $0xb8;
	[tilespmem:$0x9E20] =	vst v63  }
0x66: {  	_ =	swait.ge [sflag:s31], $0x7D0  }
0x67: {  	[sflag:s31] =	ssyncset.done $0x0  }
0x68: {  	s6 =	sadd.s32 $0x5090, s5;
	[sflag:s31] =	ssyncadd.s32 $0xFFFFF830  }
0x69: {  	[spmem:s2] =	stream.indirect.scatter.add.f32 [tilespmem:s24], [sflag:$0x9], $0x10, s6, s17, $0xb8;
	[tilespmem:$0x9E20] =	vst v63  }
0x6a: {  	_ =	swait.ge [sflag:s1], $0x7D0  }
0x6b: {  	[sflag:s1] =	ssyncset.done $0x0  }
0x6c: {  	s6 =	sadd.s32 $0x5110, s5;
	[sflag:s1] =	ssyncadd.s32 $0xFFFFF830  }
0x6d: {  	[spmem:s2] =	stream.indirect.scatter.add.f32 [tilespmem:s26], [sflag:$0xA], $0x10, s6, s17, $0xb8;
	[tilespmem:$0x9E20] =	vst v63  }
0x6e: {  	_ =	swait.ge [sflag:s13], $0x7D0  }
0x6f: {  	[sflag:s13] =	ssyncset.done $0x0  }
0x70: {  	s6 =	sadd.s32 $0x2990, s5;
	[sflag:s13] =	ssyncadd.s32 $0xFFFFF830  }
0x71: {  	[tilespmem:s18], [sflag:$0x1] =	stream.indirect.gather [hbm4b:s0+s17], $0x10, s6, s17, $0xb8;
	[tilespmem:$0x9E20] =	vst v63  }
0x72: {  	_ =	swait.ge [sflag:s19], $0x7D0  }
0x73: {  	[sflag:s19] =	ssyncset.done $0x0  }
0x74: {  	s6 =	sadd.s32 $0x2A10, s5;
	[sflag:s19] =	ssyncadd.s32 $0xFFFFF830  }
0x75: {  	[tilespmem:s20], [sflag:$0x2] =	stream.indirect.gather [hbm4b:s0+s17], $0x10, s6, s17, $0xb8;
	[tilespmem:$0x9E20] =	vst v63  }
0x76: {  	_ =	swait.ge [sflag:s21], $0x7D0  }
0x77: {  	[sflag:s21] =	ssyncset.done $0x0  }
0x78: {  	s6 =	sadd.s32 $0x2A90, s5;
	[sflag:s21] =	ssyncadd.s32 $0xFFFFF830  }
0x79: {  	[tilespmem:s22], [sflag:$0x3] =	stream.indirect.gather [hbm4b:s0+s17], $0x10, s6, s17, $0xb8;
	[tilespmem:$0x9E20] =	vst v63  }
0x7a: {  	_ =	swait.ge [sflag:s23], $0x7D0  }
0x7b: {  	[sflag:s23] =	ssyncset.done $0x0  }
.Ltmp0:
0x7c: {  	s6 =	sadd.s32 $0x2B10, s5;
	[sflag:s23] =	ssyncadd.s32 $0xFFFFF830;
	(pc) =	sbr.rel @p1 .LBB2_2-.Ltmp0, $4  }
0x7d: {  	[tilespmem:s24], [sflag:$0x4] =	stream.indirect.gather [hbm4b:s0+s17], $0x10, s6, s17, $0xb8;
	[tilespmem:$0x9E20] =	vst v63  }
0x7e: {  	_ =	swait.ge [sflag:s25], $0x7D0  }
0x7f: {  	[sflag:s25] =	ssyncset.done $0x0  }
0x80: {  	s5 =	sadd.s32 $0x2B90, s5;
	[sflag:s25] =	ssyncadd.s32 $0xFFFFF830  }
0x81: {  	[tilespmem:s26], [sflag:$0x5] =	stream.indirect.gather [hbm4b:s0+s17], $0x10, s5, s17, $0xb8;
	[tilespmem:$0x9E20] =	vst v63  }
0x82: {  	_ =	swait.ge [sflag:s28], $0x7D0  }
0x83: {  	[sflag:s28] =	ssyncset.done $0x0  }
0x84: {  	s4 =	simm.s32 $0x7490;
	[sflag:s28] =	ssyncadd.s32 $0xFFFFF830  }
0x85: {  	[spmem:s2] =	stream.indirect.scatter.add.f32 [tilespmem:s18], [sflag:$0x6], $0x10, s4, s17, $0xb8;
	[tilespmem:$0x9E20] =	vst v63  }
0x86: {  	_ =	swait.ge [sflag:s29], $0x7D0  }
0x87: {  	[sflag:s29] =	ssyncset.done $0x0  }
0x88: {  	s5 =	simm.s32 $0x7510;
	[sflag:s29] =	ssyncadd.s32 $0xFFFFF830  }
0x89: {  	[spmem:s2] =	stream.indirect.scatter.add.f32 [tilespmem:s20], [sflag:$0x7], $0x10, s5, s17, $0xb8;
	[tilespmem:$0x9E20] =	vst v63  }
0x8a: {  	_ =	swait.ge [sflag:s30], $0x7D0  }
0x8b: {  	[sflag:s30] =	ssyncset.done $0x0  }
0x8c: {  	s6 =	simm.s32 $0x7590;
	[sflag:s30] =	ssyncadd.s32 $0xFFFFF830  }
0x8d: {  	[spmem:s2] =	stream.indirect.scatter.add.f32 [tilespmem:s22], [sflag:$0x8], $0x10, s6, s17, $0xb8;
	[tilespmem:$0x9E20] =	vst v63  }
0x8e: {  	_ =	swait.ge [sflag:s31], $0x7D0  }
0x8f: {  	[sflag:s31] =	ssyncset.done $0x0  }
0x90: {  	s5 =	simm.s32 $0x7610;
	[sflag:s31] =	ssyncadd.s32 $0xFFFFF830  }
0x91: {  	[spmem:s2] =	stream.indirect.scatter.add.f32 [tilespmem:s24], [sflag:$0x9], $0x10, s5, s17, $0xb8;
	[tilespmem:$0x9E20] =	vst v63  }
0x92: {  	_ =	swait.ge [sflag:s1], $0x7D0  }
0x93: {  	[sflag:s1] =	ssyncset.done $0x0  }
0x94: {  	s6 =	simm.s32 $0x7690;
	[sflag:s1] =	ssyncadd.s32 $0xFFFFF830  }
0x95: {  	[spmem:s2] =	stream.indirect.scatter.add.f32 [tilespmem:s26], [sflag:$0xA], $0x10, s6, s17, $0xb8;
	[tilespmem:$0x9E20] =	vst v63  }
0x96: {  	_ =	swait.ge [sflag:s13], $0x7D0  }
0x97: {  	[sflag:s13] =	ssyncset.done $0x0  }
0x98: {  	[sflag:s13] =	ssyncadd.s32 $0xFFFFF830  }
0x99: {  	_ =	swait.ge [sflag:s19], $0x7D0  }
0x9a: {  	[sflag:s19] =	ssyncset.done $0x0  }
0x9b: {  	[sflag:s19] =	ssyncadd.s32 $0xFFFFF830  }
0x9c: {  	_ =	swait.ge [sflag:s21], $0x7D0  }
0x9d: {  	[sflag:s21] =	ssyncset.done $0x0  }
0x9e: {  	[sflag:s21] =	ssyncadd.s32 $0xFFFFF830  }
0x9f: {  	_ =	swait.ge [sflag:s23], $0x7D0  }
0xa0: {  	[sflag:s23] =	ssyncset.done $0x0  }
0xa1: {  	[sflag:s23] =	ssyncadd.s32 $0xFFFFF830  }
0xa2: {  	_ =	swait.ge [sflag:s25], $0x7D0  }
0xa3: {  	[sflag:s25] =	ssyncset.done $0x0  }
0xa4: {  	[sflag:s25] =	ssyncadd.s32 $0xFFFFF830  }
0xa5: {  	[bflag:$0x0] =	sbarrier.arrive $0xFFFF  }
0xa6: {  	[hbm:s8], [sflag:s14] =	dma.local [spmem:s15], $0x4E0  }
0xa7: {  	s3 =	sadd.s32 $0x1, s3;
	_ =	swait.ge [sflag:s12], $0x4E0  }
0xa8: {  	p1 =	sne.s32 s3, s10;
	[sflag:s12] =	ssyncset.done $0x0  }
.Ltmp1:
0xa9: {  	s4 =	simm.s32 @!p0 $0xB;
	[sflag:s12] =	ssyncadd.s32 $0xFFFFFB20;
	(pc) =	sbr.rel @p1 .LBB2_1-.Ltmp1, $4  }
0xaa: {  	[hbm:s9], [sflag:s14] =	dma.local @!p0 [spmem:s16], $0x20  }
0xab: {  	_ =	swait.ge @!p0 [sflag:s4], $0x20  }
0xac: {  	[sflag:s4] =	ssyncset.done @!p0 $0x0  }
0xad: {  	[sflag:s4] =	ssyncadd.s32 @!p0 $0xFFFFFFE0  }
0xae: {  	_ =	sfence.sel $0x180000  }
0xaf: {  	[bflag:$0x0] =	sbarrier.arrive $0xFFFF  }
0xb0: {  	_ =	strace $0x9000004D  }
0xb1: {  	[bflag:$0x2] =	sbarrier.arrive $0xFFFF  }
0xb2: {  	s0 =	rddreg [dreg:$0x3]  }
0xb3: {  	s0 =	sadd.s32 @!p0 $0x100000, s0  }
0xb4: {  	[sflag:s0] =	ssyncadd.tile.s32 @!p0 $0x1;
	_ =	shalt  }
.Lfunc_end2:
_tile_overlayer_lowered:
.L_overlay_start_2:
0xb5: {  	(tag) =	ssettag $0x2  }
0xb6: {  	s0 =	rddreg [dreg:$0x0];
	s2 =	stileid.u32  }
0xb7: {  	s1 =	rddreg [dreg:$0x1];
	p0 =	sne.s32 s2, $0x0  }
0xb8: {  	s3 =	rddreg [dreg:$0x2];
	[bflag:$0x3] =	sbarrier.arrive $0xFFFF;
	s2 =	simm.s32 @!p0 $0x1C0B  }
0xb9: {  	[timem:s3], [sflag:s2] =	dma.local @!p0 [hbm:s0], s1  }
0xba: {  	s0 =	simm.s32 @!p0 $0xB  }
0xbb: {  	_ =	swait.ge @!p0 [sflag:s0], s1  }
0xbc: {  	s1 =	ssub.s32 @!p0 $0x0, s1;
	[sflag:s0] =	ssyncset.done @!p0 $0x0  }
0xbd: {  	[sflag:s0] =	ssyncadd.s32 @!p0 s1  }
0xbe: {  	[bflag:$0x3] =	sbarrier.arrive $0xFFFF  }
0xbf: {  	_ =	shalt  }

// kernel: kernel.8.cloned.1.call-start
scs
__scs_entry_jumppad:
0x0: {  	(pc) =	sbr.rel $0x88, $3  }
0x1: {  	(tag) =	ssettag $0x0;
	lr =	simm.s32 $0x1  }
0x2: {  	[smem:$0x3F9B] =	sst lr;
	_ =	strace $0xD0000000  }
0x3: {  	_ = 	snop  }
0x4: {  	_ = 	snop  }
0x5: {  	_ = 	snop  }
0x6: {  	_ = 	snop  }
0x7: {  	_ = 	snop  }
__scs_overlays_trampoline_lowered:
0x8: {  	[smem:$0x3FAA] =	sst s0  }
0x9: {  	[smem:$0x3FAB] =	sst s1  }
0xa: {  	[smem:$0x3FAC] =	sst s2  }
0xb: {  	[smem:$0x3FAD] =	sst s3  }
0xc: {  	[smem:$0x3FAE] =	sst s4  }
0xd: {  	[smem:$0x3FAF] =	sst s5  }
0xe: {  	[smem:$0x3FB0] =	sst s6  }
0xf: {  	[smem:$0x3FB1] =	sst s7  }
0x10: {  	[smem:$0x3FB2] =	sst s8  }
0x11: {  	[smem:$0x3FB3] =	sst s9;
	s0 =	simm.s32 @!p0 $0x0  }
0x12: {  	s1 =	sld [smem:$0x3F99];
	s0 =	simm.s32 @p0 $0x1  }
0x13: {  	[smem:$0x3FB4] =	sst s0;
	s0 =	simm.s32 @!p1 $0x0  }
0x14: {  	s2 =	sld [smem:$0x3F98];
	s0 =	simm.s32 @p1 $0x1  }
0x15: {  	[smem:$0x3FB5] =	sst s0;
	s0 =	simm.s32 @!p2 $0x0  }
0x16: {  	s3 =	sld [smem:$0x3FDB];
	s0 =	simm.s32 @p2 $0x1  }
0x17: {  	s4 =	simm.s32 $0x1BF5;
	[smem:$0x3FB7] =	sst s0  }
0x18: {  	s0 =	sld [smem:$0x3F9A];
	_ =	swait.ge [sflag:s4], $0x0  }
0x19: {  	s7 =	sld [smem:$0x3F9B]  }
0x1a: {  	s8 =	sadd.s32 $0xFFFFE003, lr  }
0x1b: {  	s9 =	sadd.s32 $0xFFFFFEF7, lr;
	s5 =	simm.s32 $0xFFFFFFFF;
	p2 =	slt.u32 s8, $0xFFFFF086  }
0x1c: {  	p1 =	slt.u32 s9, $0xF7A;
	s5 =	simm.s32 @!p2 $0x0  }
0x1d: {  	s5 =	simm.s32 @p1 $0x1;
	p0 =	seq.s32 s7, s2  }
0x1e: {  	s7 =	smul.u32 @!p0 $0xF7A, s2;
	p2 =	seq.s32 @!p0 s5, $0x0  }
0x1f: {  	s9 =	smul.u32 $0xF7A, s1;
	s8 =	simm.s32 @!p0 $0x1BF5;
	p2 =	por !p2, p0  }
0x20: {  	[sflag:s8] =	ssyncset.s32 @!p0 $0xFFFFF086;
	s6 =	sadd.s32 @!p0 s3, s7;
	s7 =	simm.s32 @!p0 $0x108  }
0x21: {  	s3 =	sadd.s32 s3, s9;
	s6 =	sadd.s32 @!p0 $0x88, s6;
	s7 =	simm.s32 @p2 $0x1082  }
0x22: {  	[simem:s7], [sflag:s8] =	dma.local @!p0 [hbm:s6], $0xF7A  }
0x23: {  	s9 =	sor.u32 $0xD0000000, s2;
	s6 =	simm.s32 $0x108;
	_ =	swait.ge @!p0 [sflag:s8], $0x0  }
0x24: {  	s3 =	sadd.s32 $0x88, s3;
	s6 =	simm.s32 @!p1 $0x1082;
	[sflag:s4] =	ssyncset.s32 $0xFFFFF086  }
0x25: {  	[simem:s6], [sflag:s4] =	dma.local [hbm:s3], $0xF7A  }
0x26: {  	[smem:$0x3F9B] =	sst s1;
	(tag) =	ssettag s2;
	_ =	strace s9  }
0x27: {  	s1 =	sld [smem:$0x3FAB]  }
0x28: {  	s2 =	sld [smem:$0x3FAC]  }
0x29: {  	s4 =	sld [smem:$0x3FAE]  }
0x2a: {  	p0 =	seq.s32 s5, $0x0;
	s5 =	sld [smem:$0x3FAF]  }
0x2b: {  	s6 =	sld [smem:$0x3FB0]  }
0x2c: {  	s7 =	sld [smem:$0x3FB1]  }
0x2d: {  	s3 =	simm.s32 $0x108;
	s8 =	sld [smem:$0x3FB2]  }
0x2e: {  	s3 =	simm.s32 @!p0 $0x1082;
	s9 =	sld [smem:$0x3FB3]  }
0x2f: {  	lr =	sadd.s32 s0, s3;
	s0 =	sld [smem:$0x3FAA]  }
0x30: {  	s3 =	sld [smem:$0x3FAD]  }
0x31: {  	[smem:$0x3FB6] =	sst s10  }
0x32: {  	s10 =	sld [smem:$0x3FB4];
	_ =	sdelay $0x3  }
0x33: {  	p0 =	seq.s32 s10, $0x1;
	s10 =	sld [smem:$0x3FB6];
	_ =	sdelay $0x3  }
0x34: {  	[smem:$0x3FB6] =	sst s10  }
0x35: {  	s10 =	sld [smem:$0x3FB5];
	_ =	sdelay $0x3  }
0x36: {  	p1 =	seq.s32 s10, $0x1;
	s10 =	sld [smem:$0x3FB6];
	_ =	sdelay $0x3  }
0x37: {  	[smem:$0x3FB6] =	sst s10  }
0x38: {  	s10 =	sld [smem:$0x3FB7]  }
0x39: {  	_ = 	snop;
	(pc) =	sbr.ind lr, $3  }
0x3a: {  	_ = 	snop  }
0x3b: {  	_ = 	snop  }
0x3c: {  	p2 =	seq.s32 s10, $0x1;
	s10 =	sld [smem:$0x3FB6]  }
0x3d: {  	_ =	shalt  }
0x3e: {  	_ =	shalt  }
0x3f: {  	_ =	shalt  }
0x40: {  	_ =	shalt  }
0x41: {  	_ =	shalt  }
0x42: {  	_ =	shalt  }
0x43: {  	_ =	shalt  }
0x44: {  	_ =	shalt  }
0x45: {  	_ =	shalt  }
0x46: {  	_ =	shalt  }
0x47: {  	_ =	shalt  }
0x48: {  	_ =	shalt  }
0x49: {  	_ =	shalt  }
0x4a: {  	_ =	shalt  }
0x4b: {  	_ =	shalt  }
0x4c: {  	_ =	shalt  }
0x4d: {  	_ =	shalt  }
0x4e: {  	_ =	shalt  }
0x4f: {  	_ =	shalt  }
0x50: {  	_ =	shalt  }
0x51: {  	_ =	shalt  }
0x52: {  	_ =	shalt  }
0x53: {  	_ =	shalt  }
0x54: {  	_ =	shalt  }
0x55: {  	_ =	shalt  }
0x56: {  	_ =	shalt  }
0x57: {  	_ =	shalt  }
0x58: {  	_ =	shalt  }
0x59: {  	_ =	shalt  }
0x5a: {  	_ =	shalt  }
0x5b: {  	_ =	shalt  }
0x5c: {  	_ =	shalt  }
0x5d: {  	_ =	shalt  }
0x5e: {  	_ =	shalt  }
0x5f: {  	_ =	shalt  }
0x60: {  	_ =	shalt  }
0x61: {  	_ =	shalt  }
0x62: {  	_ =	shalt  }
0x63: {  	_ =	shalt  }
0x64: {  	_ =	shalt  }
0x65: {  	_ =	shalt  }
0x66: {  	_ =	shalt  }
0x67: {  	_ =	shalt  }
0x68: {  	_ =	shalt  }
0x69: {  	_ =	shalt  }
0x6a: {  	_ =	shalt  }
0x6b: {  	_ =	shalt  }
0x6c: {  	_ =	shalt  }
0x6d: {  	_ =	shalt  }
0x6e: {  	_ =	shalt  }
0x6f: {  	_ =	shalt  }
0x70: {  	_ =	shalt  }
0x71: {  	_ =	shalt  }
0x72: {  	_ =	shalt  }
0x73: {  	_ =	shalt  }
0x74: {  	_ =	shalt  }
0x75: {  	_ =	shalt  }
0x76: {  	_ =	shalt  }
0x77: {  	_ =	shalt  }
0x78: {  	_ =	shalt  }
0x79: {  	_ =	shalt  }
0x7a: {  	_ =	shalt  }
0x7b: {  	_ =	shalt  }
0x7c: {  	_ =	shalt  }
0x7d: {  	_ =	shalt  }
0x7e: {  	_ =	shalt  }
0x7f: {  	_ =	shalt  }
0x80: {  	_ =	shalt  }
0x81: {  	_ =	shalt  }
0x82: {  	_ =	shalt  }
0x83: {  	_ =	shalt  }
0x84: {  	_ =	shalt  }
0x85: {  	_ =	shalt  }
0x86: {  	_ =	shalt  }
0x87: {  	_ =	shalt  }
.Lfunc_end0:
.L_simem_size_0:
called_computation_lowered:
.L_overlay_start_0:
0x88: {  	s2 =	sld [smem:$0x3FD9]  }
0x89: {  	s3 =	sld [smem:$0x3FFE];
	_ =	sdelay $0x1  }
0x8a: {  	s1 =	srdreg.scid  }
0x8b: {  	s0 =	sand.u32 $0x1, s1  }
0x8c: {  	s17 =	sshll.u32 s0, $0xA;
	s2 =	sadd.s32 s3, s2  }
0x8d: {  	s2 =	sadd.s32 s2, s17  }
0x8e: {  	[smem:$0x3FC2] =	sst s2  }
0x8f: {  	_ = 	snop  }
0x90: {  	s2 =	sld [smem:$0x3FD0];
	(tm) =	ssettm $0x1  }
0x91: {  	s18 =	sld [smem:$0x3FFB];
	_ =	sdelay $0x3  }
0x92: {  	_ =	strace s18  }
0x93: {  	s3 =	sld [smem:$0x3FFC];
	_ =	sdelay $0x3  }
0x94: {  	_ =	strace s3  }
0x95: {  	s3 =	sld [smem:$0x3FFD];
	_ =	sdelay $0x3  }
0x96: {  	_ =	strace s3  }
0x97: {  	_ =	strace $0x8FFFFFFF  }
0x98: {  	s19 =	sld [smem:$0x3FDB];
	_ =	sdelay $0x1  }
0x99: {  	s4 =	simm.s32 $_scs_section_size  }
0x9a: {  	s5 =	simm.s32 $_size__tile_overlayer_lowered;
	s6 =	simm.s32 $_tile_overlayer_lowered  }
0x9b: {  	s22 =	simm.s32 $0x1BFF;
	s21 =	sshll.u32 s6, $0x1;
	s3 =	sadd.s32 s4, s19  }
0x9c: {  	s7 =	simm.s32 $0x0;
	s20 =	sshll.u32 s5, $0x1;
	s5 =	sadd.s32 s21, s3  }
0x9d: {  	[timem:s7], [sflag:s22] =	dma.local [hbm:s5], s20  }
0x9e: {  	_ =	swait.ge [sflag:s22], s20  }
0x9f: {  	s4 =	ssub.s32 $0x0, s20;
	[sflag:s22] =	ssyncset.done $0x0  }
0xa0: {  	[sflag:s22] =	ssyncadd.s32 s4;
	_ =	sdelay $0x1  }
0xa1: {  	s23 =	simm.s32 $0x1B8B  }
0xa2: {  	_ =	swait.ge [sflag:s23], $0x1  }
0xa3: {  	[sflag:s23] =	ssyncset.done $0x0  }
0xa4: {  	s25 =	simm.s32 $0x1B8E;
	s24 =	sld [smem:$0x3FFE];
	[sflag:s23] =	ssyncadd.s32 $0xFFFFFFFF  }
0xa5: {  	s26 =	simm.s32 $execute0_lowered;
	[smem:$0x3FD2] =	sst s25  }
0xa6: {  	s5 =	sshll.u32 s26, $0x1;
	_ =	strace $0x80000046;
	[dreg:$0x1] =	wrdreg $0xFFFFFFFF  }
0xa7: {  	s28 =	simm.s32 $_size_execute0_lowered;
	s3 =	sadd.s32 s3, s5;
	[dreg:$0x0] =	wrdreg $0x0  }
0xa8: {  	s5 =	sshll.u32 s28, $0x1;
	[dreg:$0x2] =	wrdreg s3  }
0xa9: {  	[dreg:$0x3] =	wrdreg s5  }
0xaa: {  	[dreg:$0x4] =	wrdreg $0xC0  }
0xab: {  	_ =	task [dreg:s7], $0x5FFFF  }
0xac: {  	[dreg:$0x1] =	wrdreg $0xFFFFFFFF  }
0xad: {  	[dreg:$0x0] =	wrdreg $0x60  }
0xae: {  	[dreg:$0x2] =	wrdreg s24  }
0xaf: {  	[dreg:$0x3] =	wrdreg s2  }
0xb0: {  	[dreg:$0x4] =	wrdreg $0x0  }
0xb1: {  	[dreg:$0x5] =	wrdreg $0x9  }
0xb2: {  	_ =	task.clear_ibuf [dreg:s7], $0x6FFFF;
	_ =	strace $0x90000046  }
0xb3: {  	s29 =	simm.s32 $0x9;
	_ =	strace $0x80000048  }
0xb4: {  	_ =	swait.ge [sflag:s29], $0x1  }
0xb5: {  	[sflag:s29] =	ssyncadd.s32 $0xFFFFFFFF  }
0xb6: {  	_ =	strace $0x90000048  }
0xb7: {  	_ =	sfence  }
0xb8: {  	s30 =	sld [smem:$0x0];
	_ =	sdelay $0x2  }
0xb9: {  	s31 =	sshll.u32 s1, $0xD;
	s1 =	sshrl.u32 s1, $0x2  }
0xba: {  	s3 =	sand.u32 $0x4000, s31;
	s1 =	sadd.s32 s1, s30  }
0xbb: {  	s0 =	sor.u32 s3, s0;
	s1 =	sshll.u32 s1, $0x11  }
0xbc: {  	s0 =	sor.u32 s1, s0  }
0xbd: {  	s0 =	sadd.s32 $0x8F2B, s0  }
0xbe: {  	[sflag:s0] =	ssyncadd.remote.s32 $0x1  }
0xbf: {  	_ =	sfence.sel $0xFFFF  }
0xc0: {  	[dreg:$0x0] =	wrdreg $0xFFFFFFFF;
	(pc) =	sbr.abs _section_cstart, $3  }
0xc1: {  	[dreg:$0x1] =	wrdreg $0xFFFFFFFF  }
0xc2: {  	_ =	task.clear_ibuf [dreg:s7], $0x2FFFF;
	_ =	strace $0x9FFFFFFF  }
0xc3: {  	(tm) =	ssettm $0x7FFFFFFF  }
tec
execute0_lowered:
.L_overlay_start_1:
0x0: {  	(tag) =	ssettag $0x1  }
0x1: {  	s4 =	rddreg [dreg:$0x0]  }
0x2: {  	s0 =	srdreg.scid;
	s8 =	rddreg [dreg:$0x1]  }
0x3: {  	s1 =	stileid.u32;
	s2 =	rddreg [dreg:$0x2]  }
0x4: {  	s3 =	simm.s32 $0x0;
	s12 =	simm.s32 $0x9;
	s13 =	simm.s32 $0x3B88  }
0x5: {  	s14 =	simm.s32 $0x7D;
	s15 =	simm.s32 $0x1;
	s16 =	simm.s32 $0x2  }
0x6: {  	s17 =	simm.s32 $0x3;
	s18 =	simm.s32 $0x4;
	s19 =	simm.s32 $0x5  }
0x7: {  	s20 =	simm.s32 $0x6;
	s21 =	simm.s32 $0x7;
	s22 =	simm.s32 $0x8  }
0x8: {  	s23 =	simm.s32 $0x0;
	s5 =	sand.u32 $0x1, s0;
	[smem:$0x7FF] =	sst s3  }
0x9: {  	s9 =	smul.u32 $0x1380, s1;
	p0 =	sne.s32 s1, $0x0;
	s0 =	sshll.u32 s5, $0x4  }
0xa: {  	s7 =	ssub.s32 $0x2, s5;
	s11 =	smul.u32 $0x13880, s5;
	s6 =	sor.u32 s1, s0  }
0xb: {  	s0 =	rddreg [dreg:$0x3];
	_ =	strace $0x80000047;
	s10 =	sshrl.u32 s7, $0x1  }
0xc: {  	s6 =	smul.u32 $0x500, s6;
	s10 =	ssub.s32 s7, s10;
	s30 =	sadd.s32 s9, s11  }
0xd: {  	s11 =	sshrl.u32 s11, $0x3;
	s7 =	sadd.s32 $0x13800, s2;
	s31 =	sshrl.u32 s30, $0x3  }
0xe: {  	s11 =	sadd.s32 s8, s11;
	s10 =	smax.u32 s10, $0x1;
	s29 =	sadd.s32 s6, s4  }
0xf: {  	s4 =	sadd.s32 $0x1FC00, s4;
	s6 =	sadd.s32 s9, s2;
	s8 =	sadd.s32 s8, s31  }
0x10: {  	s9 =	sadd.s32 $0x2700, s11;
	s11 =	simm.s32 $0x1388;
	s5 =	sadd.s32 $0x15C00, s29  }
.LBB2_1:
0x11: {  	[tilespmem:s11], [sflag:$0x9] =	stream.linear.gather [hbm4b:s5+s3], $0x2800, $0x38;
	[tilespmem:$0x4F08] =	vst v63  }
0x12: {  	_ =	swait.ge [sflag:s12], $0x2800  }
0x13: {  	[sflag:s12] =	ssyncset.done $0x0  }
0x14: {  	[sflag:s12] =	ssyncadd.s32 $0xFFFFD800  }
0x15: {  	[tilespmem:s13], [sflag:$0x9] =	stream.linear.gather [hbm4b:s4+s3], $0x1380, $0x38;
	[tilespmem:$0x4F08] =	vst v63  }
0x16: {  	_ =	swait.ge [sflag:s12], $0x1380  }
0x17: {  	[sflag:s12] =	ssyncset.done $0x0  }
0x18: {  	[sflag:s12] =	ssyncadd.s32 $0xFFFFEC80  }
0x19: {  	[spmem:s6] =	stream.linear.scatter [tilespmem:s13], [sflag:$0x9], $0x1380, $0x38;
	[tilespmem:$0x4F08] =	vst v63  }
0x1a: {  	_ =	swait.ge [sflag:s12], $0x1380  }
0x1b: {  	[sflag:s12] =	ssyncset.done $0x0  }
0x1c: {  	s24 =	simm.s32 @!p0 $0x3B88;
	[sflag:s12] =	ssyncadd.s32 $0xFFFFEC80  }
0x1d: {  	[spmem:s7] =	stream.linear.scatter @!p0 [tilespmem:s24], [sflag:$0x9], $0x80, $0x38;
	[tilespmem:$0x4F08] =	vst v63  }
0x1e: {  	s24 =	simm.s32 @!p0 $0x9  }
0x1f: {  	_ =	swait.ge @!p0 [sflag:s24], $0x80  }
0x20: {  	[sflag:s24] =	ssyncset.done @!p0 $0x0  }
0x21: {  	[sflag:s24] =	ssyncadd.s32 @!p0 $0xFFFFFF80  }
0x22: {  	s29 =	simm.s32 $0x1388;
	[bflag:$0x0] =	sbarrier.arrive $0xFFFF  }
0x23: {  	[spmem:s2] =	stream.indirect.scatter.add.f32 [tilespmem:s13], [sflag:$0x1], $0x8, s29, s14, $0xb8;
	[tilespmem:$0x4F08] =	vst v63  }
0x24: {  	s30 =	simm.s32 $0x1408  }
0x25: {  	[spmem:s2] =	stream.indirect.scatter.add.f32 [tilespmem:s13], [sflag:$0x2], $0x8, s30, s14, $0xb8;
	[tilespmem:$0x4F08] =	vst v63  }
0x26: {  	s31 =	simm.s32 $0x1488  }
0x27: {  	[spmem:s2] =	stream.indirect.scatter.add.f32 [tilespmem:s13], [sflag:$0x3], $0x8, s31, s14, $0xb8;
	[tilespmem:$0x4F08] =	vst v63  }
0x28: {  	s25 =	simm.s32 $0x1508  }
0x29: {  	[spmem:s2] =	stream.indirect.scatter.add.f32 [tilespmem:s13], [sflag:$0x4], $0x8, s25, s14, $0xb8;
	[tilespmem:$0x4F08] =	vst v63  }
0x2a: {  	s26 =	simm.s32 $0x1588  }
0x2b: {  	[spmem:s2] =	stream.indirect.scatter.add.f32 [tilespmem:s13], [sflag:$0x5], $0x8, s26, s14, $0xb8;
	[tilespmem:$0x4F08] =	vst v63  }
0x2c: {  	s29 =	simm.s32 $0x1608  }
0x2d: {  	[spmem:s2] =	stream.indirect.scatter.add.f32 [tilespmem:s13], [sflag:$0x6], $0x8, s29, s14, $0xb8;
	[tilespmem:$0x4F08] =	vst v63  }
0x2e: {  	s30 =	simm.s32 $0x1688  }
0x2f: {  	[spmem:s2] =	stream.indirect.scatter.add.f32 [tilespmem:s13], [sflag:$0x7], $0x8, s30, s14, $0xb8;
	[tilespmem:$0x4F08] =	vst v63  }
0x30: {  	s31 =	simm.s32 $0x1708  }
0x31: {  	[spmem:s2] =	stream.indirect.scatter.add.f32 [tilespmem:s13], [sflag:$0x8], $0x8, s31, s14, $0xb8;
	[tilespmem:$0x4F08] =	vst v63  }
0x32: {  	_ =	swait.ge [sflag:s15], $0x3E8  }
0x33: {  	[sflag:s15] =	ssyncset.done $0x0  }
0x34: {  	[sflag:s15] =	ssyncadd.s32 $0xFFFFFC18  }
0x35: {  	_ =	swait.ge [sflag:s16], $0x3E8  }
0x36: {  	[sflag:s16] =	ssyncset.done $0x0  }
0x37: {  	[sflag:s16] =	ssyncadd.s32 $0xFFFFFC18  }
0x38: {  	_ =	swait.ge [sflag:s17], $0x3E8  }
0x39: {  	[sflag:s17] =	ssyncset.done $0x0  }
0x3a: {  	[sflag:s17] =	ssyncadd.s32 $0xFFFFFC18  }
0x3b: {  	_ =	swait.ge [sflag:s18], $0x3E8  }
0x3c: {  	[sflag:s18] =	ssyncset.done $0x0  }
0x3d: {  	[sflag:s18] =	ssyncadd.s32 $0xFFFFFC18  }
0x3e: {  	_ =	swait.ge [sflag:s19], $0x3E8  }
0x3f: {  	[sflag:s19] =	ssyncset.done $0x0  }
0x40: {  	[sflag:s19] =	ssyncadd.s32 $0xFFFFFC18  }
0x41: {  	_ =	swait.ge [sflag:s20], $0x3E8  }
0x42: {  	[sflag:s20] =	ssyncset.done $0x0  }
0x43: {  	[sflag:s20] =	ssyncadd.s32 $0xFFFFFC18  }
0x44: {  	_ =	swait.ge [sflag:s21], $0x3E8  }
0x45: {  	[sflag:s21] =	ssyncset.done $0x0  }
0x46: {  	[sflag:s21] =	ssyncadd.s32 $0xFFFFFC18  }
0x47: {  	_ =	swait.ge [sflag:s22], $0x3E8  }
0x48: {  	s28 =	simm.s32 $0x2000;
	s26 =	simm.s32 $0x400;
	[sflag:s22] =	ssyncset.done $0x0  }
.LBB2_2:
0x49: {  	s29 =	sadd.s32 $0x1388, s26  }
0x4a: {  	[sflag:s22] =	ssyncadd.s32 $0xFFFFFC18;
	s25 =	smov.u32 s28;
	s24 =	sadd.s32 $0x1000, s28  }
0x4b: {  	[spmem:s2] =	stream.indirect.scatter.add.f32 [tilespmem:s13], [sflag:$0x1], $0x8, s29, s14, $0xb8;
	[tilespmem:$0x4F08] =	vst v63  }
0x4c: {  	p1 =	sne.s32 s28, $0x9000;
	s28 =	sadd.s32 $0x1408, s26  }
0x4d: {  	[spmem:s2] =	stream.indirect.scatter.add.f32 [tilespmem:s13], [sflag:$0x2], $0x8, s28, s14, $0xb8;
	[tilespmem:$0x4F08] =	vst v63  }
0x4e: {  	s28 =	sadd.s32 $0x1488, s26  }
0x4f: {  	[spmem:s2] =	stream.indirect.scatter.add.f32 [tilespmem:s13], [sflag:$0x3], $0x8, s28, s14, $0xb8;
	[tilespmem:$0x4F08] =	vst v63  }
0x50: {  	s28 =	sadd.s32 $0x1508, s26  }
0x51: {  	[spmem:s2] =	stream.indirect.scatter.add.f32 [tilespmem:s13], [sflag:$0x4], $0x8, s28, s14, $0xb8;
	[tilespmem:$0x4F08] =	vst v63  }
0x52: {  	s28 =	sadd.s32 $0x1588, s26  }
0x53: {  	[spmem:s2] =	stream.indirect.scatter.add.f32 [tilespmem:s13], [sflag:$0x5], $0x8, s28, s14, $0xb8;
	[tilespmem:$0x4F08] =	vst v63  }
0x54: {  	s28 =	sadd.s32 $0x1608, s26  }
0x55: {  	[spmem:s2] =	stream.indirect.scatter.add.f32 [tilespmem:s13], [sflag:$0x6], $0x8, s28, s14, $0xb8;
	[tilespmem:$0x4F08] =	vst v63  }
0x56: {  	s28 =	sadd.s32 $0x1688, s26  }
0x57: {  	[spmem:s2] =	stream.indirect.scatter.add.f32 [tilespmem:s13], [sflag:$0x7], $0x8, s28, s14, $0xb8;
	[tilespmem:$0x4F08] =	vst v63  }
0x58: {  	s26 =	sadd.s32 $0x1708, s26  }
0x59: {  	[spmem:s2] =	stream.indirect.scatter.add.f32 [tilespmem:s13], [sflag:$0x8], $0x8, s26, s14, $0xb8;
	[tilespmem:$0x4F08] =	vst v63  }
0x5a: {  	_ =	swait.ge [sflag:s15], $0x3E8  }
0x5b: {  	[sflag:s15] =	ssyncset.done $0x0  }
0x5c: {  	[sflag:s15] =	ssyncadd.s32 $0xFFFFFC18  }
0x5d: {  	_ =	swait.ge [sflag:s16], $0x3E8  }
0x5e: {  	[sflag:s16] =	ssyncset.done $0x0  }
0x5f: {  	[sflag:s16] =	ssyncadd.s32 $0xFFFFFC18  }
0x60: {  	_ =	swait.ge [sflag:s17], $0x3E8  }
0x61: {  	[sflag:s17] =	ssyncset.done $0x0  }
0x62: {  	[sflag:s17] =	ssyncadd.s32 $0xFFFFFC18  }
0x63: {  	_ =	swait.ge [sflag:s18], $0x3E8  }
0x64: {  	[sflag:s18] =	ssyncset.done $0x0  }
0x65: {  	[sflag:s18] =	ssyncadd.s32 $0xFFFFFC18  }
0x66: {  	_ =	swait.ge [sflag:s19], $0x3E8  }
0x67: {  	[sflag:s19] =	ssyncset.done $0x0  }
0x68: {  	[sflag:s19] =	ssyncadd.s32 $0xFFFFFC18  }
0x69: {  	_ =	swait.ge [sflag:s20], $0x3E8  }
0x6a: {  	[sflag:s20] =	ssyncset.done $0x0  }
0x6b: {  	[sflag:s20] =	ssyncadd.s32 $0xFFFFFC18  }
.Ltmp0:
0x6c: {  	_ =	swait.ge [sflag:s21], $0x3E8;
	(pc) =	sbr.rel @p1 .LBB2_2-.Ltmp0, $4  }
0x6d: {  	[sflag:s21] =	ssyncset.done $0x0  }
0x6e: {  	[sflag:s21] =	ssyncadd.s32 $0xFFFFFC18  }
0x6f: {  	_ =	swait.ge [sflag:s22], $0x3E8  }
0x70: {  	s28 =	smov.u32 s24;
	s26 =	sshra.s32 s25, $0x2;
	[sflag:s22] =	ssyncset.done $0x0  }
0x71: {  	s24 =	sadd.s32 $0x1388, s26;
	[sflag:s22] =	ssyncadd.s32 $0xFFFFFC18  }
0x72: {  	[spmem:s2] =	stream.indirect.scatter.add.f32 [tilespmem:s13], [sflag:$0x1], $0x8, s24, s14, $0xb8;
	[tilespmem:$0x4F08] =	vst v63  }
0x73: {  	s29 =	sadd.s32 $0x1408, s26  }
0x74: {  	[spmem:s2] =	stream.indirect.scatter.add.f32 [tilespmem:s13], [sflag:$0x2], $0x8, s29, s14, $0xb8;
	[tilespmem:$0x4F08] =	vst v63  }
0x75: {  	s30 =	sadd.s32 $0x1488, s26  }
0x76: {  	[spmem:s2] =	stream.indirect.scatter.add.f32 [tilespmem:s13], [sflag:$0x3], $0x8, s30, s14, $0xb8;
	[tilespmem:$0x4F08] =	vst v63  }
0x77: {  	s31 =	sadd.s32 $0x1508, s26  }
0x78: {  	[spmem:s2] =	stream.indirect.scatter.add.f32 [tilespmem:s13], [sflag:$0x4], $0x8, s31, s14, $0xb8;
	[tilespmem:$0x4F08] =	vst v63  }
0x79: {  	s25 =	sadd.s32 $0x1588, s26  }
0x7a: {  	[spmem:s2] =	stream.indirect.scatter.add.f32 [tilespmem:s13], [sflag:$0x5], $0x8, s25, s14, $0xb8;
	[tilespmem:$0x4F08] =	vst v63  }
0x7b: {  	s28 =	sadd.s32 $0x1608, s26  }
0x7c: {  	[spmem:s2] =	stream.indirect.scatter.add.f32 [tilespmem:s13], [sflag:$0x6], $0x8, s28, s14, $0xb8;
	[tilespmem:$0x4F08] =	vst v63  }
0x7d: {  	s29 =	sadd.s32 $0x1688, s26  }
0x7e: {  	[spmem:s2] =	stream.indirect.scatter.add.f32 [tilespmem:s13], [sflag:$0x7], $0x8, s29, s14, $0xb8;
	[tilespmem:$0x4F08] =	vst v63  }
0x7f: {  	s30 =	sadd.s32 $0x1708, s26  }
0x80: {  	[spmem:s2] =	stream.indirect.scatter.add.f32 [tilespmem:s13], [sflag:$0x8], $0x8, s30, s14, $0xb8;
	[tilespmem:$0x4F08] =	vst v63  }
0x81: {  	_ =	swait.ge [sflag:s15], $0x3E8  }
0x82: {  	[sflag:s15] =	ssyncset.done $0x0  }
0x83: {  	[sflag:s15] =	ssyncadd.s32 $0xFFFFFC18  }
0x84: {  	_ =	swait.ge [sflag:s16], $0x3E8  }
0x85: {  	[sflag:s16] =	ssyncset.done $0x0  }
0x86: {  	[sflag:s16] =	ssyncadd.s32 $0xFFFFFC18  }
0x87: {  	_ =	swait.ge [sflag:s17], $0x3E8  }
0x88: {  	[sflag:s17] =	ssyncset.done $0x0  }
0x89: {  	[sflag:s17] =	ssyncadd.s32 $0xFFFFFC18  }
0x8a: {  	_ =	swait.ge [sflag:s18], $0x3E8  }
0x8b: {  	[sflag:s18] =	ssyncset.done $0x0  }
0x8c: {  	[sflag:s18] =	ssyncadd.s32 $0xFFFFFC18  }
0x8d: {  	_ =	swait.ge [sflag:s19], $0x3E8  }
0x8e: {  	[sflag:s19] =	ssyncset.done $0x0  }
0x8f: {  	[sflag:s19] =	ssyncadd.s32 $0xFFFFFC18  }
0x90: {  	_ =	swait.ge [sflag:s20], $0x3E8  }
0x91: {  	[sflag:s20] =	ssyncset.done $0x0  }
0x92: {  	[sflag:s20] =	ssyncadd.s32 $0xFFFFFC18  }
0x93: {  	_ =	swait.ge [sflag:s21], $0x3E8  }
0x94: {  	[sflag:s21] =	ssyncset.done $0x0  }
0x95: {  	[sflag:s21] =	ssyncadd.s32 $0xFFFFFC18  }
0x96: {  	_ =	swait.ge [sflag:s22], $0x3E8  }
0x97: {  	[sflag:s22] =	ssyncset.done $0x0  }
0x98: {  	s31 =	sshll.u32 s1, $0x6;
	[sflag:s22] =	ssyncadd.s32 $0xFFFFFC18  }
0x99: {  	s24 =	sor.u32 $0x1C09, s31;
	s25 =	sshrl.u32 s6, $0x3;
	[bflag:$0x0] =	sbarrier.arrive $0xFFFF  }
0x9a: {  	[hbm:s8], [sflag:s24] =	dma.local [spmem:s25], $0x270  }
0x9b: {  	_ =	swait.ge [sflag:s12], $0x270  }
0x9c: {  	s23 =	sadd.s32 $0x1, s23;
	[sflag:s12] =	ssyncset.done $0x0  }
0x9d: {  	p1 =	sne.s32 s23, s10;
	s25 =	sshrl.u32 @!p0 s7, $0x3;
	[sflag:s12] =	ssyncadd.s32 $0xFFFFFD90  }
0x9e: {  	[hbm:s9], [sflag:s24] =	dma.local @!p0 [spmem:s25], $0x10  }
.Ltmp1:
0x9f: {  	_ = 	snop;
	(pc) =	sbr.rel @p1 .LBB2_1-.Ltmp1, $4  }
0xa0: {  	s24 =	simm.s32 @!p0 $0x9  }
0xa1: {  	_ =	swait.ge @!p0 [sflag:s24], $0x10  }
0xa2: {  	[sflag:s24] =	ssyncset.done @!p0 $0x0  }
0xa3: {  	[sflag:s24] =	ssyncadd.s32 @!p0 $0xFFFFFFF0  }
0xa4: {  	_ =	sfence.sel $0x180000  }
0xa5: {  	[bflag:$0x0] =	sbarrier.arrive $0xFFFF  }
0xa6: {  	_ =	strace $0x90000047  }
0xa7: {  	s0 =	sadd.s32 @!p0 $0x100000, s0;
	[bflag:$0x2] =	sbarrier.arrive $0xFFFF  }
0xa8: {  	[sflag:s0] =	ssyncadd.tile.s32 @!p0 $0x1;
	_ =	shalt  }
.Lfunc_end2:
_tile_overlayer_lowered:
.L_overlay_start_2:
0xa9: {  	(tag) =	ssettag $0x2  }
0xaa: {  	s0 =	rddreg [dreg:$0x0];
	s2 =	stileid.u32  }
0xab: {  	s1 =	rddreg [dreg:$0x1];
	p0 =	sne.s32 s2, $0x0  }
0xac: {  	s3 =	rddreg [dreg:$0x2];
	[bflag:$0x3] =	sbarrier.arrive $0xFFFF;
	s2 =	simm.s32 @!p0 $0x1C09  }
0xad: {  	[timem:s3], [sflag:s2] =	dma.local @!p0 [hbm:s0], s1  }
0xae: {  	s0 =	simm.s32 @!p0 $0x9  }
0xaf: {  	_ =	swait.ge @!p0 [sflag:s0], s1  }
0xb0: {  	s1 =	ssub.s32 @!p0 $0x0, s1;
	[sflag:s0] =	ssyncset.done @!p0 $0x0  }
0xb1: {  	[sflag:s0] =	ssyncadd.s32 @!p0 s1  }
0xb2: {  	[bflag:$0x3] =	sbarrier.arrive $0xFFFF  }
0xb3: {  	_ =	shalt  }

</sc_bundles>
